<compile_context>
chip_gen: v7x
topology: tpu7x:2x2x1
jax: 0.10.2.dev20260603
libtpu: 0.0.44.dev20260713+nightly
codegen_flags: <defaults>
</compile_context>

<pallas_src>
import functools
import math

import jax
import jax.numpy as jnp
from jax import lax
from jax.experimental import pallas as pl
from jax.experimental.pallas import tpu as pltpu
from jax.experimental.pallas import tpu_sc as plsc

N_NODES = 10000
NP = 10240
NPT = NP // 16
E_EDGES = 320000
CHUNK = 128
E_PAD = ((E_EDGES + 32 * CHUNK - 1) // (32 * CHUNK)) * (32 * CHUNK)
EPT = E_PAD // 16
NCHUNK = EPT // CHUNK
EPT2 = E_PAD // 32
NCHUNK2 = EPT2 // CHUNK

_E = math.exp(1.0)
A_COEF = (_E + 1.0) * 1.0 / (_E - 1.0)
C_COEF = -1.0 / (_E - 1.0) + 0.5

_MESH = plsc.VectorSubcoreMesh(core_axis_name="c", subcore_axis_name="s")


_SEG_OUT = [jax.ShapeDtypeStruct((NP, 128), jnp.float32),
            jax.ShapeDtypeStruct((NP, 128), jnp.float32)]


def _seg_scratch():
    return [
        pltpu.VMEM((CHUNK,), jnp.int32),
        pltpu.VMEM((CHUNK,), jnp.int32),
        pltpu.VMEM((CHUNK, 128), jnp.float32),
        pltpu.VMEM_SHARED((NP, 128), jnp.float32),
        pltpu.SemaphoreType.DMA,
    ]


def _seg_init(y_ref, acc, dbuf, s):
    def chunk(k, _):
        base = s * NPT + k * CHUNK
        pltpu.sync_copy(y_ref.at[pl.ds(base, CHUNK), :], dbuf)
        pltpu.sync_copy(dbuf, acc.at[pl.ds(base, CHUNK), :])
        return 0
    lax.fori_loop(0, NPT // CHUNK, chunk, 0)


def _seg_scatter(y_ref, ef, acc, dbuf, ibr, ibc, sem, base_e, nchunk):
    def chunk(j, _):
        off = base_e + j * CHUNK
        pltpu.sync_copy(ef.at[pl.ds(off, CHUNK)], ibr)
        pltpu.sync_copy(ef.at[pl.ds(E_PAD + off, CHUNK)], ibc)
        pltpu.async_copy(y_ref.at[ibr], dbuf, sem).wait()
        pltpu.sync_copy(dbuf, acc.at[ibc], add=True)
        return 0
    lax.fori_loop(0, nchunk, chunk, 0)


def _seg_readout(out_ref, acc, dbuf, s):
    def chunk(k, _):
        base = s * NPT + k * CHUNK
        pltpu.sync_copy(acc.at[pl.ds(base, CHUNK), :], dbuf)
        pltpu.sync_copy(dbuf, out_ref.at[pl.ds(base, CHUNK), :])
        return 0
    lax.fori_loop(0, NPT // CHUNK, chunk, 0)


@functools.partial(pl.kernel, out_type=_SEG_OUT, mesh=_MESH,
                   scratch_types=_seg_scratch())
def _segsum_two_streams(y0, y1, ef0, ef1, out0, out1, ibr, ibc, dbuf, acc,
                        sem):
    c = lax.axis_index("c")
    s = lax.axis_index("s")

    def run(y_ref, ef_ref, out_ref):
        _seg_init(y_ref, acc, dbuf, s)
        plsc.subcore_barrier()
        _seg_scatter(y_ref, ef_ref, acc, dbuf, ibr, ibc, sem, s * EPT,
                     NCHUNK)
        plsc.subcore_barrier()
        _seg_readout(out_ref, acc, dbuf, s)

    @pl.when(c == 0)
    def _():
        run(y0, ef0, out0)

    @pl.when(c == 1)
    def _():
        run(y1, ef1, out1)


@functools.partial(pl.kernel, out_type=_SEG_OUT, mesh=_MESH,
                   scratch_types=_seg_scratch())
def _segsum_pair(y0, y1, ef, out0, out1, ibr, ibc, dbuf, acc, sem):
    c = lax.axis_index("c")
    s = lax.axis_index("s")

    def run(y_ref, out_ref):
        _seg_init(y_ref, acc, dbuf, s)
        plsc.subcore_barrier()
        _seg_scatter(y_ref, ef, acc, dbuf, ibr, ibc, sem, s * EPT, NCHUNK)
        plsc.subcore_barrier()
        _seg_readout(out_ref, acc, dbuf, s)

    @pl.when(c == 0)
    def _():
        run(y0, out0)

    @pl.when(c == 1)
    def _():
        run(y1, out1)


def _prep_body(cr_ref, cc_ref, x_ref, pv_ref, y_ref, d1_ref, d2_ref):
    d1 = lax.rsqrt(cr_ref[...])
    d2 = lax.rsqrt(cc_ref[...])
    x = x_ref[...]
    m = jnp.where(pv_ref[...] > 0.0, A_COEF * x + C_COEF, x)
    y_ref[...] = d1 * m
    d1_ref[...] = d1
    d2_ref[...] = d2


def _tc_prep(cnt_r, cnt_c, x_p, priv_f):
    rb = 1024
    grid = (NP // rb,)
    return pl.pallas_call(
        _prep_body,
        grid=grid,
        in_specs=[
            pl.BlockSpec((rb, 1), lambda i: (i, 0)),
            pl.BlockSpec((rb, 1), lambda i: (i, 0)),
            pl.BlockSpec((rb, 128), lambda i: (i, 0)),
            pl.BlockSpec((rb, 1), lambda i: (i, 0)),
        ],
        out_specs=[
            pl.BlockSpec((rb, 128), lambda i: (i, 0)),
            pl.BlockSpec((rb, 1), lambda i: (i, 0)),
            pl.BlockSpec((rb, 1), lambda i: (i, 0)),
        ],
        out_shape=[
            jax.ShapeDtypeStruct((NP, 128), jnp.float32),
            jax.ShapeDtypeStruct((NP, 1), jnp.float32),
            jax.ShapeDtypeStruct((NP, 1), jnp.float32),
        ],
    )(cnt_r, cnt_c, x_p, priv_f)


def _dense_body(a0_ref, d1_ref, d2_ref, w1_ref, b1_ref, wmu_ref,
                wlv_ref, omu_ref, olv_ref):
    h0 = d1_ref[...] * a0_ref[...]
    h = jnp.maximum(
        jnp.dot(h0, w1_ref[...], preferred_element_type=jnp.float32)
        + b1_ref[...], 0.0)
    d2 = d2_ref[...]
    omu_ref[...] = d2 * jnp.dot(h, wmu_ref[...],
                                preferred_element_type=jnp.float32)
    olv_ref[...] = d2 * jnp.dot(h, wlv_ref[...],
                                preferred_element_type=jnp.float32)


def _tc_dense(a0, dis1, dis2, W1, b1, Wmu, Wlv):
    rb = 1024
    grid = (NP // rb,)
    return pl.pallas_call(
        _dense_body,
        grid=grid,
        in_specs=[
            pl.BlockSpec((rb, 128), lambda i: (i, 0)),
            pl.BlockSpec((rb, 1), lambda i: (i, 0)),
            pl.BlockSpec((rb, 1), lambda i: (i, 0)),
            pl.BlockSpec((128, 256), lambda i: (0, 0)),
            pl.BlockSpec((1, 256), lambda i: (0, 0)),
            pl.BlockSpec((256, 128), lambda i: (0, 0)),
            pl.BlockSpec((256, 128), lambda i: (0, 0)),
        ],
        out_specs=[
            pl.BlockSpec((rb, 128), lambda i: (i, 0)),
            pl.BlockSpec((rb, 128), lambda i: (i, 0)),
        ],
        out_shape=[
            jax.ShapeDtypeStruct((NP, 128), jnp.float32),
            jax.ShapeDtypeStruct((NP, 128), jnp.float32),
        ],
    )(a0, dis1, dis2, W1, b1, Wmu, Wlv)


def _final_body(amu_ref, alv_ref, d2_ref, bmu_ref, blv_ref, mu_ref, lv_ref):
    d2 = d2_ref[...]
    mu_ref[...] = d2 * amu_ref[...] + bmu_ref[...]
    lv_ref[...] = d2 * alv_ref[...] + blv_ref[...]


def _tc_final(amu, alv, dis2, bmu, blv):
    rb = 1024
    grid = (NP // rb,)
    return pl.pallas_call(
        _final_body,
        grid=grid,
        in_specs=[
            pl.BlockSpec((rb, 128), lambda i: (i, 0)),
            pl.BlockSpec((rb, 128), lambda i: (i, 0)),
            pl.BlockSpec((rb, 1), lambda i: (i, 0)),
            pl.BlockSpec((1, 128), lambda i: (0, 0)),
            pl.BlockSpec((1, 128), lambda i: (0, 0)),
        ],
        out_specs=[
            pl.BlockSpec((rb, 128), lambda i: (i, 0)),
            pl.BlockSpec((rb, 128), lambda i: (i, 0)),
        ],
        out_shape=[
            jax.ShapeDtypeStruct((NP, 128), jnp.float32),
            jax.ShapeDtypeStruct((NP, 128), jnp.float32),
        ],
    )(amu, alv, dis2, bmu, blv)


def kernel(x, W1, b1, Wmu, bmu, Wlv, blv, edge_index, priv_mask):
    n = x.shape[0]
    e = edge_index.shape[1]
    pad_e = jnp.full((2, E_PAD - e), n, dtype=edge_index.dtype)
    ei_p = jnp.concatenate([edge_index, pad_e], axis=1)
    ef = ei_p.reshape(-1)
    ef_sw = ei_p[::-1].reshape(-1)
    x_p = jnp.pad(x, ((0, NP - n), (0, 0)))
    priv_f = jnp.pad(priv_mask.astype(jnp.float32), ((0, NP - n), (0, 0)))
    ones = jnp.ones((NP, 128), jnp.float32)

    deg_r, deg_c = _segsum_two_streams(ones, ones, ef_sw, ef)

    y, dis1, dis2 = _tc_prep(deg_r[:, :1], deg_c[:, :1], x_p, priv_f)
    a0, _ = _segsum_pair(y, y, ef)
    wmu_a, wlv_a = _tc_dense(a0, dis1, dis2, W1, b1.reshape(1, -1),
                             Wmu, Wlv)
    amu, alv = _segsum_pair(wmu_a, wlv_a, ef)
    mu_p, lv_p = _tc_final(amu, alv, dis2, bmu.reshape(1, -1),
                           blv.reshape(1, -1))
    return mu_p[:n], lv_p[:n]

# --- scband reference (transcript-rebuilt; emitter-appended) ---
"""Pipeline reference for scband-graph-encoder-4312147165259 (READ-ONLY COPY).

The authoritative reference and input builder live on the scoring server;
editing this copy changes nothing except your own understanding.
"""

import jax, jax.numpy as jnp
import numpy as np
import math

EPS = 1.0
ALPHA = 0.5
DELTA = 1.0


def _add_self_loops(edge_index, num_nodes):
    loop = jnp.arange(num_nodes, dtype=edge_index.dtype)
    return jnp.concatenate([edge_index, jnp.stack([loop, loop])], axis=1)


def _gcn_conv(h, W, b, row, col, num_nodes):
    hw = h @ W
    deg = jax.ops.segment_sum(jnp.ones(row.shape[0], dtype=h.dtype), col, num_segments=num_nodes)
    dis = jnp.where(deg > 0, deg ** -0.5, 0.0)
    norm = (dis[row] * dis[col])[:, None]
    out = jax.ops.segment_sum(norm * hw[row], col, num_segments=num_nodes)
    return out + b


def setup_inputs(seed: int = 0):
    key = jax.random.key(seed)
    ks = jax.random.split(key, 10)
    N, E, D, O = 10000, 320000, 128, 128
    x = jax.random.normal(ks[0], (N, D), dtype=jnp.float32)
    edge_index = jax.random.randint(ks[1], (2, E), 0, N, dtype=jnp.int32)
    priv_mask = jax.random.randint(ks[2], (N, 1), 0, 2, dtype=jnp.int32) > 0
    W1 = jax.random.normal(ks[3], (D, 2 * O), dtype=jnp.float32) * (1.0 / math.sqrt(D))
    b1 = jnp.zeros((2 * O,), dtype=jnp.float32)
    Wmu = jax.random.normal(ks[4], (2 * O, O), dtype=jnp.float32) * (1.0 / math.sqrt(2 * O))
    bmu = jnp.zeros((O,), dtype=jnp.float32)
    Wlv = jax.random.normal(ks[5], (2 * O, O), dtype=jnp.float32) * (1.0 / math.sqrt(2 * O))
    blv = jnp.zeros((O,), dtype=jnp.float32)
    return {"x": x, "W1": W1, "b1": b1, "Wmu": Wmu, "bmu": bmu, "Wlv": Wlv, "blv": blv, "edge_index": edge_index, "priv_mask": priv_mask}


def reference(x, W1, b1, Wmu, bmu, Wlv, blv, edge_index, priv_mask):
    n = x.shape[0]
    ei = _add_self_loops(edge_index, n)
    row, col = ei[0], ei[1]
    # GConvDP norm: degree computed over row (as in original code)
    deg = jax.ops.segment_sum(jnp.ones(row.shape[0], dtype=x.dtype), row, num_segments=n)
    dis = jnp.where(deg > 0, deg ** -0.5, 0.0)
    norm = (dis[row] * dis[col])[:, None]
    x_j = x[row]
    p_j = priv_mask[row]
    e = math.exp(EPS)
    priv_branch = ((e + 1.0) * x_j - 1.0) * DELTA / (e - 1.0) + ALPHA
    msg = norm * jnp.where(p_j, priv_branch, x_j)
    h = jax.ops.segment_sum(msg, col, num_segments=n)
    h = jnp.maximum(h @ W1 + b1, 0.0)
    mu = _gcn_conv(h, Wmu, bmu, row, col, n)
    logvar = _gcn_conv(h, Wlv, blv, row, col, n)
    return (mu, logvar)

if __name__ == "__main__":
    import jax
    _d = setup_inputs()
    print(jax.jit(kernel)(*tuple(_d.values())))

</pallas_src>

<mosaic_0001>
#map = affine_map<(d0, d1) -> (0, 0)>
#map1 = affine_map<(d0, d1) -> (0)>
module attributes {stable_mosaic.version = 14 : i64} {
  func.func @_segsum_two_streams(%arg0: i32, %arg1: i32, %arg2: memref<10240x128xf32, #tpu.memory_space<hbm>>, %arg3: memref<10240x128xf32, #tpu.memory_space<hbm>>, %arg4: memref<647168xi32, #tpu.memory_space<hbm>>, %arg5: memref<647168xi32, #tpu.memory_space<hbm>>, %arg6: memref<10240x128xf32, #tpu.memory_space<hbm>>, %arg7: memref<10240x128xf32, #tpu.memory_space<hbm>>, %arg8: memref<128xi32, #tpu.memory_space<vmem>>, %arg9: memref<128xi32, #tpu.memory_space<vmem>>, %arg10: memref<128x128xf32, #tpu.memory_space<vmem>>, %arg11: memref<10240x128xf32, #tpu.memory_space<vmem_shared>>, %arg12: memref<!tpu.dma_semaphore, #tpu.memory_space<semaphore_mem>>) attributes {dimension_semantics = [#tpu.dimension_semantics<core_parallel>, #tpu.dimension_semantics<subcore_parallel>], iteration_bounds = array<i64: 2, 16>, scalar_prefetch = 0 : i64, scratch_operands = 5 : i64, tpu.core_type = #tpu.core_type<sc_vector_subcore>, window_params = [{transform_indices = #map}, {transform_indices = #map}, {transform_indices = #map1}, {transform_indices = #map1}, {transform_indices = #map}, {transform_indices = #map}]} {
    %eq3A = arith.constant 0 : i32
    %eq3A_0 = arith.cmpi eq, %arg0, %eq3A : i32
    %convert_element_type3A = arith.extui %eq3A_0 : i1 to i32
    %cond3A = arith.constant 0 : i32
    %cond3A_1 = arith.cmpi ne, %convert_element_type3A, %cond3A : i32
    scf.if %cond3A_1 {
      %scan3A = arith.constant 0 : i32
      %scan3A_7 = arith.constant 0 : i32
      %scan3A_8 = arith.constant 5 : i32
      %scan3A_9 = arith.addi %scan3A_7, %scan3A_8 : i32
      %scan3A_10 = arith.constant 1 : i32
      %scan3A_11 = scf.for %scan3A_29 = %scan3A_7 to %scan3A_9 step %scan3A_10 iter_args(%scan3A_30 = %scan3A) -> (i32)  : i32 {
        %mul3A_31 = arith.constant 640 : i32
        %mul3A_32 = arith.muli %arg1, %mul3A_31 : i32
        %mul3A_33 = arith.constant 128 : i32
        %mul3A_34 = arith.muli %scan3A_29, %mul3A_33 : i32
        %add3A = arith.addi %mul3A_32, %mul3A_34 : i32
        "tpu.region"() ({
          %run_scoped3A = tpu.sem_alloc : memref<!tpu.dma_semaphore, #tpu.memory_space<semaphore_mem>>
          %dma_start3A = arith.constant 0 : i32
          %dma_start3A_36 = tpu.memref_slice %arg2[%add3A, %dma_start3A] : memref<10240x128xf32, #tpu.memory_space<hbm>> -> memref<128x128xf32, #tpu.memory_space<hbm>>
          %dma_start3A_37 = arith.constant 0 : i32
          %dma_start3A_38 = tpu.memref_slice %arg2[%add3A, %dma_start3A_37] : memref<10240x128xf32, #tpu.memory_space<hbm>> -> memref<128x128xf32, #tpu.memory_space<hbm>>
          tpu.enqueue_dma source(%dma_start3A_38 : memref<128x128xf32, #tpu.memory_space<hbm>>) target(%arg10 : memref<128x128xf32, #tpu.memory_space<vmem>>) target_semaphore(%run_scoped3A : memref<!tpu.dma_semaphore, #tpu.memory_space<semaphore_mem>>)
          %dma_wait3A = arith.constant 0 : i32
          %dma_wait3A_39 = tpu.memref_slice %arg2[%add3A, %dma_wait3A] : memref<10240x128xf32, #tpu.memory_space<hbm>> -> memref<128x128xf32, #tpu.memory_space<hbm>>
          %dma_wait3A_40 = arith.constant 0 : i32
          %dma_wait3A_41 = tpu.memref_slice %arg2[%add3A, %dma_wait3A_40] : memref<10240x128xf32, #tpu.memory_space<hbm>> -> memref<128x128xf32, #tpu.memory_space<hbm>>
          tpu.wait_dma2 semaphore(%run_scoped3A : memref<!tpu.dma_semaphore, #tpu.memory_space<semaphore_mem>>) src(%dma_wait3A_41 : memref<128x128xf32, #tpu.memory_space<hbm>>) dst(%arg10 : memref<128x128xf32, #tpu.memory_space<vmem>>)
          tpu.yield
        }) : () -> ()
        "tpu.region"() ({
          %run_scoped3A = tpu.sem_alloc : memref<!tpu.dma_semaphore, #tpu.memory_space<semaphore_mem>>
          %dma_start3A = arith.constant 0 : i32
          %dma_start3A_36 = tpu.memref_slice %arg11[%add3A, %dma_start3A] : memref<10240x128xf32, #tpu.memory_space<vmem_shared>> -> memref<128x128xf32, #tpu.memory_space<vmem_shared>>
          %dma_start3A_37 = arith.constant 0 : i32
          %dma_start3A_38 = tpu.memref_slice %arg11[%add3A, %dma_start3A_37] : memref<10240x128xf32, #tpu.memory_space<vmem_shared>> -> memref<128x128xf32, #tpu.memory_space<vmem_shared>>
          tpu.enqueue_dma source(%arg10 : memref<128x128xf32, #tpu.memory_space<vmem>>) target(%dma_start3A_38 : memref<128x128xf32, #tpu.memory_space<vmem_shared>>) target_semaphore(%run_scoped3A : memref<!tpu.dma_semaphore, #tpu.memory_space<semaphore_mem>>)
          %dma_wait3A = arith.constant 0 : i32
          %dma_wait3A_39 = tpu.memref_slice %arg11[%add3A, %dma_wait3A] : memref<10240x128xf32, #tpu.memory_space<vmem_shared>> -> memref<128x128xf32, #tpu.memory_space<vmem_shared>>
          %dma_wait3A_40 = arith.constant 0 : i32
          %dma_wait3A_41 = tpu.memref_slice %arg11[%add3A, %dma_wait3A_40] : memref<10240x128xf32, #tpu.memory_space<vmem_shared>> -> memref<128x128xf32, #tpu.memory_space<vmem_shared>>
          tpu.wait_dma2 semaphore(%run_scoped3A : memref<!tpu.dma_semaphore, #tpu.memory_space<semaphore_mem>>) src(%arg10 : memref<128x128xf32, #tpu.memory_space<vmem>>) dst(%dma_wait3A_41 : memref<128x128xf32, #tpu.memory_space<vmem_shared>>)
          tpu.yield
        }) : () -> ()
        %scan3A_35 = arith.constant 0 : i32
        scf.yield %scan3A_35 : i32
      }
      %scan3A_12 = arith.constant 5 : i32
      %barrier3A = arith.constant 0 : index
      tpu.barrier barrier_id(%barrier3A)
      %mul3A = arith.constant 20224 : i32
      %mul3A_13 = arith.muli %arg1, %mul3A : i32
      %scan3A_14 = arith.constant 0 : i32
      %scan3A_15 = arith.constant 0 : i32
      %scan3A_16 = arith.constant 158 : i32
      %scan3A_17 = arith.addi %scan3A_15, %scan3A_16 : i32
      %scan3A_18 = arith.constant 1 : i32
      %scan3A_19 = scf.for %scan3A_29 = %scan3A_15 to %scan3A_17 step %scan3A_18 iter_args(%scan3A_30 = %scan3A_14) -> (i32)  : i32 {
        %mul3A_31 = arith.constant 128 : i32
        %mul3A_32 = arith.muli %scan3A_29, %mul3A_31 : i32
        %add3A = arith.addi %mul3A_13, %mul3A_32 : i32
        "tpu.region"() ({
          %run_scoped3A = tpu.sem_alloc : memref<!tpu.dma_semaphore, #tpu.memory_space<semaphore_mem>>
          %dma_start3A_40 = tpu.memref_slice %arg4[%add3A] : memref<647168xi32, #tpu.memory_space<hbm>> -> memref<128xi32, #tpu.memory_space<hbm>>
          %dma_start3A_41 = tpu.memref_slice %arg4[%add3A] : memref<647168xi32, #tpu.memory_space<hbm>> -> memref<128xi32, #tpu.memory_space<hbm>>
          tpu.enqueue_dma source(%dma_start3A_41 : memref<128xi32, #tpu.memory_space<hbm>>) target(%arg8 : memref<128xi32, #tpu.memory_space<vmem>>) target_semaphore(%run_scoped3A : memref<!tpu.dma_semaphore, #tpu.memory_space<semaphore_mem>>)
          %dma_wait3A_42 = tpu.memref_slice %arg4[%add3A] : memref<647168xi32, #tpu.memory_space<hbm>> -> memref<128xi32, #tpu.memory_space<hbm>>
          %dma_wait3A_43 = tpu.memref_slice %arg4[%add3A] : memref<647168xi32, #tpu.memory_space<hbm>> -> memref<128xi32, #tpu.memory_space<hbm>>
          tpu.wait_dma2 semaphore(%run_scoped3A : memref<!tpu.dma_semaphore, #tpu.memory_space<semaphore_mem>>) src(%dma_wait3A_43 : memref<128xi32, #tpu.memory_space<hbm>>) dst(%arg8 : memref<128xi32, #tpu.memory_space<vmem>>)
          tpu.yield
        }) : () -> ()
        %add3A_33 = arith.constant 323584 : i32
        %add3A_34 = arith.addi %add3A_33, %add3A : i32
        "tpu.region"() ({
          %run_scoped3A = tpu.sem_alloc : memref<!tpu.dma_semaphore, #tpu.memory_space<semaphore_mem>>
          %dma_start3A_40 = tpu.memref_slice %arg4[%add3A_34] : memref<647168xi32, #tpu.memory_space<hbm>> -> memref<128xi32, #tpu.memory_space<hbm>>
          %dma_start3A_41 = tpu.memref_slice %arg4[%add3A_34] : memref<647168xi32, #tpu.memory_space<hbm>> -> memref<128xi32, #tpu.memory_space<hbm>>
          tpu.enqueue_dma source(%dma_start3A_41 : memref<128xi32, #tpu.memory_space<hbm>>) target(%arg9 : memref<128xi32, #tpu.memory_space<vmem>>) target_semaphore(%run_scoped3A : memref<!tpu.dma_semaphore, #tpu.memory_space<semaphore_mem>>)
          %dma_wait3A_42 = tpu.memref_slice %arg4[%add3A_34] : memref<647168xi32, #tpu.memory_space<hbm>> -> memref<128xi32, #tpu.memory_space<hbm>>
          %dma_wait3A_43 = tpu.memref_slice %arg4[%add3A_34] : memref<647168xi32, #tpu.memory_space<hbm>> -> memref<128xi32, #tpu.memory_space<hbm>>
          tpu.wait_dma2 semaphore(%run_scoped3A : memref<!tpu.dma_semaphore, #tpu.memory_space<semaphore_mem>>) src(%dma_wait3A_43 : memref<128xi32, #tpu.memory_space<hbm>>) dst(%arg9 : memref<128xi32, #tpu.memory_space<vmem>>)
          tpu.yield
        }) : () -> ()
        %dma_start3A = arith.constant 0 : i32
        %dma_start3A_35 = arith.constant 0 : i32
        %dma_start3A_36 = tpu.memref_slice %arg2[%dma_start3A, %dma_start3A_35] : memref<10240x128xf32, #tpu.memory_space<hbm>> -> memref<10240x128xf32, #tpu.memory_space<hbm>>
        tpu.enqueue_indirect_dma source(%dma_start3A_36 : memref<10240x128xf32, #tpu.memory_space<hbm>>) target(%arg10 : memref<128x128xf32, #tpu.memory_space<vmem>>) offsets(%arg8 : memref<128xi32, #tpu.memory_space<vmem>>) semaphore(%arg12 : memref<!tpu.dma_semaphore, #tpu.memory_space<semaphore_mem>>)
        %dma_wait3A = arith.constant 0 : i32
        %dma_wait3A_37 = arith.constant 0 : i32
        %dma_wait3A_38 = tpu.memref_slice %arg2[%dma_wait3A, %dma_wait3A_37] : memref<10240x128xf32, #tpu.memory_space<hbm>> -> memref<10240x128xf32, #tpu.memory_space<hbm>>
        tpu.wait_indirect_dma semaphore(%arg12 : memref<!tpu.dma_semaphore, #tpu.memory_space<semaphore_mem>>) src(%dma_wait3A_38 : memref<10240x128xf32, #tpu.memory_space<hbm>>) dst(%arg10 : memref<128x128xf32, #tpu.memory_space<vmem>>)
        "tpu.region"() ({
          %run_scoped3A = tpu.sem_alloc : memref<!tpu.dma_semaphore, #tpu.memory_space<semaphore_mem>>
          %dma_start3A_40 = arith.constant 0 : i32
          %dma_start3A_41 = arith.constant 0 : i32
          %dma_start3A_42 = tpu.memref_slice %arg11[%dma_start3A_40, %dma_start3A_41] : memref<10240x128xf32, #tpu.memory_space<vmem_shared>> -> memref<10240x128xf32, #tpu.memory_space<vmem_shared>>
          tpu.enqueue_indirect_dma source(%arg10 : memref<128x128xf32, #tpu.memory_space<vmem>>) target(%dma_start3A_42 : memref<10240x128xf32, #tpu.memory_space<vmem_shared>>) offsets(%arg9 : memref<128xi32, #tpu.memory_space<vmem>>) semaphore(%run_scoped3A : memref<!tpu.dma_semaphore, #tpu.memory_space<semaphore_mem>>) {add = true}
          %dma_wait3A_43 = arith.constant 0 : i32
          %dma_wait3A_44 = arith.constant 0 : i32
          %dma_wait3A_45 = tpu.memref_slice %arg11[%dma_wait3A_43, %dma_wait3A_44] : memref<10240x128xf32, #tpu.memory_space<vmem_shared>> -> memref<10240x128xf32, #tpu.memory_space<vmem_shared>>
          tpu.wait_indirect_dma semaphore(%run_scoped3A : memref<!tpu.dma_semaphore, #tpu.memory_space<semaphore_mem>>) src(%arg10 : memref<128x128xf32, #tpu.memory_space<vmem>>) dst(%dma_wait3A_45 : memref<10240x128xf32, #tpu.memory_space<vmem_shared>>)
          tpu.yield
        }) : () -> ()
        %scan3A_39 = arith.constant 0 : i32
        scf.yield %scan3A_39 : i32
      }
      %scan3A_20 = arith.constant 158 : i32
      %barrier3A_21 = arith.constant 0 : index
      tpu.barrier barrier_id(%barrier3A_21)
      %scan3A_22 = arith.constant 0 : i32
      %scan3A_23 = arith.constant 0 : i32
      %scan3A_24 = arith.constant 5 : i32
      %scan3A_25 = arith.addi %scan3A_23, %scan3A_24 : i32
      %scan3A_26 = arith.constant 1 : i32
      %scan3A_27 = scf.for %scan3A_29 = %scan3A_23 to %scan3A_25 step %scan3A_26 iter_args(%scan3A_30 = %scan3A_22) -> (i32)  : i32 {
        %mul3A_31 = arith.constant 640 : i32
        %mul3A_32 = arith.muli %arg1, %mul3A_31 : i32
        %mul3A_33 = arith.constant 128 : i32
        %mul3A_34 = arith.muli %scan3A_29, %mul3A_33 : i32
        %add3A = arith.addi %mul3A_32, %mul3A_34 : i32
        "tpu.region"() ({
          %run_scoped3A = tpu.sem_alloc : memref<!tpu.dma_semaphore, #tpu.memory_space<semaphore_mem>>
          %dma_start3A = arith.constant 0 : i32
          %dma_start3A_36 = tpu.memref_slice %arg11[%add3A, %dma_start3A] : memref<10240x128xf32, #tpu.memory_space<vmem_shared>> -> memref<128x128xf32, #tpu.memory_space<vmem_shared>>
          %dma_start3A_37 = arith.constant 0 : i32
          %dma_start3A_38 = tpu.memref_slice %arg11[%add3A, %dma_start3A_37] : memref<10240x128xf32, #tpu.memory_space<vmem_shared>> -> memref<128x128xf32, #tpu.memory_space<vmem_shared>>
          tpu.enqueue_dma source(%dma_start3A_38 : memref<128x128xf32, #tpu.memory_space<vmem_shared>>) target(%arg10 : memref<128x128xf32, #tpu.memory_space<vmem>>) target_semaphore(%run_scoped3A : memref<!tpu.dma_semaphore, #tpu.memory_space<semaphore_mem>>)
          %dma_wait3A = arith.constant 0 : i32
          %dma_wait3A_39 = tpu.memref_slice %arg11[%add3A, %dma_wait3A] : memref<10240x128xf32, #tpu.memory_space<vmem_shared>> -> memref<128x128xf32, #tpu.memory_space<vmem_shared>>
          %dma_wait3A_40 = arith.constant 0 : i32
          %dma_wait3A_41 = tpu.memref_slice %arg11[%add3A, %dma_wait3A_40] : memref<10240x128xf32, #tpu.memory_space<vmem_shared>> -> memref<128x128xf32, #tpu.memory_space<vmem_shared>>
          tpu.wait_dma2 semaphore(%run_scoped3A : memref<!tpu.dma_semaphore, #tpu.memory_space<semaphore_mem>>) src(%dma_wait3A_41 : memref<128x128xf32, #tpu.memory_space<vmem_shared>>) dst(%arg10 : memref<128x128xf32, #tpu.memory_space<vmem>>)
          tpu.yield
        }) : () -> ()
        "tpu.region"() ({
          %run_scoped3A = tpu.sem_alloc : memref<!tpu.dma_semaphore, #tpu.memory_space<semaphore_mem>>
          %dma_start3A = arith.constant 0 : i32
          %dma_start3A_36 = tpu.memref_slice %arg6[%add3A, %dma_start3A] : memref<10240x128xf32, #tpu.memory_space<hbm>> -> memref<128x128xf32, #tpu.memory_space<hbm>>
          %dma_start3A_37 = arith.constant 0 : i32
          %dma_start3A_38 = tpu.memref_slice %arg6[%add3A, %dma_start3A_37] : memref<10240x128xf32, #tpu.memory_space<hbm>> -> memref<128x128xf32, #tpu.memory_space<hbm>>
          tpu.enqueue_dma source(%arg10 : memref<128x128xf32, #tpu.memory_space<vmem>>) target(%dma_start3A_38 : memref<128x128xf32, #tpu.memory_space<hbm>>) target_semaphore(%run_scoped3A : memref<!tpu.dma_semaphore, #tpu.memory_space<semaphore_mem>>)
          %dma_wait3A = arith.constant 0 : i32
          %dma_wait3A_39 = tpu.memref_slice %arg6[%add3A, %dma_wait3A] : memref<10240x128xf32, #tpu.memory_space<hbm>> -> memref<128x128xf32, #tpu.memory_space<hbm>>
          %dma_wait3A_40 = arith.constant 0 : i32
          %dma_wait3A_41 = tpu.memref_slice %arg6[%add3A, %dma_wait3A_40] : memref<10240x128xf32, #tpu.memory_space<hbm>> -> memref<128x128xf32, #tpu.memory_space<hbm>>
          tpu.wait_dma2 semaphore(%run_scoped3A : memref<!tpu.dma_semaphore, #tpu.memory_space<semaphore_mem>>) src(%arg10 : memref<128x128xf32, #tpu.memory_space<vmem>>) dst(%dma_wait3A_41 : memref<128x128xf32, #tpu.memory_space<hbm>>)
          tpu.yield
        }) : () -> ()
        %scan3A_35 = arith.constant 0 : i32
        scf.yield %scan3A_35 : i32
      }
      %scan3A_28 = arith.constant 5 : i32
    } else {
    }
    %eq3A_2 = arith.constant 1 : i32
    %eq3A_3 = arith.cmpi eq, %arg0, %eq3A_2 : i32
    %convert_element_type3A_4 = arith.extui %eq3A_3 : i1 to i32
    %cond3A_5 = arith.constant 0 : i32
    %cond3A_6 = arith.cmpi ne, %convert_element_type3A_4, %cond3A_5 : i32
    scf.if %cond3A_6 {
      %scan3A = arith.constant 0 : i32
      %scan3A_7 = arith.constant 0 : i32
      %scan3A_8 = arith.constant 5 : i32
      %scan3A_9 = arith.addi %scan3A_7, %scan3A_8 : i32
      %scan3A_10 = arith.constant 1 : i32
      %scan3A_11 = scf.for %scan3A_29 = %scan3A_7 to %scan3A_9 step %scan3A_10 iter_args(%scan3A_30 = %scan3A) -> (i32)  : i32 {
        %mul3A_31 = arith.constant 640 : i32
        %mul3A_32 = arith.muli %arg1, %mul3A_31 : i32
        %mul3A_33 = arith.constant 128 : i32
        %mul3A_34 = arith.muli %scan3A_29, %mul3A_33 : i32
        %add3A = arith.addi %mul3A_32, %mul3A_34 : i32
        "tpu.region"() ({
          %run_scoped3A = tpu.sem_alloc : memref<!tpu.dma_semaphore, #tpu.memory_space<semaphore_mem>>
          %dma_start3A = arith.constant 0 : i32
          %dma_start3A_36 = tpu.memref_slice %arg3[%add3A, %dma_start3A] : memref<10240x128xf32, #tpu.memory_space<hbm>> -> memref<128x128xf32, #tpu.memory_space<hbm>>
          %dma_start3A_37 = arith.constant 0 : i32
          %dma_start3A_38 = tpu.memref_slice %arg3[%add3A, %dma_start3A_37] : memref<10240x128xf32, #tpu.memory_space<hbm>> -> memref<128x128xf32, #tpu.memory_space<hbm>>
          tpu.enqueue_dma source(%dma_start3A_38 : memref<128x128xf32, #tpu.memory_space<hbm>>) target(%arg10 : memref<128x128xf32, #tpu.memory_space<vmem>>) target_semaphore(%run_scoped3A : memref<!tpu.dma_semaphore, #tpu.memory_space<semaphore_mem>>)
          %dma_wait3A = arith.constant 0 : i32
          %dma_wait3A_39 = tpu.memref_slice %arg3[%add3A, %dma_wait3A] : memref<10240x128xf32, #tpu.memory_space<hbm>> -> memref<128x128xf32, #tpu.memory_space<hbm>>
          %dma_wait3A_40 = arith.constant 0 : i32
          %dma_wait3A_41 = tpu.memref_slice %arg3[%add3A, %dma_wait3A_40] : memref<10240x128xf32, #tpu.memory_space<hbm>> -> memref<128x128xf32, #tpu.memory_space<hbm>>
          tpu.wait_dma2 semaphore(%run_scoped3A : memref<!tpu.dma_semaphore, #tpu.memory_space<semaphore_mem>>) src(%dma_wait3A_41 : memref<128x128xf32, #tpu.memory_space<hbm>>) dst(%arg10 : memref<128x128xf32, #tpu.memory_space<vmem>>)
          tpu.yield
        }) : () -> ()
        "tpu.region"() ({
          %run_scoped3A = tpu.sem_alloc : memref<!tpu.dma_semaphore, #tpu.memory_space<semaphore_mem>>
          %dma_start3A = arith.constant 0 : i32
          %dma_start3A_36 = tpu.memref_slice %arg11[%add3A, %dma_start3A] : memref<10240x128xf32, #tpu.memory_space<vmem_shared>> -> memref<128x128xf32, #tpu.memory_space<vmem_shared>>
          %dma_start3A_37 = arith.constant 0 : i32
          %dma_start3A_38 = tpu.memref_slice %arg11[%add3A, %dma_start3A_37] : memref<10240x128xf32, #tpu.memory_space<vmem_shared>> -> memref<128x128xf32, #tpu.memory_space<vmem_shared>>
          tpu.enqueue_dma source(%arg10 : memref<128x128xf32, #tpu.memory_space<vmem>>) target(%dma_start3A_38 : memref<128x128xf32, #tpu.memory_space<vmem_shared>>) target_semaphore(%run_scoped3A : memref<!tpu.dma_semaphore, #tpu.memory_space<semaphore_mem>>)
          %dma_wait3A = arith.constant 0 : i32
          %dma_wait3A_39 = tpu.memref_slice %arg11[%add3A, %dma_wait3A] : memref<10240x128xf32, #tpu.memory_space<vmem_shared>> -> memref<128x128xf32, #tpu.memory_space<vmem_shared>>
          %dma_wait3A_40 = arith.constant 0 : i32
          %dma_wait3A_41 = tpu.memref_slice %arg11[%add3A, %dma_wait3A_40] : memref<10240x128xf32, #tpu.memory_space<vmem_shared>> -> memref<128x128xf32, #tpu.memory_space<vmem_shared>>
          tpu.wait_dma2 semaphore(%run_scoped3A : memref<!tpu.dma_semaphore, #tpu.memory_space<semaphore_mem>>) src(%arg10 : memref<128x128xf32, #tpu.memory_space<vmem>>) dst(%dma_wait3A_41 : memref<128x128xf32, #tpu.memory_space<vmem_shared>>)
          tpu.yield
        }) : () -> ()
        %scan3A_35 = arith.constant 0 : i32
        scf.yield %scan3A_35 : i32
      }
      %scan3A_12 = arith.constant 5 : i32
      %barrier3A = arith.constant 0 : index
      tpu.barrier barrier_id(%barrier3A)
      %mul3A = arith.constant 20224 : i32
      %mul3A_13 = arith.muli %arg1, %mul3A : i32
      %scan3A_14 = arith.constant 0 : i32
      %scan3A_15 = arith.constant 0 : i32
      %scan3A_16 = arith.constant 158 : i32
      %scan3A_17 = arith.addi %scan3A_15, %scan3A_16 : i32
      %scan3A_18 = arith.constant 1 : i32
      %scan3A_19 = scf.for %scan3A_29 = %scan3A_15 to %scan3A_17 step %scan3A_18 iter_args(%scan3A_30 = %scan3A_14) -> (i32)  : i32 {
        %mul3A_31 = arith.constant 128 : i32
        %mul3A_32 = arith.muli %scan3A_29, %mul3A_31 : i32
        %add3A = arith.addi %mul3A_13, %mul3A_32 : i32
        "tpu.region"() ({
          %run_scoped3A = tpu.sem_alloc : memref<!tpu.dma_semaphore, #tpu.memory_space<semaphore_mem>>
          %dma_start3A_40 = tpu.memref_slice %arg5[%add3A] : memref<647168xi32, #tpu.memory_space<hbm>> -> memref<128xi32, #tpu.memory_space<hbm>>
          %dma_start3A_41 = tpu.memref_slice %arg5[%add3A] : memref<647168xi32, #tpu.memory_space<hbm>> -> memref<128xi32, #tpu.memory_space<hbm>>
          tpu.enqueue_dma source(%dma_start3A_41 : memref<128xi32, #tpu.memory_space<hbm>>) target(%arg8 : memref<128xi32, #tpu.memory_space<vmem>>) target_semaphore(%run_scoped3A : memref<!tpu.dma_semaphore, #tpu.memory_space<semaphore_mem>>)
          %dma_wait3A_42 = tpu.memref_slice %arg5[%add3A] : memref<647168xi32, #tpu.memory_space<hbm>> -> memref<128xi32, #tpu.memory_space<hbm>>
          %dma_wait3A_43 = tpu.memref_slice %arg5[%add3A] : memref<647168xi32, #tpu.memory_space<hbm>> -> memref<128xi32, #tpu.memory_space<hbm>>
          tpu.wait_dma2 semaphore(%run_scoped3A : memref<!tpu.dma_semaphore, #tpu.memory_space<semaphore_mem>>) src(%dma_wait3A_43 : memref<128xi32, #tpu.memory_space<hbm>>) dst(%arg8 : memref<128xi32, #tpu.memory_space<vmem>>)
          tpu.yield
        }) : () -> ()
        %add3A_33 = arith.constant 323584 : i32
        %add3A_34 = arith.addi %add3A_33, %add3A : i32
        "tpu.region"() ({
          %run_scoped3A = tpu.sem_alloc : memref<!tpu.dma_semaphore, #tpu.memory_space<semaphore_mem>>
          %dma_start3A_40 = tpu.memref_slice %arg5[%add3A_34] : memref<647168xi32, #tpu.memory_space<hbm>> -> memref<128xi32, #tpu.memory_space<hbm>>
          %dma_start3A_41 = tpu.memref_slice %arg5[%add3A_34] : memref<647168xi32, #tpu.memory_space<hbm>> -> memref<128xi32, #tpu.memory_space<hbm>>
          tpu.enqueue_dma source(%dma_start3A_41 : memref<128xi32, #tpu.memory_space<hbm>>) target(%arg9 : memref<128xi32, #tpu.memory_space<vmem>>) target_semaphore(%run_scoped3A : memref<!tpu.dma_semaphore, #tpu.memory_space<semaphore_mem>>)
          %dma_wait3A_42 = tpu.memref_slice %arg5[%add3A_34] : memref<647168xi32, #tpu.memory_space<hbm>> -> memref<128xi32, #tpu.memory_space<hbm>>
          %dma_wait3A_43 = tpu.memref_slice %arg5[%add3A_34] : memref<647168xi32, #tpu.memory_space<hbm>> -> memref<128xi32, #tpu.memory_space<hbm>>
          tpu.wait_dma2 semaphore(%run_scoped3A : memref<!tpu.dma_semaphore, #tpu.memory_space<semaphore_mem>>) src(%dma_wait3A_43 : memref<128xi32, #tpu.memory_space<hbm>>) dst(%arg9 : memref<128xi32, #tpu.memory_space<vmem>>)
          tpu.yield
        }) : () -> ()
        %dma_start3A = arith.constant 0 : i32
        %dma_start3A_35 = arith.constant 0 : i32
        %dma_start3A_36 = tpu.memref_slice %arg3[%dma_start3A, %dma_start3A_35] : memref<10240x128xf32, #tpu.memory_space<hbm>> -> memref<10240x128xf32, #tpu.memory_space<hbm>>
        tpu.enqueue_indirect_dma source(%dma_start3A_36 : memref<10240x128xf32, #tpu.memory_space<hbm>>) target(%arg10 : memref<128x128xf32, #tpu.memory_space<vmem>>) offsets(%arg8 : memref<128xi32, #tpu.memory_space<vmem>>) semaphore(%arg12 : memref<!tpu.dma_semaphore, #tpu.memory_space<semaphore_mem>>)
        %dma_wait3A = arith.constant 0 : i32
        %dma_wait3A_37 = arith.constant 0 : i32
        %dma_wait3A_38 = tpu.memref_slice %arg3[%dma_wait3A, %dma_wait3A_37] : memref<10240x128xf32, #tpu.memory_space<hbm>> -> memref<10240x128xf32, #tpu.memory_space<hbm>>
        tpu.wait_indirect_dma semaphore(%arg12 : memref<!tpu.dma_semaphore, #tpu.memory_space<semaphore_mem>>) src(%dma_wait3A_38 : memref<10240x128xf32, #tpu.memory_space<hbm>>) dst(%arg10 : memref<128x128xf32, #tpu.memory_space<vmem>>)
        "tpu.region"() ({
          %run_scoped3A = tpu.sem_alloc : memref<!tpu.dma_semaphore, #tpu.memory_space<semaphore_mem>>
          %dma_start3A_40 = arith.constant 0 : i32
          %dma_start3A_41 = arith.constant 0 : i32
          %dma_start3A_42 = tpu.memref_slice %arg11[%dma_start3A_40, %dma_start3A_41] : memref<10240x128xf32, #tpu.memory_space<vmem_shared>> -> memref<10240x128xf32, #tpu.memory_space<vmem_shared>>
          tpu.enqueue_indirect_dma source(%arg10 : memref<128x128xf32, #tpu.memory_space<vmem>>) target(%dma_start3A_42 : memref<10240x128xf32, #tpu.memory_space<vmem_shared>>) offsets(%arg9 : memref<128xi32, #tpu.memory_space<vmem>>) semaphore(%run_scoped3A : memref<!tpu.dma_semaphore, #tpu.memory_space<semaphore_mem>>) {add = true}
          %dma_wait3A_43 = arith.constant 0 : i32
          %dma_wait3A_44 = arith.constant 0 : i32
          %dma_wait3A_45 = tpu.memref_slice %arg11[%dma_wait3A_43, %dma_wait3A_44] : memref<10240x128xf32, #tpu.memory_space<vmem_shared>> -> memref<10240x128xf32, #tpu.memory_space<vmem_shared>>
          tpu.wait_indirect_dma semaphore(%run_scoped3A : memref<!tpu.dma_semaphore, #tpu.memory_space<semaphore_mem>>) src(%arg10 : memref<128x128xf32, #tpu.memory_space<vmem>>) dst(%dma_wait3A_45 : memref<10240x128xf32, #tpu.memory_space<vmem_shared>>)
          tpu.yield
        }) : () -> ()
        %scan3A_39 = arith.constant 0 : i32
        scf.yield %scan3A_39 : i32
      }
      %scan3A_20 = arith.constant 158 : i32
      %barrier3A_21 = arith.constant 0 : index
      tpu.barrier barrier_id(%barrier3A_21)
      %scan3A_22 = arith.constant 0 : i32
      %scan3A_23 = arith.constant 0 : i32
      %scan3A_24 = arith.constant 5 : i32
      %scan3A_25 = arith.addi %scan3A_23, %scan3A_24 : i32
      %scan3A_26 = arith.constant 1 : i32
      %scan3A_27 = scf.for %scan3A_29 = %scan3A_23 to %scan3A_25 step %scan3A_26 iter_args(%scan3A_30 = %scan3A_22) -> (i32)  : i32 {
        %mul3A_31 = arith.constant 640 : i32
        %mul3A_32 = arith.muli %arg1, %mul3A_31 : i32
        %mul3A_33 = arith.constant 128 : i32
        %mul3A_34 = arith.muli %scan3A_29, %mul3A_33 : i32
        %add3A = arith.addi %mul3A_32, %mul3A_34 : i32
        "tpu.region"() ({
          %run_scoped3A = tpu.sem_alloc : memref<!tpu.dma_semaphore, #tpu.memory_space<semaphore_mem>>
          %dma_start3A = arith.constant 0 : i32
          %dma_start3A_36 = tpu.memref_slice %arg11[%add3A, %dma_start3A] : memref<10240x128xf32, #tpu.memory_space<vmem_shared>> -> memref<128x128xf32, #tpu.memory_space<vmem_shared>>
          %dma_start3A_37 = arith.constant 0 : i32
          %dma_start3A_38 = tpu.memref_slice %arg11[%add3A, %dma_start3A_37] : memref<10240x128xf32, #tpu.memory_space<vmem_shared>> -> memref<128x128xf32, #tpu.memory_space<vmem_shared>>
          tpu.enqueue_dma source(%dma_start3A_38 : memref<128x128xf32, #tpu.memory_space<vmem_shared>>) target(%arg10 : memref<128x128xf32, #tpu.memory_space<vmem>>) target_semaphore(%run_scoped3A : memref<!tpu.dma_semaphore, #tpu.memory_space<semaphore_mem>>)
          %dma_wait3A = arith.constant 0 : i32
          %dma_wait3A_39 = tpu.memref_slice %arg11[%add3A, %dma_wait3A] : memref<10240x128xf32, #tpu.memory_space<vmem_shared>> -> memref<128x128xf32, #tpu.memory_space<vmem_shared>>
          %dma_wait3A_40 = arith.constant 0 : i32
          %dma_wait3A_41 = tpu.memref_slice %arg11[%add3A, %dma_wait3A_40] : memref<10240x128xf32, #tpu.memory_space<vmem_shared>> -> memref<128x128xf32, #tpu.memory_space<vmem_shared>>
          tpu.wait_dma2 semaphore(%run_scoped3A : memref<!tpu.dma_semaphore, #tpu.memory_space<semaphore_mem>>) src(%dma_wait3A_41 : memref<128x128xf32, #tpu.memory_space<vmem_shared>>) dst(%arg10 : memref<128x128xf32, #tpu.memory_space<vmem>>)
          tpu.yield
        }) : () -> ()
        "tpu.region"() ({
          %run_scoped3A = tpu.sem_alloc : memref<!tpu.dma_semaphore, #tpu.memory_space<semaphore_mem>>
          %dma_start3A = arith.constant 0 : i32
          %dma_start3A_36 = tpu.memref_slice %arg7[%add3A, %dma_start3A] : memref<10240x128xf32, #tpu.memory_space<hbm>> -> memref<128x128xf32, #tpu.memory_space<hbm>>
          %dma_start3A_37 = arith.constant 0 : i32
          %dma_start3A_38 = tpu.memref_slice %arg7[%add3A, %dma_start3A_37] : memref<10240x128xf32, #tpu.memory_space<hbm>> -> memref<128x128xf32, #tpu.memory_space<hbm>>
          tpu.enqueue_dma source(%arg10 : memref<128x128xf32, #tpu.memory_space<vmem>>) target(%dma_start3A_38 : memref<128x128xf32, #tpu.memory_space<hbm>>) target_semaphore(%run_scoped3A : memref<!tpu.dma_semaphore, #tpu.memory_space<semaphore_mem>>)
          %dma_wait3A = arith.constant 0 : i32
          %dma_wait3A_39 = tpu.memref_slice %arg7[%add3A, %dma_wait3A] : memref<10240x128xf32, #tpu.memory_space<hbm>> -> memref<128x128xf32, #tpu.memory_space<hbm>>
          %dma_wait3A_40 = arith.constant 0 : i32
          %dma_wait3A_41 = tpu.memref_slice %arg7[%add3A, %dma_wait3A_40] : memref<10240x128xf32, #tpu.memory_space<hbm>> -> memref<128x128xf32, #tpu.memory_space<hbm>>
          tpu.wait_dma2 semaphore(%run_scoped3A : memref<!tpu.dma_semaphore, #tpu.memory_space<semaphore_mem>>) src(%arg10 : memref<128x128xf32, #tpu.memory_space<vmem>>) dst(%dma_wait3A_41 : memref<128x128xf32, #tpu.memory_space<hbm>>)
          tpu.yield
        }) : () -> ()
        %scan3A_35 = arith.constant 0 : i32
        scf.yield %scan3A_35 : i32
      }
      %scan3A_28 = arith.constant 5 : i32
    } else {
    }
    return
  }
}

#map = affine_map<(d0, d1) -> (0, 0)>
#map1 = affine_map<(d0, d1) -> (0)>
module attributes {stable_mosaic.version = 14 : i64} {
  func.func @_segsum_pair(%arg0: i32, %arg1: i32, %arg2: memref<10240x128xf32, #tpu.memory_space<hbm>>, %arg3: memref<10240x128xf32, #tpu.memory_space<hbm>>, %arg4: memref<647168xi32, #tpu.memory_space<hbm>>, %arg5: memref<10240x128xf32, #tpu.memory_space<hbm>>, %arg6: memref<10240x128xf32, #tpu.memory_space<hbm>>, %arg7: memref<128xi32, #tpu.memory_space<vmem>>, %arg8: memref<128xi32, #tpu.memory_space<vmem>>, %arg9: memref<128x128xf32, #tpu.memory_space<vmem>>, %arg10: memref<10240x128xf32, #tpu.memory_space<vmem_shared>>, %arg11: memref<!tpu.dma_semaphore, #tpu.memory_space<semaphore_mem>>) attributes {dimension_semantics = [#tpu.dimension_semantics<core_parallel>, #tpu.dimension_semantics<subcore_parallel>], iteration_bounds = array<i64: 2, 16>, scalar_prefetch = 0 : i64, scratch_operands = 5 : i64, tpu.core_type = #tpu.core_type<sc_vector_subcore>, window_params = [{transform_indices = #map}, {transform_indices = #map}, {transform_indices = #map1}, {transform_indices = #map}, {transform_indices = #map}]} {
    %eq3A = arith.constant 0 : i32
    %eq3A_0 = arith.cmpi eq, %arg0, %eq3A : i32
    %convert_element_type3A = arith.extui %eq3A_0 : i1 to i32
    %cond3A = arith.constant 0 : i32
    %cond3A_1 = arith.cmpi ne, %convert_element_type3A, %cond3A : i32
    scf.if %cond3A_1 {
      %scan3A = arith.constant 0 : i32
      %scan3A_7 = arith.constant 0 : i32
      %scan3A_8 = arith.constant 5 : i32
      %scan3A_9 = arith.addi %scan3A_7, %scan3A_8 : i32
      %scan3A_10 = arith.constant 1 : i32
      %scan3A_11 = scf.for %scan3A_29 = %scan3A_7 to %scan3A_9 step %scan3A_10 iter_args(%scan3A_30 = %scan3A) -> (i32)  : i32 {
        %mul3A_31 = arith.constant 640 : i32
        %mul3A_32 = arith.muli %arg1, %mul3A_31 : i32
        %mul3A_33 = arith.constant 128 : i32
        %mul3A_34 = arith.muli %scan3A_29, %mul3A_33 : i32
        %add3A = arith.addi %mul3A_32, %mul3A_34 : i32
        "tpu.region"() ({
          %run_scoped3A = tpu.sem_alloc : memref<!tpu.dma_semaphore, #tpu.memory_space<semaphore_mem>>
          %dma_start3A = arith.constant 0 : i32
          %dma_start3A_36 = tpu.memref_slice %arg2[%add3A, %dma_start3A] : memref<10240x128xf32, #tpu.memory_space<hbm>> -> memref<128x128xf32, #tpu.memory_space<hbm>>
          %dma_start3A_37 = arith.constant 0 : i32
          %dma_start3A_38 = tpu.memref_slice %arg2[%add3A, %dma_start3A_37] : memref<10240x128xf32, #tpu.memory_space<hbm>> -> memref<128x128xf32, #tpu.memory_space<hbm>>
          tpu.enqueue_dma source(%dma_start3A_38 : memref<128x128xf32, #tpu.memory_space<hbm>>) target(%arg9 : memref<128x128xf32, #tpu.memory_space<vmem>>) target_semaphore(%run_scoped3A : memref<!tpu.dma_semaphore, #tpu.memory_space<semaphore_mem>>)
          %dma_wait3A = arith.constant 0 : i32
          %dma_wait3A_39 = tpu.memref_slice %arg2[%add3A, %dma_wait3A] : memref<10240x128xf32, #tpu.memory_space<hbm>> -> memref<128x128xf32, #tpu.memory_space<hbm>>
          %dma_wait3A_40 = arith.constant 0 : i32
          %dma_wait3A_41 = tpu.memref_slice %arg2[%add3A, %dma_wait3A_40] : memref<10240x128xf32, #tpu.memory_space<hbm>> -> memref<128x128xf32, #tpu.memory_space<hbm>>
          tpu.wait_dma2 semaphore(%run_scoped3A : memref<!tpu.dma_semaphore, #tpu.memory_space<semaphore_mem>>) src(%dma_wait3A_41 : memref<128x128xf32, #tpu.memory_space<hbm>>) dst(%arg9 : memref<128x128xf32, #tpu.memory_space<vmem>>)
          tpu.yield
        }) : () -> ()
        "tpu.region"() ({
          %run_scoped3A = tpu.sem_alloc : memref<!tpu.dma_semaphore, #tpu.memory_space<semaphore_mem>>
          %dma_start3A = arith.constant 0 : i32
          %dma_start3A_36 = tpu.memref_slice %arg10[%add3A, %dma_start3A] : memref<10240x128xf32, #tpu.memory_space<vmem_shared>> -> memref<128x128xf32, #tpu.memory_space<vmem_shared>>
          %dma_start3A_37 = arith.constant 0 : i32
          %dma_start3A_38 = tpu.memref_slice %arg10[%add3A, %dma_start3A_37] : memref<10240x128xf32, #tpu.memory_space<vmem_shared>> -> memref<128x128xf32, #tpu.memory_space<vmem_shared>>
          tpu.enqueue_dma source(%arg9 : memref<128x128xf32, #tpu.memory_space<vmem>>) target(%dma_start3A_38 : memref<128x128xf32, #tpu.memory_space<vmem_shared>>) target_semaphore(%run_scoped3A : memref<!tpu.dma_semaphore, #tpu.memory_space<semaphore_mem>>)
          %dma_wait3A = arith.constant 0 : i32
          %dma_wait3A_39 = tpu.memref_slice %arg10[%add3A, %dma_wait3A] : memref<10240x128xf32, #tpu.memory_space<vmem_shared>> -> memref<128x128xf32, #tpu.memory_space<vmem_shared>>
          %dma_wait3A_40 = arith.constant 0 : i32
          %dma_wait3A_41 = tpu.memref_slice %arg10[%add3A, %dma_wait3A_40] : memref<10240x128xf32, #tpu.memory_space<vmem_shared>> -> memref<128x128xf32, #tpu.memory_space<vmem_shared>>
          tpu.wait_dma2 semaphore(%run_scoped3A : memref<!tpu.dma_semaphore, #tpu.memory_space<semaphore_mem>>) src(%arg9 : memref<128x128xf32, #tpu.memory_space<vmem>>) dst(%dma_wait3A_41 : memref<128x128xf32, #tpu.memory_space<vmem_shared>>)
          tpu.yield
        }) : () -> ()
        %scan3A_35 = arith.constant 0 : i32
        scf.yield %scan3A_35 : i32
      }
      %scan3A_12 = arith.constant 5 : i32
      %barrier3A = arith.constant 0 : index
      tpu.barrier barrier_id(%barrier3A)
      %mul3A = arith.constant 20224 : i32
      %mul3A_13 = arith.muli %arg1, %mul3A : i32
      %scan3A_14 = arith.constant 0 : i32
      %scan3A_15 = arith.constant 0 : i32
      %scan3A_16 = arith.constant 158 : i32
      %scan3A_17 = arith.addi %scan3A_15, %scan3A_16 : i32
      %scan3A_18 = arith.constant 1 : i32
      %scan3A_19 = scf.for %scan3A_29 = %scan3A_15 to %scan3A_17 step %scan3A_18 iter_args(%scan3A_30 = %scan3A_14) -> (i32)  : i32 {
        %mul3A_31 = arith.constant 128 : i32
        %mul3A_32 = arith.muli %scan3A_29, %mul3A_31 : i32
        %add3A = arith.addi %mul3A_13, %mul3A_32 : i32
        "tpu.region"() ({
          %run_scoped3A = tpu.sem_alloc : memref<!tpu.dma_semaphore, #tpu.memory_space<semaphore_mem>>
          %dma_start3A_40 = tpu.memref_slice %arg4[%add3A] : memref<647168xi32, #tpu.memory_space<hbm>> -> memref<128xi32, #tpu.memory_space<hbm>>
          %dma_start3A_41 = tpu.memref_slice %arg4[%add3A] : memref<647168xi32, #tpu.memory_space<hbm>> -> memref<128xi32, #tpu.memory_space<hbm>>
          tpu.enqueue_dma source(%dma_start3A_41 : memref<128xi32, #tpu.memory_space<hbm>>) target(%arg7 : memref<128xi32, #tpu.memory_space<vmem>>) target_semaphore(%run_scoped3A : memref<!tpu.dma_semaphore, #tpu.memory_space<semaphore_mem>>)
          %dma_wait3A_42 = tpu.memref_slice %arg4[%add3A] : memref<647168xi32, #tpu.memory_space<hbm>> -> memref<128xi32, #tpu.memory_space<hbm>>
          %dma_wait3A_43 = tpu.memref_slice %arg4[%add3A] : memref<647168xi32, #tpu.memory_space<hbm>> -> memref<128xi32, #tpu.memory_space<hbm>>
          tpu.wait_dma2 semaphore(%run_scoped3A : memref<!tpu.dma_semaphore, #tpu.memory_space<semaphore_mem>>) src(%dma_wait3A_43 : memref<128xi32, #tpu.memory_space<hbm>>) dst(%arg7 : memref<128xi32, #tpu.memory_space<vmem>>)
          tpu.yield
        }) : () -> ()
        %add3A_33 = arith.constant 323584 : i32
        %add3A_34 = arith.addi %add3A_33, %add3A : i32
        "tpu.region"() ({
          %run_scoped3A = tpu.sem_alloc : memref<!tpu.dma_semaphore, #tpu.memory_space<semaphore_mem>>
          %dma_start3A_40 = tpu.memref_slice %arg4[%add3A_34] : memref<647168xi32, #tpu.memory_space<hbm>> -> memref<128xi32, #tpu.memory_space<hbm>>
          %dma_start3A_41 = tpu.memref_slice %arg4[%add3A_34] : memref<647168xi32, #tpu.memory_space<hbm>> -> memref<128xi32, #tpu.memory_space<hbm>>
          tpu.enqueue_dma source(%dma_start3A_41 : memref<128xi32, #tpu.memory_space<hbm>>) target(%arg8 : memref<128xi32, #tpu.memory_space<vmem>>) target_semaphore(%run_scoped3A : memref<!tpu.dma_semaphore, #tpu.memory_space<semaphore_mem>>)
          %dma_wait3A_42 = tpu.memref_slice %arg4[%add3A_34] : memref<647168xi32, #tpu.memory_space<hbm>> -> memref<128xi32, #tpu.memory_space<hbm>>
          %dma_wait3A_43 = tpu.memref_slice %arg4[%add3A_34] : memref<647168xi32, #tpu.memory_space<hbm>> -> memref<128xi32, #tpu.memory_space<hbm>>
          tpu.wait_dma2 semaphore(%run_scoped3A : memref<!tpu.dma_semaphore, #tpu.memory_space<semaphore_mem>>) src(%dma_wait3A_43 : memref<128xi32, #tpu.memory_space<hbm>>) dst(%arg8 : memref<128xi32, #tpu.memory_space<vmem>>)
          tpu.yield
        }) : () -> ()
        %dma_start3A = arith.constant 0 : i32
        %dma_start3A_35 = arith.constant 0 : i32
        %dma_start3A_36 = tpu.memref_slice %arg2[%dma_start3A, %dma_start3A_35] : memref<10240x128xf32, #tpu.memory_space<hbm>> -> memref<10240x128xf32, #tpu.memory_space<hbm>>
        tpu.enqueue_indirect_dma source(%dma_start3A_36 : memref<10240x128xf32, #tpu.memory_space<hbm>>) target(%arg9 : memref<128x128xf32, #tpu.memory_space<vmem>>) offsets(%arg7 : memref<128xi32, #tpu.memory_space<vmem>>) semaphore(%arg11 : memref<!tpu.dma_semaphore, #tpu.memory_space<semaphore_mem>>)
        %dma_wait3A = arith.constant 0 : i32
        %dma_wait3A_37 = arith.constant 0 : i32
        %dma_wait3A_38 = tpu.memref_slice %arg2[%dma_wait3A, %dma_wait3A_37] : memref<10240x128xf32, #tpu.memory_space<hbm>> -> memref<10240x128xf32, #tpu.memory_space<hbm>>
        tpu.wait_indirect_dma semaphore(%arg11 : memref<!tpu.dma_semaphore, #tpu.memory_space<semaphore_mem>>) src(%dma_wait3A_38 : memref<10240x128xf32, #tpu.memory_space<hbm>>) dst(%arg9 : memref<128x128xf32, #tpu.memory_space<vmem>>)
        "tpu.region"() ({
          %run_scoped3A = tpu.sem_alloc : memref<!tpu.dma_semaphore, #tpu.memory_space<semaphore_mem>>
          %dma_start3A_40 = arith.constant 0 : i32
          %dma_start3A_41 = arith.constant 0 : i32
          %dma_start3A_42 = tpu.memref_slice %arg10[%dma_start3A_40, %dma_start3A_41] : memref<10240x128xf32, #tpu.memory_space<vmem_shared>> -> memref<10240x128xf32, #tpu.memory_space<vmem_shared>>
          tpu.enqueue_indirect_dma source(%arg9 : memref<128x128xf32, #tpu.memory_space<vmem>>) target(%dma_start3A_42 : memref<10240x128xf32, #tpu.memory_space<vmem_shared>>) offsets(%arg8 : memref<128xi32, #tpu.memory_space<vmem>>) semaphore(%run_scoped3A : memref<!tpu.dma_semaphore, #tpu.memory_space<semaphore_mem>>) {add = true}
          %dma_wait3A_43 = arith.constant 0 : i32
          %dma_wait3A_44 = arith.constant 0 : i32
          %dma_wait3A_45 = tpu.memref_slice %arg10[%dma_wait3A_43, %dma_wait3A_44] : memref<10240x128xf32, #tpu.memory_space<vmem_shared>> -> memref<10240x128xf32, #tpu.memory_space<vmem_shared>>
          tpu.wait_indirect_dma semaphore(%run_scoped3A : memref<!tpu.dma_semaphore, #tpu.memory_space<semaphore_mem>>) src(%arg9 : memref<128x128xf32, #tpu.memory_space<vmem>>) dst(%dma_wait3A_45 : memref<10240x128xf32, #tpu.memory_space<vmem_shared>>)
          tpu.yield
        }) : () -> ()
        %scan3A_39 = arith.constant 0 : i32
        scf.yield %scan3A_39 : i32
      }
      %scan3A_20 = arith.constant 158 : i32
      %barrier3A_21 = arith.constant 0 : index
      tpu.barrier barrier_id(%barrier3A_21)
      %scan3A_22 = arith.constant 0 : i32
      %scan3A_23 = arith.constant 0 : i32
      %scan3A_24 = arith.constant 5 : i32
      %scan3A_25 = arith.addi %scan3A_23, %scan3A_24 : i32
      %scan3A_26 = arith.constant 1 : i32
      %scan3A_27 = scf.for %scan3A_29 = %scan3A_23 to %scan3A_25 step %scan3A_26 iter_args(%scan3A_30 = %scan3A_22) -> (i32)  : i32 {
        %mul3A_31 = arith.constant 640 : i32
        %mul3A_32 = arith.muli %arg1, %mul3A_31 : i32
        %mul3A_33 = arith.constant 128 : i32
        %mul3A_34 = arith.muli %scan3A_29, %mul3A_33 : i32
        %add3A = arith.addi %mul3A_32, %mul3A_34 : i32
        "tpu.region"() ({
          %run_scoped3A = tpu.sem_alloc : memref<!tpu.dma_semaphore, #tpu.memory_space<semaphore_mem>>
          %dma_start3A = arith.constant 0 : i32
          %dma_start3A_36 = tpu.memref_slice %arg10[%add3A, %dma_start3A] : memref<10240x128xf32, #tpu.memory_space<vmem_shared>> -> memref<128x128xf32, #tpu.memory_space<vmem_shared>>
          %dma_start3A_37 = arith.constant 0 : i32
          %dma_start3A_38 = tpu.memref_slice %arg10[%add3A, %dma_start3A_37] : memref<10240x128xf32, #tpu.memory_space<vmem_shared>> -> memref<128x128xf32, #tpu.memory_space<vmem_shared>>
          tpu.enqueue_dma source(%dma_start3A_38 : memref<128x128xf32, #tpu.memory_space<vmem_shared>>) target(%arg9 : memref<128x128xf32, #tpu.memory_space<vmem>>) target_semaphore(%run_scoped3A : memref<!tpu.dma_semaphore, #tpu.memory_space<semaphore_mem>>)
          %dma_wait3A = arith.constant 0 : i32
          %dma_wait3A_39 = tpu.memref_slice %arg10[%add3A, %dma_wait3A] : memref<10240x128xf32, #tpu.memory_space<vmem_shared>> -> memref<128x128xf32, #tpu.memory_space<vmem_shared>>
          %dma_wait3A_40 = arith.constant 0 : i32
          %dma_wait3A_41 = tpu.memref_slice %arg10[%add3A, %dma_wait3A_40] : memref<10240x128xf32, #tpu.memory_space<vmem_shared>> -> memref<128x128xf32, #tpu.memory_space<vmem_shared>>
          tpu.wait_dma2 semaphore(%run_scoped3A : memref<!tpu.dma_semaphore, #tpu.memory_space<semaphore_mem>>) src(%dma_wait3A_41 : memref<128x128xf32, #tpu.memory_space<vmem_shared>>) dst(%arg9 : memref<128x128xf32, #tpu.memory_space<vmem>>)
          tpu.yield
        }) : () -> ()
        "tpu.region"() ({
          %run_scoped3A = tpu.sem_alloc : memref<!tpu.dma_semaphore, #tpu.memory_space<semaphore_mem>>
          %dma_start3A = arith.constant 0 : i32
          %dma_start3A_36 = tpu.memref_slice %arg5[%add3A, %dma_start3A] : memref<10240x128xf32, #tpu.memory_space<hbm>> -> memref<128x128xf32, #tpu.memory_space<hbm>>
          %dma_start3A_37 = arith.constant 0 : i32
          %dma_start3A_38 = tpu.memref_slice %arg5[%add3A, %dma_start3A_37] : memref<10240x128xf32, #tpu.memory_space<hbm>> -> memref<128x128xf32, #tpu.memory_space<hbm>>
          tpu.enqueue_dma source(%arg9 : memref<128x128xf32, #tpu.memory_space<vmem>>) target(%dma_start3A_38 : memref<128x128xf32, #tpu.memory_space<hbm>>) target_semaphore(%run_scoped3A : memref<!tpu.dma_semaphore, #tpu.memory_space<semaphore_mem>>)
          %dma_wait3A = arith.constant 0 : i32
          %dma_wait3A_39 = tpu.memref_slice %arg5[%add3A, %dma_wait3A] : memref<10240x128xf32, #tpu.memory_space<hbm>> -> memref<128x128xf32, #tpu.memory_space<hbm>>
          %dma_wait3A_40 = arith.constant 0 : i32
          %dma_wait3A_41 = tpu.memref_slice %arg5[%add3A, %dma_wait3A_40] : memref<10240x128xf32, #tpu.memory_space<hbm>> -> memref<128x128xf32, #tpu.memory_space<hbm>>
          tpu.wait_dma2 semaphore(%run_scoped3A : memref<!tpu.dma_semaphore, #tpu.memory_space<semaphore_mem>>) src(%arg9 : memref<128x128xf32, #tpu.memory_space<vmem>>) dst(%dma_wait3A_41 : memref<128x128xf32, #tpu.memory_space<hbm>>)
          tpu.yield
        }) : () -> ()
        %scan3A_35 = arith.constant 0 : i32
        scf.yield %scan3A_35 : i32
      }
      %scan3A_28 = arith.constant 5 : i32
    } else {
    }
    %eq3A_2 = arith.constant 1 : i32
    %eq3A_3 = arith.cmpi eq, %arg0, %eq3A_2 : i32
    %convert_element_type3A_4 = arith.extui %eq3A_3 : i1 to i32
    %cond3A_5 = arith.constant 0 : i32
    %cond3A_6 = arith.cmpi ne, %convert_element_type3A_4, %cond3A_5 : i32
    scf.if %cond3A_6 {
      %scan3A = arith.constant 0 : i32
      %scan3A_7 = arith.constant 0 : i32
      %scan3A_8 = arith.constant 5 : i32
      %scan3A_9 = arith.addi %scan3A_7, %scan3A_8 : i32
      %scan3A_10 = arith.constant 1 : i32
      %scan3A_11 = scf.for %scan3A_29 = %scan3A_7 to %scan3A_9 step %scan3A_10 iter_args(%scan3A_30 = %scan3A) -> (i32)  : i32 {
        %mul3A_31 = arith.constant 640 : i32
        %mul3A_32 = arith.muli %arg1, %mul3A_31 : i32
        %mul3A_33 = arith.constant 128 : i32
        %mul3A_34 = arith.muli %scan3A_29, %mul3A_33 : i32
        %add3A = arith.addi %mul3A_32, %mul3A_34 : i32
        "tpu.region"() ({
          %run_scoped3A = tpu.sem_alloc : memref<!tpu.dma_semaphore, #tpu.memory_space<semaphore_mem>>
          %dma_start3A = arith.constant 0 : i32
          %dma_start3A_36 = tpu.memref_slice %arg3[%add3A, %dma_start3A] : memref<10240x128xf32, #tpu.memory_space<hbm>> -> memref<128x128xf32, #tpu.memory_space<hbm>>
          %dma_start3A_37 = arith.constant 0 : i32
          %dma_start3A_38 = tpu.memref_slice %arg3[%add3A, %dma_start3A_37] : memref<10240x128xf32, #tpu.memory_space<hbm>> -> memref<128x128xf32, #tpu.memory_space<hbm>>
          tpu.enqueue_dma source(%dma_start3A_38 : memref<128x128xf32, #tpu.memory_space<hbm>>) target(%arg9 : memref<128x128xf32, #tpu.memory_space<vmem>>) target_semaphore(%run_scoped3A : memref<!tpu.dma_semaphore, #tpu.memory_space<semaphore_mem>>)
          %dma_wait3A = arith.constant 0 : i32
          %dma_wait3A_39 = tpu.memref_slice %arg3[%add3A, %dma_wait3A] : memref<10240x128xf32, #tpu.memory_space<hbm>> -> memref<128x128xf32, #tpu.memory_space<hbm>>
          %dma_wait3A_40 = arith.constant 0 : i32
          %dma_wait3A_41 = tpu.memref_slice %arg3[%add3A, %dma_wait3A_40] : memref<10240x128xf32, #tpu.memory_space<hbm>> -> memref<128x128xf32, #tpu.memory_space<hbm>>
          tpu.wait_dma2 semaphore(%run_scoped3A : memref<!tpu.dma_semaphore, #tpu.memory_space<semaphore_mem>>) src(%dma_wait3A_41 : memref<128x128xf32, #tpu.memory_space<hbm>>) dst(%arg9 : memref<128x128xf32, #tpu.memory_space<vmem>>)
          tpu.yield
        }) : () -> ()
        "tpu.region"() ({
          %run_scoped3A = tpu.sem_alloc : memref<!tpu.dma_semaphore, #tpu.memory_space<semaphore_mem>>
          %dma_start3A = arith.constant 0 : i32
          %dma_start3A_36 = tpu.memref_slice %arg10[%add3A, %dma_start3A] : memref<10240x128xf32, #tpu.memory_space<vmem_shared>> -> memref<128x128xf32, #tpu.memory_space<vmem_shared>>
          %dma_start3A_37 = arith.constant 0 : i32
          %dma_start3A_38 = tpu.memref_slice %arg10[%add3A, %dma_start3A_37] : memref<10240x128xf32, #tpu.memory_space<vmem_shared>> -> memref<128x128xf32, #tpu.memory_space<vmem_shared>>
          tpu.enqueue_dma source(%arg9 : memref<128x128xf32, #tpu.memory_space<vmem>>) target(%dma_start3A_38 : memref<128x128xf32, #tpu.memory_space<vmem_shared>>) target_semaphore(%run_scoped3A : memref<!tpu.dma_semaphore, #tpu.memory_space<semaphore_mem>>)
          %dma_wait3A = arith.constant 0 : i32
          %dma_wait3A_39 = tpu.memref_slice %arg10[%add3A, %dma_wait3A] : memref<10240x128xf32, #tpu.memory_space<vmem_shared>> -> memref<128x128xf32, #tpu.memory_space<vmem_shared>>
          %dma_wait3A_40 = arith.constant 0 : i32
          %dma_wait3A_41 = tpu.memref_slice %arg10[%add3A, %dma_wait3A_40] : memref<10240x128xf32, #tpu.memory_space<vmem_shared>> -> memref<128x128xf32, #tpu.memory_space<vmem_shared>>
          tpu.wait_dma2 semaphore(%run_scoped3A : memref<!tpu.dma_semaphore, #tpu.memory_space<semaphore_mem>>) src(%arg9 : memref<128x128xf32, #tpu.memory_space<vmem>>) dst(%dma_wait3A_41 : memref<128x128xf32, #tpu.memory_space<vmem_shared>>)
          tpu.yield
        }) : () -> ()
        %scan3A_35 = arith.constant 0 : i32
        scf.yield %scan3A_35 : i32
      }
      %scan3A_12 = arith.constant 5 : i32
      %barrier3A = arith.constant 0 : index
      tpu.barrier barrier_id(%barrier3A)
      %mul3A = arith.constant 20224 : i32
      %mul3A_13 = arith.muli %arg1, %mul3A : i32
      %scan3A_14 = arith.constant 0 : i32
      %scan3A_15 = arith.constant 0 : i32
      %scan3A_16 = arith.constant 158 : i32
      %scan3A_17 = arith.addi %scan3A_15, %scan3A_16 : i32
      %scan3A_18 = arith.constant 1 : i32
      %scan3A_19 = scf.for %scan3A_29 = %scan3A_15 to %scan3A_17 step %scan3A_18 iter_args(%scan3A_30 = %scan3A_14) -> (i32)  : i32 {
        %mul3A_31 = arith.constant 128 : i32
        %mul3A_32 = arith.muli %scan3A_29, %mul3A_31 : i32
        %add3A = arith.addi %mul3A_13, %mul3A_32 : i32
        "tpu.region"() ({
          %run_scoped3A = tpu.sem_alloc : memref<!tpu.dma_semaphore, #tpu.memory_space<semaphore_mem>>
          %dma_start3A_40 = tpu.memref_slice %arg4[%add3A] : memref<647168xi32, #tpu.memory_space<hbm>> -> memref<128xi32, #tpu.memory_space<hbm>>
          %dma_start3A_41 = tpu.memref_slice %arg4[%add3A] : memref<647168xi32, #tpu.memory_space<hbm>> -> memref<128xi32, #tpu.memory_space<hbm>>
          tpu.enqueue_dma source(%dma_start3A_41 : memref<128xi32, #tpu.memory_space<hbm>>) target(%arg7 : memref<128xi32, #tpu.memory_space<vmem>>) target_semaphore(%run_scoped3A : memref<!tpu.dma_semaphore, #tpu.memory_space<semaphore_mem>>)
          %dma_wait3A_42 = tpu.memref_slice %arg4[%add3A] : memref<647168xi32, #tpu.memory_space<hbm>> -> memref<128xi32, #tpu.memory_space<hbm>>
          %dma_wait3A_43 = tpu.memref_slice %arg4[%add3A] : memref<647168xi32, #tpu.memory_space<hbm>> -> memref<128xi32, #tpu.memory_space<hbm>>
          tpu.wait_dma2 semaphore(%run_scoped3A : memref<!tpu.dma_semaphore, #tpu.memory_space<semaphore_mem>>) src(%dma_wait3A_43 : memref<128xi32, #tpu.memory_space<hbm>>) dst(%arg7 : memref<128xi32, #tpu.memory_space<vmem>>)
          tpu.yield
        }) : () -> ()
        %add3A_33 = arith.constant 323584 : i32
        %add3A_34 = arith.addi %add3A_33, %add3A : i32
        "tpu.region"() ({
          %run_scoped3A = tpu.sem_alloc : memref<!tpu.dma_semaphore, #tpu.memory_space<semaphore_mem>>
          %dma_start3A_40 = tpu.memref_slice %arg4[%add3A_34] : memref<647168xi32, #tpu.memory_space<hbm>> -> memref<128xi32, #tpu.memory_space<hbm>>
          %dma_start3A_41 = tpu.memref_slice %arg4[%add3A_34] : memref<647168xi32, #tpu.memory_space<hbm>> -> memref<128xi32, #tpu.memory_space<hbm>>
          tpu.enqueue_dma source(%dma_start3A_41 : memref<128xi32, #tpu.memory_space<hbm>>) target(%arg8 : memref<128xi32, #tpu.memory_space<vmem>>) target_semaphore(%run_scoped3A : memref<!tpu.dma_semaphore, #tpu.memory_space<semaphore_mem>>)
          %dma_wait3A_42 = tpu.memref_slice %arg4[%add3A_34] : memref<647168xi32, #tpu.memory_space<hbm>> -> memref<128xi32, #tpu.memory_space<hbm>>
          %dma_wait3A_43 = tpu.memref_slice %arg4[%add3A_34] : memref<647168xi32, #tpu.memory_space<hbm>> -> memref<128xi32, #tpu.memory_space<hbm>>
          tpu.wait_dma2 semaphore(%run_scoped3A : memref<!tpu.dma_semaphore, #tpu.memory_space<semaphore_mem>>) src(%dma_wait3A_43 : memref<128xi32, #tpu.memory_space<hbm>>) dst(%arg8 : memref<128xi32, #tpu.memory_space<vmem>>)
          tpu.yield
        }) : () -> ()
        %dma_start3A = arith.constant 0 : i32
        %dma_start3A_35 = arith.constant 0 : i32
        %dma_start3A_36 = tpu.memref_slice %arg3[%dma_start3A, %dma_start3A_35] : memref<10240x128xf32, #tpu.memory_space<hbm>> -> memref<10240x128xf32, #tpu.memory_space<hbm>>
        tpu.enqueue_indirect_dma source(%dma_start3A_36 : memref<10240x128xf32, #tpu.memory_space<hbm>>) target(%arg9 : memref<128x128xf32, #tpu.memory_space<vmem>>) offsets(%arg7 : memref<128xi32, #tpu.memory_space<vmem>>) semaphore(%arg11 : memref<!tpu.dma_semaphore, #tpu.memory_space<semaphore_mem>>)
        %dma_wait3A = arith.constant 0 : i32
        %dma_wait3A_37 = arith.constant 0 : i32
        %dma_wait3A_38 = tpu.memref_slice %arg3[%dma_wait3A, %dma_wait3A_37] : memref<10240x128xf32, #tpu.memory_space<hbm>> -> memref<10240x128xf32, #tpu.memory_space<hbm>>
        tpu.wait_indirect_dma semaphore(%arg11 : memref<!tpu.dma_semaphore, #tpu.memory_space<semaphore_mem>>) src(%dma_wait3A_38 : memref<10240x128xf32, #tpu.memory_space<hbm>>) dst(%arg9 : memref<128x128xf32, #tpu.memory_space<vmem>>)
        "tpu.region"() ({
          %run_scoped3A = tpu.sem_alloc : memref<!tpu.dma_semaphore, #tpu.memory_space<semaphore_mem>>
          %dma_start3A_40 = arith.constant 0 : i32
          %dma_start3A_41 = arith.constant 0 : i32
          %dma_start3A_42 = tpu.memref_slice %arg10[%dma_start3A_40, %dma_start3A_41] : memref<10240x128xf32, #tpu.memory_space<vmem_shared>> -> memref<10240x128xf32, #tpu.memory_space<vmem_shared>>
          tpu.enqueue_indirect_dma source(%arg9 : memref<128x128xf32, #tpu.memory_space<vmem>>) target(%dma_start3A_42 : memref<10240x128xf32, #tpu.memory_space<vmem_shared>>) offsets(%arg8 : memref<128xi32, #tpu.memory_space<vmem>>) semaphore(%run_scoped3A : memref<!tpu.dma_semaphore, #tpu.memory_space<semaphore_mem>>) {add = true}
          %dma_wait3A_43 = arith.constant 0 : i32
          %dma_wait3A_44 = arith.constant 0 : i32
          %dma_wait3A_45 = tpu.memref_slice %arg10[%dma_wait3A_43, %dma_wait3A_44] : memref<10240x128xf32, #tpu.memory_space<vmem_shared>> -> memref<10240x128xf32, #tpu.memory_space<vmem_shared>>
          tpu.wait_indirect_dma semaphore(%run_scoped3A : memref<!tpu.dma_semaphore, #tpu.memory_space<semaphore_mem>>) src(%arg9 : memref<128x128xf32, #tpu.memory_space<vmem>>) dst(%dma_wait3A_45 : memref<10240x128xf32, #tpu.memory_space<vmem_shared>>)
          tpu.yield
        }) : () -> ()
        %scan3A_39 = arith.constant 0 : i32
        scf.yield %scan3A_39 : i32
      }
      %scan3A_20 = arith.constant 158 : i32
      %barrier3A_21 = arith.constant 0 : index
      tpu.barrier barrier_id(%barrier3A_21)
      %scan3A_22 = arith.constant 0 : i32
      %scan3A_23 = arith.constant 0 : i32
      %scan3A_24 = arith.constant 5 : i32
      %scan3A_25 = arith.addi %scan3A_23, %scan3A_24 : i32
      %scan3A_26 = arith.constant 1 : i32
      %scan3A_27 = scf.for %scan3A_29 = %scan3A_23 to %scan3A_25 step %scan3A_26 iter_args(%scan3A_30 = %scan3A_22) -> (i32)  : i32 {
        %mul3A_31 = arith.constant 640 : i32
        %mul3A_32 = arith.muli %arg1, %mul3A_31 : i32
        %mul3A_33 = arith.constant 128 : i32
        %mul3A_34 = arith.muli %scan3A_29, %mul3A_33 : i32
        %add3A = arith.addi %mul3A_32, %mul3A_34 : i32
        "tpu.region"() ({
          %run_scoped3A = tpu.sem_alloc : memref<!tpu.dma_semaphore, #tpu.memory_space<semaphore_mem>>
          %dma_start3A = arith.constant 0 : i32
          %dma_start3A_36 = tpu.memref_slice %arg10[%add3A, %dma_start3A] : memref<10240x128xf32, #tpu.memory_space<vmem_shared>> -> memref<128x128xf32, #tpu.memory_space<vmem_shared>>
          %dma_start3A_37 = arith.constant 0 : i32
          %dma_start3A_38 = tpu.memref_slice %arg10[%add3A, %dma_start3A_37] : memref<10240x128xf32, #tpu.memory_space<vmem_shared>> -> memref<128x128xf32, #tpu.memory_space<vmem_shared>>
          tpu.enqueue_dma source(%dma_start3A_38 : memref<128x128xf32, #tpu.memory_space<vmem_shared>>) target(%arg9 : memref<128x128xf32, #tpu.memory_space<vmem>>) target_semaphore(%run_scoped3A : memref<!tpu.dma_semaphore, #tpu.memory_space<semaphore_mem>>)
          %dma_wait3A = arith.constant 0 : i32
          %dma_wait3A_39 = tpu.memref_slice %arg10[%add3A, %dma_wait3A] : memref<10240x128xf32, #tpu.memory_space<vmem_shared>> -> memref<128x128xf32, #tpu.memory_space<vmem_shared>>
          %dma_wait3A_40 = arith.constant 0 : i32
          %dma_wait3A_41 = tpu.memref_slice %arg10[%add3A, %dma_wait3A_40] : memref<10240x128xf32, #tpu.memory_space<vmem_shared>> -> memref<128x128xf32, #tpu.memory_space<vmem_shared>>
          tpu.wait_dma2 semaphore(%run_scoped3A : memref<!tpu.dma_semaphore, #tpu.memory_space<semaphore_mem>>) src(%dma_wait3A_41 : memref<128x128xf32, #tpu.memory_space<vmem_shared>>) dst(%arg9 : memref<128x128xf32, #tpu.memory_space<vmem>>)
          tpu.yield
        }) : () -> ()
        "tpu.region"() ({
          %run_scoped3A = tpu.sem_alloc : memref<!tpu.dma_semaphore, #tpu.memory_space<semaphore_mem>>
          %dma_start3A = arith.constant 0 : i32
          %dma_start3A_36 = tpu.memref_slice %arg6[%add3A, %dma_start3A] : memref<10240x128xf32, #tpu.memory_space<hbm>> -> memref<128x128xf32, #tpu.memory_space<hbm>>
          %dma_start3A_37 = arith.constant 0 : i32
          %dma_start3A_38 = tpu.memref_slice %arg6[%add3A, %dma_start3A_37] : memref<10240x128xf32, #tpu.memory_space<hbm>> -> memref<128x128xf32, #tpu.memory_space<hbm>>
          tpu.enqueue_dma source(%arg9 : memref<128x128xf32, #tpu.memory_space<vmem>>) target(%dma_start3A_38 : memref<128x128xf32, #tpu.memory_space<hbm>>) target_semaphore(%run_scoped3A : memref<!tpu.dma_semaphore, #tpu.memory_space<semaphore_mem>>)
          %dma_wait3A = arith.constant 0 : i32
          %dma_wait3A_39 = tpu.memref_slice %arg6[%add3A, %dma_wait3A] : memref<10240x128xf32, #tpu.memory_space<hbm>> -> memref<128x128xf32, #tpu.memory_space<hbm>>
          %dma_wait3A_40 = arith.constant 0 : i32
          %dma_wait3A_41 = tpu.memref_slice %arg6[%add3A, %dma_wait3A_40] : memref<10240x128xf32, #tpu.memory_space<hbm>> -> memref<128x128xf32, #tpu.memory_space<hbm>>
          tpu.wait_dma2 semaphore(%run_scoped3A : memref<!tpu.dma_semaphore, #tpu.memory_space<semaphore_mem>>) src(%arg9 : memref<128x128xf32, #tpu.memory_space<vmem>>) dst(%dma_wait3A_41 : memref<128x128xf32, #tpu.memory_space<hbm>>)
          tpu.yield
        }) : () -> ()
        %scan3A_35 = arith.constant 0 : i32
        scf.yield %scan3A_35 : i32
      }
      %scan3A_28 = arith.constant 5 : i32
    } else {
    }
    return
  }
}

#map = affine_map<(d0, d1) -> (0, 0)>
#map1 = affine_map<(d0, d1) -> (0)>
module attributes {stable_mosaic.version = 14 : i64} {
  func.func @_segsum_pair(%arg0: i32, %arg1: i32, %arg2: memref<10240x128xf32, #tpu.memory_space<hbm>>, %arg3: memref<10240x128xf32, #tpu.memory_space<hbm>>, %arg4: memref<647168xi32, #tpu.memory_space<hbm>>, %arg5: memref<10240x128xf32, #tpu.memory_space<hbm>>, %arg6: memref<10240x128xf32, #tpu.memory_space<hbm>>, %arg7: memref<128xi32, #tpu.memory_space<vmem>>, %arg8: memref<128xi32, #tpu.memory_space<vmem>>, %arg9: memref<128x128xf32, #tpu.memory_space<vmem>>, %arg10: memref<10240x128xf32, #tpu.memory_space<vmem_shared>>, %arg11: memref<!tpu.dma_semaphore, #tpu.memory_space<semaphore_mem>>) attributes {dimension_semantics = [#tpu.dimension_semantics<core_parallel>, #tpu.dimension_semantics<subcore_parallel>], iteration_bounds = array<i64: 2, 16>, scalar_prefetch = 0 : i64, scratch_operands = 5 : i64, tpu.core_type = #tpu.core_type<sc_vector_subcore>, window_params = [{transform_indices = #map}, {transform_indices = #map}, {transform_indices = #map1}, {transform_indices = #map}, {transform_indices = #map}]} {
    %eq3A = arith.constant 0 : i32
    %eq3A_0 = arith.cmpi eq, %arg0, %eq3A : i32
    %convert_element_type3A = arith.extui %eq3A_0 : i1 to i32
    %cond3A = arith.constant 0 : i32
    %cond3A_1 = arith.cmpi ne, %convert_element_type3A, %cond3A : i32
    scf.if %cond3A_1 {
      %scan3A = arith.constant 0 : i32
      %scan3A_7 = arith.constant 0 : i32
      %scan3A_8 = arith.constant 5 : i32
      %scan3A_9 = arith.addi %scan3A_7, %scan3A_8 : i32
      %scan3A_10 = arith.constant 1 : i32
      %scan3A_11 = scf.for %scan3A_29 = %scan3A_7 to %scan3A_9 step %scan3A_10 iter_args(%scan3A_30 = %scan3A) -> (i32)  : i32 {
        %mul3A_31 = arith.constant 640 : i32
        %mul3A_32 = arith.muli %arg1, %mul3A_31 : i32
        %mul3A_33 = arith.constant 128 : i32
        %mul3A_34 = arith.muli %scan3A_29, %mul3A_33 : i32
        %add3A = arith.addi %mul3A_32, %mul3A_34 : i32
        "tpu.region"() ({
          %run_scoped3A = tpu.sem_alloc : memref<!tpu.dma_semaphore, #tpu.memory_space<semaphore_mem>>
          %dma_start3A = arith.constant 0 : i32
          %dma_start3A_36 = tpu.memref_slice %arg2[%add3A, %dma_start3A] : memref<10240x128xf32, #tpu.memory_space<hbm>> -> memref<128x128xf32, #tpu.memory_space<hbm>>
          %dma_start3A_37 = arith.constant 0 : i32
          %dma_start3A_38 = tpu.memref_slice %arg2[%add3A, %dma_start3A_37] : memref<10240x128xf32, #tpu.memory_space<hbm>> -> memref<128x128xf32, #tpu.memory_space<hbm>>
          tpu.enqueue_dma source(%dma_start3A_38 : memref<128x128xf32, #tpu.memory_space<hbm>>) target(%arg9 : memref<128x128xf32, #tpu.memory_space<vmem>>) target_semaphore(%run_scoped3A : memref<!tpu.dma_semaphore, #tpu.memory_space<semaphore_mem>>)
          %dma_wait3A = arith.constant 0 : i32
          %dma_wait3A_39 = tpu.memref_slice %arg2[%add3A, %dma_wait3A] : memref<10240x128xf32, #tpu.memory_space<hbm>> -> memref<128x128xf32, #tpu.memory_space<hbm>>
          %dma_wait3A_40 = arith.constant 0 : i32
          %dma_wait3A_41 = tpu.memref_slice %arg2[%add3A, %dma_wait3A_40] : memref<10240x128xf32, #tpu.memory_space<hbm>> -> memref<128x128xf32, #tpu.memory_space<hbm>>
          tpu.wait_dma2 semaphore(%run_scoped3A : memref<!tpu.dma_semaphore, #tpu.memory_space<semaphore_mem>>) src(%dma_wait3A_41 : memref<128x128xf32, #tpu.memory_space<hbm>>) dst(%arg9 : memref<128x128xf32, #tpu.memory_space<vmem>>)
          tpu.yield
        }) : () -> ()
        "tpu.region"() ({
          %run_scoped3A = tpu.sem_alloc : memref<!tpu.dma_semaphore, #tpu.memory_space<semaphore_mem>>
          %dma_start3A = arith.constant 0 : i32
          %dma_start3A_36 = tpu.memref_slice %arg10[%add3A, %dma_start3A] : memref<10240x128xf32, #tpu.memory_space<vmem_shared>> -> memref<128x128xf32, #tpu.memory_space<vmem_shared>>
          %dma_start3A_37 = arith.constant 0 : i32
          %dma_start3A_38 = tpu.memref_slice %arg10[%add3A, %dma_start3A_37] : memref<10240x128xf32, #tpu.memory_space<vmem_shared>> -> memref<128x128xf32, #tpu.memory_space<vmem_shared>>
          tpu.enqueue_dma source(%arg9 : memref<128x128xf32, #tpu.memory_space<vmem>>) target(%dma_start3A_38 : memref<128x128xf32, #tpu.memory_space<vmem_shared>>) target_semaphore(%run_scoped3A : memref<!tpu.dma_semaphore, #tpu.memory_space<semaphore_mem>>)
          %dma_wait3A = arith.constant 0 : i32
          %dma_wait3A_39 = tpu.memref_slice %arg10[%add3A, %dma_wait3A] : memref<10240x128xf32, #tpu.memory_space<vmem_shared>> -> memref<128x128xf32, #tpu.memory_space<vmem_shared>>
          %dma_wait3A_40 = arith.constant 0 : i32
          %dma_wait3A_41 = tpu.memref_slice %arg10[%add3A, %dma_wait3A_40] : memref<10240x128xf32, #tpu.memory_space<vmem_shared>> -> memref<128x128xf32, #tpu.memory_space<vmem_shared>>
          tpu.wait_dma2 semaphore(%run_scoped3A : memref<!tpu.dma_semaphore, #tpu.memory_space<semaphore_mem>>) src(%arg9 : memref<128x128xf32, #tpu.memory_space<vmem>>) dst(%dma_wait3A_41 : memref<128x128xf32, #tpu.memory_space<vmem_shared>>)
          tpu.yield
        }) : () -> ()
        %scan3A_35 = arith.constant 0 : i32
        scf.yield %scan3A_35 : i32
      }
      %scan3A_12 = arith.constant 5 : i32
      %barrier3A = arith.constant 0 : index
      tpu.barrier barrier_id(%barrier3A)
      %mul3A = arith.constant 20224 : i32
      %mul3A_13 = arith.muli %arg1, %mul3A : i32
      %scan3A_14 = arith.constant 0 : i32
      %scan3A_15 = arith.constant 0 : i32
      %scan3A_16 = arith.constant 158 : i32
      %scan3A_17 = arith.addi %scan3A_15, %scan3A_16 : i32
      %scan3A_18 = arith.constant 1 : i32
      %scan3A_19 = scf.for %scan3A_29 = %scan3A_15 to %scan3A_17 step %scan3A_18 iter_args(%scan3A_30 = %scan3A_14) -> (i32)  : i32 {
        %mul3A_31 = arith.constant 128 : i32
        %mul3A_32 = arith.muli %scan3A_29, %mul3A_31 : i32
        %add3A = arith.addi %mul3A_13, %mul3A_32 : i32
        "tpu.region"() ({
          %run_scoped3A = tpu.sem_alloc : memref<!tpu.dma_semaphore, #tpu.memory_space<semaphore_mem>>
          %dma_start3A_40 = tpu.memref_slice %arg4[%add3A] : memref<647168xi32, #tpu.memory_space<hbm>> -> memref<128xi32, #tpu.memory_space<hbm>>
          %dma_start3A_41 = tpu.memref_slice %arg4[%add3A] : memref<647168xi32, #tpu.memory_space<hbm>> -> memref<128xi32, #tpu.memory_space<hbm>>
          tpu.enqueue_dma source(%dma_start3A_41 : memref<128xi32, #tpu.memory_space<hbm>>) target(%arg7 : memref<128xi32, #tpu.memory_space<vmem>>) target_semaphore(%run_scoped3A : memref<!tpu.dma_semaphore, #tpu.memory_space<semaphore_mem>>)
          %dma_wait3A_42 = tpu.memref_slice %arg4[%add3A] : memref<647168xi32, #tpu.memory_space<hbm>> -> memref<128xi32, #tpu.memory_space<hbm>>
          %dma_wait3A_43 = tpu.memref_slice %arg4[%add3A] : memref<647168xi32, #tpu.memory_space<hbm>> -> memref<128xi32, #tpu.memory_space<hbm>>
          tpu.wait_dma2 semaphore(%run_scoped3A : memref<!tpu.dma_semaphore, #tpu.memory_space<semaphore_mem>>) src(%dma_wait3A_43 : memref<128xi32, #tpu.memory_space<hbm>>) dst(%arg7 : memref<128xi32, #tpu.memory_space<vmem>>)
          tpu.yield
        }) : () -> ()
        %add3A_33 = arith.constant 323584 : i32
        %add3A_34 = arith.addi %add3A_33, %add3A : i32
        "tpu.region"() ({
          %run_scoped3A = tpu.sem_alloc : memref<!tpu.dma_semaphore, #tpu.memory_space<semaphore_mem>>
          %dma_start3A_40 = tpu.memref_slice %arg4[%add3A_34] : memref<647168xi32, #tpu.memory_space<hbm>> -> memref<128xi32, #tpu.memory_space<hbm>>
          %dma_start3A_41 = tpu.memref_slice %arg4[%add3A_34] : memref<647168xi32, #tpu.memory_space<hbm>> -> memref<128xi32, #tpu.memory_space<hbm>>
          tpu.enqueue_dma source(%dma_start3A_41 : memref<128xi32, #tpu.memory_space<hbm>>) target(%arg8 : memref<128xi32, #tpu.memory_space<vmem>>) target_semaphore(%run_scoped3A : memref<!tpu.dma_semaphore, #tpu.memory_space<semaphore_mem>>)
          %dma_wait3A_42 = tpu.memref_slice %arg4[%add3A_34] : memref<647168xi32, #tpu.memory_space<hbm>> -> memref<128xi32, #tpu.memory_space<hbm>>
          %dma_wait3A_43 = tpu.memref_slice %arg4[%add3A_34] : memref<647168xi32, #tpu.memory_space<hbm>> -> memref<128xi32, #tpu.memory_space<hbm>>
          tpu.wait_dma2 semaphore(%run_scoped3A : memref<!tpu.dma_semaphore, #tpu.memory_space<semaphore_mem>>) src(%dma_wait3A_43 : memref<128xi32, #tpu.memory_space<hbm>>) dst(%arg8 : memref<128xi32, #tpu.memory_space<vmem>>)
          tpu.yield
        }) : () -> ()
        %dma_start3A = arith.constant 0 : i32
        %dma_start3A_35 = arith.constant 0 : i32
        %dma_start3A_36 = tpu.memref_slice %arg2[%dma_start3A, %dma_start3A_35] : memref<10240x128xf32, #tpu.memory_space<hbm>> -> memref<10240x128xf32, #tpu.memory_space<hbm>>
        tpu.enqueue_indirect_dma source(%dma_start3A_36 : memref<10240x128xf32, #tpu.memory_space<hbm>>) target(%arg9 : memref<128x128xf32, #tpu.memory_space<vmem>>) offsets(%arg7 : memref<128xi32, #tpu.memory_space<vmem>>) semaphore(%arg11 : memref<!tpu.dma_semaphore, #tpu.memory_space<semaphore_mem>>)
        %dma_wait3A = arith.constant 0 : i32
        %dma_wait3A_37 = arith.constant 0 : i32
        %dma_wait3A_38 = tpu.memref_slice %arg2[%dma_wait3A, %dma_wait3A_37] : memref<10240x128xf32, #tpu.memory_space<hbm>> -> memref<10240x128xf32, #tpu.memory_space<hbm>>
        tpu.wait_indirect_dma semaphore(%arg11 : memref<!tpu.dma_semaphore, #tpu.memory_space<semaphore_mem>>) src(%dma_wait3A_38 : memref<10240x128xf32, #tpu.memory_space<hbm>>) dst(%arg9 : memref<128x128xf32, #tpu.memory_space<vmem>>)
        "tpu.region"() ({
          %run_scoped3A = tpu.sem_alloc : memref<!tpu.dma_semaphore, #tpu.memory_space<semaphore_mem>>
          %dma_start3A_40 = arith.constant 0 : i32
          %dma_start3A_41 = arith.constant 0 : i32
          %dma_start3A_42 = tpu.memref_slice %arg10[%dma_start3A_40, %dma_start3A_41] : memref<10240x128xf32, #tpu.memory_space<vmem_shared>> -> memref<10240x128xf32, #tpu.memory_space<vmem_shared>>
          tpu.enqueue_indirect_dma source(%arg9 : memref<128x128xf32, #tpu.memory_space<vmem>>) target(%dma_start3A_42 : memref<10240x128xf32, #tpu.memory_space<vmem_shared>>) offsets(%arg8 : memref<128xi32, #tpu.memory_space<vmem>>) semaphore(%run_scoped3A : memref<!tpu.dma_semaphore, #tpu.memory_space<semaphore_mem>>) {add = true}
          %dma_wait3A_43 = arith.constant 0 : i32
          %dma_wait3A_44 = arith.constant 0 : i32
          %dma_wait3A_45 = tpu.memref_slice %arg10[%dma_wait3A_43, %dma_wait3A_44] : memref<10240x128xf32, #tpu.memory_space<vmem_shared>> -> memref<10240x128xf32, #tpu.memory_space<vmem_shared>>
          tpu.wait_indirect_dma semaphore(%run_scoped3A : memref<!tpu.dma_semaphore, #tpu.memory_space<semaphore_mem>>) src(%arg9 : memref<128x128xf32, #tpu.memory_space<vmem>>) dst(%dma_wait3A_45 : memref<10240x128xf32, #tpu.memory_space<vmem_shared>>)
          tpu.yield
        }) : () -> ()
        %scan3A_39 = arith.constant 0 : i32
        scf.yield %scan3A_39 : i32
      }
      %scan3A_20 = arith.constant 158 : i32
      %barrier3A_21 = arith.constant 0 : index
      tpu.barrier barrier_id(%barrier3A_21)
      %scan3A_22 = arith.constant 0 : i32
      %scan3A_23 = arith.constant 0 : i32
      %scan3A_24 = arith.constant 5 : i32
      %scan3A_25 = arith.addi %scan3A_23, %scan3A_24 : i32
      %scan3A_26 = arith.constant 1 : i32
      %scan3A_27 = scf.for %scan3A_29 = %scan3A_23 to %scan3A_25 step %scan3A_26 iter_args(%scan3A_30 = %scan3A_22) -> (i32)  : i32 {
        %mul3A_31 = arith.constant 640 : i32
        %mul3A_32 = arith.muli %arg1, %mul3A_31 : i32
        %mul3A_33 = arith.constant 128 : i32
        %mul3A_34 = arith.muli %scan3A_29, %mul3A_33 : i32
        %add3A = arith.addi %mul3A_32, %mul3A_34 : i32
        "tpu.region"() ({
          %run_scoped3A = tpu.sem_alloc : memref<!tpu.dma_semaphore, #tpu.memory_space<semaphore_mem>>
          %dma_start3A = arith.constant 0 : i32
          %dma_start3A_36 = tpu.memref_slice %arg10[%add3A, %dma_start3A] : memref<10240x128xf32, #tpu.memory_space<vmem_shared>> -> memref<128x128xf32, #tpu.memory_space<vmem_shared>>
          %dma_start3A_37 = arith.constant 0 : i32
          %dma_start3A_38 = tpu.memref_slice %arg10[%add3A, %dma_start3A_37] : memref<10240x128xf32, #tpu.memory_space<vmem_shared>> -> memref<128x128xf32, #tpu.memory_space<vmem_shared>>
          tpu.enqueue_dma source(%dma_start3A_38 : memref<128x128xf32, #tpu.memory_space<vmem_shared>>) target(%arg9 : memref<128x128xf32, #tpu.memory_space<vmem>>) target_semaphore(%run_scoped3A : memref<!tpu.dma_semaphore, #tpu.memory_space<semaphore_mem>>)
          %dma_wait3A = arith.constant 0 : i32
          %dma_wait3A_39 = tpu.memref_slice %arg10[%add3A, %dma_wait3A] : memref<10240x128xf32, #tpu.memory_space<vmem_shared>> -> memref<128x128xf32, #tpu.memory_space<vmem_shared>>
          %dma_wait3A_40 = arith.constant 0 : i32
          %dma_wait3A_41 = tpu.memref_slice %arg10[%add3A, %dma_wait3A_40] : memref<10240x128xf32, #tpu.memory_space<vmem_shared>> -> memref<128x128xf32, #tpu.memory_space<vmem_shared>>
          tpu.wait_dma2 semaphore(%run_scoped3A : memref<!tpu.dma_semaphore, #tpu.memory_space<semaphore_mem>>) src(%dma_wait3A_41 : memref<128x128xf32, #tpu.memory_space<vmem_shared>>) dst(%arg9 : memref<128x128xf32, #tpu.memory_space<vmem>>)
          tpu.yield
        }) : () -> ()
        "tpu.region"() ({
          %run_scoped3A = tpu.sem_alloc : memref<!tpu.dma_semaphore, #tpu.memory_space<semaphore_mem>>
          %dma_start3A = arith.constant 0 : i32
          %dma_start3A_36 = tpu.memref_slice %arg5[%add3A, %dma_start3A] : memref<10240x128xf32, #tpu.memory_space<hbm>> -> memref<128x128xf32, #tpu.memory_space<hbm>>
          %dma_start3A_37 = arith.constant 0 : i32
          %dma_start3A_38 = tpu.memref_slice %arg5[%add3A, %dma_start3A_37] : memref<10240x128xf32, #tpu.memory_space<hbm>> -> memref<128x128xf32, #tpu.memory_space<hbm>>
          tpu.enqueue_dma source(%arg9 : memref<128x128xf32, #tpu.memory_space<vmem>>) target(%dma_start3A_38 : memref<128x128xf32, #tpu.memory_space<hbm>>) target_semaphore(%run_scoped3A : memref<!tpu.dma_semaphore, #tpu.memory_space<semaphore_mem>>)
          %dma_wait3A = arith.constant 0 : i32
          %dma_wait3A_39 = tpu.memref_slice %arg5[%add3A, %dma_wait3A] : memref<10240x128xf32, #tpu.memory_space<hbm>> -> memref<128x128xf32, #tpu.memory_space<hbm>>
          %dma_wait3A_40 = arith.constant 0 : i32
          %dma_wait3A_41 = tpu.memref_slice %arg5[%add3A, %dma_wait3A_40] : memref<10240x128xf32, #tpu.memory_space<hbm>> -> memref<128x128xf32, #tpu.memory_space<hbm>>
          tpu.wait_dma2 semaphore(%run_scoped3A : memref<!tpu.dma_semaphore, #tpu.memory_space<semaphore_mem>>) src(%arg9 : memref<128x128xf32, #tpu.memory_space<vmem>>) dst(%dma_wait3A_41 : memref<128x128xf32, #tpu.memory_space<hbm>>)
          tpu.yield
        }) : () -> ()
        %scan3A_35 = arith.constant 0 : i32
        scf.yield %scan3A_35 : i32
      }
      %scan3A_28 = arith.constant 5 : i32
    } else {
    }
    %eq3A_2 = arith.constant 1 : i32
    %eq3A_3 = arith.cmpi eq, %arg0, %eq3A_2 : i32
    %convert_element_type3A_4 = arith.extui %eq3A_3 : i1 to i32
    %cond3A_5 = arith.constant 0 : i32
    %cond3A_6 = arith.cmpi ne, %convert_element_type3A_4, %cond3A_5 : i32
    scf.if %cond3A_6 {
      %scan3A = arith.constant 0 : i32
      %scan3A_7 = arith.constant 0 : i32
      %scan3A_8 = arith.constant 5 : i32
      %scan3A_9 = arith.addi %scan3A_7, %scan3A_8 : i32
      %scan3A_10 = arith.constant 1 : i32
      %scan3A_11 = scf.for %scan3A_29 = %scan3A_7 to %scan3A_9 step %scan3A_10 iter_args(%scan3A_30 = %scan3A) -> (i32)  : i32 {
        %mul3A_31 = arith.constant 640 : i32
        %mul3A_32 = arith.muli %arg1, %mul3A_31 : i32
        %mul3A_33 = arith.constant 128 : i32
        %mul3A_34 = arith.muli %scan3A_29, %mul3A_33 : i32
        %add3A = arith.addi %mul3A_32, %mul3A_34 : i32
        "tpu.region"() ({
          %run_scoped3A = tpu.sem_alloc : memref<!tpu.dma_semaphore, #tpu.memory_space<semaphore_mem>>
          %dma_start3A = arith.constant 0 : i32
          %dma_start3A_36 = tpu.memref_slice %arg3[%add3A, %dma_start3A] : memref<10240x128xf32, #tpu.memory_space<hbm>> -> memref<128x128xf32, #tpu.memory_space<hbm>>
          %dma_start3A_37 = arith.constant 0 : i32
          %dma_start3A_38 = tpu.memref_slice %arg3[%add3A, %dma_start3A_37] : memref<10240x128xf32, #tpu.memory_space<hbm>> -> memref<128x128xf32, #tpu.memory_space<hbm>>
          tpu.enqueue_dma source(%dma_start3A_38 : memref<128x128xf32, #tpu.memory_space<hbm>>) target(%arg9 : memref<128x128xf32, #tpu.memory_space<vmem>>) target_semaphore(%run_scoped3A : memref<!tpu.dma_semaphore, #tpu.memory_space<semaphore_mem>>)
          %dma_wait3A = arith.constant 0 : i32
          %dma_wait3A_39 = tpu.memref_slice %arg3[%add3A, %dma_wait3A] : memref<10240x128xf32, #tpu.memory_space<hbm>> -> memref<128x128xf32, #tpu.memory_space<hbm>>
          %dma_wait3A_40 = arith.constant 0 : i32
          %dma_wait3A_41 = tpu.memref_slice %arg3[%add3A, %dma_wait3A_40] : memref<10240x128xf32, #tpu.memory_space<hbm>> -> memref<128x128xf32, #tpu.memory_space<hbm>>
          tpu.wait_dma2 semaphore(%run_scoped3A : memref<!tpu.dma_semaphore, #tpu.memory_space<semaphore_mem>>) src(%dma_wait3A_41 : memref<128x128xf32, #tpu.memory_space<hbm>>) dst(%arg9 : memref<128x128xf32, #tpu.memory_space<vmem>>)
          tpu.yield
        }) : () -> ()
        "tpu.region"() ({
          %run_scoped3A = tpu.sem_alloc : memref<!tpu.dma_semaphore, #tpu.memory_space<semaphore_mem>>
          %dma_start3A = arith.constant 0 : i32
          %dma_start3A_36 = tpu.memref_slice %arg10[%add3A, %dma_start3A] : memref<10240x128xf32, #tpu.memory_space<vmem_shared>> -> memref<128x128xf32, #tpu.memory_space<vmem_shared>>
          %dma_start3A_37 = arith.constant 0 : i32
          %dma_start3A_38 = tpu.memref_slice %arg10[%add3A, %dma_start3A_37] : memref<10240x128xf32, #tpu.memory_space<vmem_shared>> -> memref<128x128xf32, #tpu.memory_space<vmem_shared>>
          tpu.enqueue_dma source(%arg9 : memref<128x128xf32, #tpu.memory_space<vmem>>) target(%dma_start3A_38 : memref<128x128xf32, #tpu.memory_space<vmem_shared>>) target_semaphore(%run_scoped3A : memref<!tpu.dma_semaphore, #tpu.memory_space<semaphore_mem>>)
          %dma_wait3A = arith.constant 0 : i32
          %dma_wait3A_39 = tpu.memref_slice %arg10[%add3A, %dma_wait3A] : memref<10240x128xf32, #tpu.memory_space<vmem_shared>> -> memref<128x128xf32, #tpu.memory_space<vmem_shared>>
          %dma_wait3A_40 = arith.constant 0 : i32
          %dma_wait3A_41 = tpu.memref_slice %arg10[%add3A, %dma_wait3A_40] : memref<10240x128xf32, #tpu.memory_space<vmem_shared>> -> memref<128x128xf32, #tpu.memory_space<vmem_shared>>
          tpu.wait_dma2 semaphore(%run_scoped3A : memref<!tpu.dma_semaphore, #tpu.memory_space<semaphore_mem>>) src(%arg9 : memref<128x128xf32, #tpu.memory_space<vmem>>) dst(%dma_wait3A_41 : memref<128x128xf32, #tpu.memory_space<vmem_shared>>)
          tpu.yield
        }) : () -> ()
        %scan3A_35 = arith.constant 0 : i32
        scf.yield %scan3A_35 : i32
      }
      %scan3A_12 = arith.constant 5 : i32
      %barrier3A = arith.constant 0 : index
      tpu.barrier barrier_id(%barrier3A)
      %mul3A = arith.constant 20224 : i32
      %mul3A_13 = arith.muli %arg1, %mul3A : i32
      %scan3A_14 = arith.constant 0 : i32
      %scan3A_15 = arith.constant 0 : i32
      %scan3A_16 = arith.constant 158 : i32
      %scan3A_17 = arith.addi %scan3A_15, %scan3A_16 : i32
      %scan3A_18 = arith.constant 1 : i32
      %scan3A_19 = scf.for %scan3A_29 = %scan3A_15 to %scan3A_17 step %scan3A_18 iter_args(%scan3A_30 = %scan3A_14) -> (i32)  : i32 {
        %mul3A_31 = arith.constant 128 : i32
        %mul3A_32 = arith.muli %scan3A_29, %mul3A_31 : i32
        %add3A = arith.addi %mul3A_13, %mul3A_32 : i32
        "tpu.region"() ({
          %run_scoped3A = tpu.sem_alloc : memref<!tpu.dma_semaphore, #tpu.memory_space<semaphore_mem>>
          %dma_start3A_40 = tpu.memref_slice %arg4[%add3A] : memref<647168xi32, #tpu.memory_space<hbm>> -> memref<128xi32, #tpu.memory_space<hbm>>
          %dma_start3A_41 = tpu.memref_slice %arg4[%add3A] : memref<647168xi32, #tpu.memory_space<hbm>> -> memref<128xi32, #tpu.memory_space<hbm>>
          tpu.enqueue_dma source(%dma_start3A_41 : memref<128xi32, #tpu.memory_space<hbm>>) target(%arg7 : memref<128xi32, #tpu.memory_space<vmem>>) target_semaphore(%run_scoped3A : memref<!tpu.dma_semaphore, #tpu.memory_space<semaphore_mem>>)
          %dma_wait3A_42 = tpu.memref_slice %arg4[%add3A] : memref<647168xi32, #tpu.memory_space<hbm>> -> memref<128xi32, #tpu.memory_space<hbm>>
          %dma_wait3A_43 = tpu.memref_slice %arg4[%add3A] : memref<647168xi32, #tpu.memory_space<hbm>> -> memref<128xi32, #tpu.memory_space<hbm>>
          tpu.wait_dma2 semaphore(%run_scoped3A : memref<!tpu.dma_semaphore, #tpu.memory_space<semaphore_mem>>) src(%dma_wait3A_43 : memref<128xi32, #tpu.memory_space<hbm>>) dst(%arg7 : memref<128xi32, #tpu.memory_space<vmem>>)
          tpu.yield
        }) : () -> ()
        %add3A_33 = arith.constant 323584 : i32
        %add3A_34 = arith.addi %add3A_33, %add3A : i32
        "tpu.region"() ({
          %run_scoped3A = tpu.sem_alloc : memref<!tpu.dma_semaphore, #tpu.memory_space<semaphore_mem>>
          %dma_start3A_40 = tpu.memref_slice %arg4[%add3A_34] : memref<647168xi32, #tpu.memory_space<hbm>> -> memref<128xi32, #tpu.memory_space<hbm>>
          %dma_start3A_41 = tpu.memref_slice %arg4[%add3A_34] : memref<647168xi32, #tpu.memory_space<hbm>> -> memref<128xi32, #tpu.memory_space<hbm>>
          tpu.enqueue_dma source(%dma_start3A_41 : memref<128xi32, #tpu.memory_space<hbm>>) target(%arg8 : memref<128xi32, #tpu.memory_space<vmem>>) target_semaphore(%run_scoped3A : memref<!tpu.dma_semaphore, #tpu.memory_space<semaphore_mem>>)
          %dma_wait3A_42 = tpu.memref_slice %arg4[%add3A_34] : memref<647168xi32, #tpu.memory_space<hbm>> -> memref<128xi32, #tpu.memory_space<hbm>>
          %dma_wait3A_43 = tpu.memref_slice %arg4[%add3A_34] : memref<647168xi32, #tpu.memory_space<hbm>> -> memref<128xi32, #tpu.memory_space<hbm>>
          tpu.wait_dma2 semaphore(%run_scoped3A : memref<!tpu.dma_semaphore, #tpu.memory_space<semaphore_mem>>) src(%dma_wait3A_43 : memref<128xi32, #tpu.memory_space<hbm>>) dst(%arg8 : memref<128xi32, #tpu.memory_space<vmem>>)
          tpu.yield
        }) : () -> ()
        %dma_start3A = arith.constant 0 : i32
        %dma_start3A_35 = arith.constant 0 : i32
        %dma_start3A_36 = tpu.memref_slice %arg3[%dma_start3A, %dma_start3A_35] : memref<10240x128xf32, #tpu.memory_space<hbm>> -> memref<10240x128xf32, #tpu.memory_space<hbm>>
        tpu.enqueue_indirect_dma source(%dma_start3A_36 : memref<10240x128xf32, #tpu.memory_space<hbm>>) target(%arg9 : memref<128x128xf32, #tpu.memory_space<vmem>>) offsets(%arg7 : memref<128xi32, #tpu.memory_space<vmem>>) semaphore(%arg11 : memref<!tpu.dma_semaphore, #tpu.memory_space<semaphore_mem>>)
        %dma_wait3A = arith.constant 0 : i32
        %dma_wait3A_37 = arith.constant 0 : i32
        %dma_wait3A_38 = tpu.memref_slice %arg3[%dma_wait3A, %dma_wait3A_37] : memref<10240x128xf32, #tpu.memory_space<hbm>> -> memref<10240x128xf32, #tpu.memory_space<hbm>>
        tpu.wait_indirect_dma semaphore(%arg11 : memref<!tpu.dma_semaphore, #tpu.memory_space<semaphore_mem>>) src(%dma_wait3A_38 : memref<10240x128xf32, #tpu.memory_space<hbm>>) dst(%arg9 : memref<128x128xf32, #tpu.memory_space<vmem>>)
        "tpu.region"() ({
          %run_scoped3A = tpu.sem_alloc : memref<!tpu.dma_semaphore, #tpu.memory_space<semaphore_mem>>
          %dma_start3A_40 = arith.constant 0 : i32
          %dma_start3A_41 = arith.constant 0 : i32
          %dma_start3A_42 = tpu.memref_slice %arg10[%dma_start3A_40, %dma_start3A_41] : memref<10240x128xf32, #tpu.memory_space<vmem_shared>> -> memref<10240x128xf32, #tpu.memory_space<vmem_shared>>
          tpu.enqueue_indirect_dma source(%arg9 : memref<128x128xf32, #tpu.memory_space<vmem>>) target(%dma_start3A_42 : memref<10240x128xf32, #tpu.memory_space<vmem_shared>>) offsets(%arg8 : memref<128xi32, #tpu.memory_space<vmem>>) semaphore(%run_scoped3A : memref<!tpu.dma_semaphore, #tpu.memory_space<semaphore_mem>>) {add = true}
          %dma_wait3A_43 = arith.constant 0 : i32
          %dma_wait3A_44 = arith.constant 0 : i32
          %dma_wait3A_45 = tpu.memref_slice %arg10[%dma_wait3A_43, %dma_wait3A_44] : memref<10240x128xf32, #tpu.memory_space<vmem_shared>> -> memref<10240x128xf32, #tpu.memory_space<vmem_shared>>
          tpu.wait_indirect_dma semaphore(%run_scoped3A : memref<!tpu.dma_semaphore, #tpu.memory_space<semaphore_mem>>) src(%arg9 : memref<128x128xf32, #tpu.memory_space<vmem>>) dst(%dma_wait3A_45 : memref<10240x128xf32, #tpu.memory_space<vmem_shared>>)
          tpu.yield
        }) : () -> ()
        %scan3A_39 = arith.constant 0 : i32
        scf.yield %scan3A_39 : i32
      }
      %scan3A_20 = arith.constant 158 : i32
      %barrier3A_21 = arith.constant 0 : index
      tpu.barrier barrier_id(%barrier3A_21)
      %scan3A_22 = arith.constant 0 : i32
      %scan3A_23 = arith.constant 0 : i32
      %scan3A_24 = arith.constant 5 : i32
      %scan3A_25 = arith.addi %scan3A_23, %scan3A_24 : i32
      %scan3A_26 = arith.constant 1 : i32
      %scan3A_27 = scf.for %scan3A_29 = %scan3A_23 to %scan3A_25 step %scan3A_26 iter_args(%scan3A_30 = %scan3A_22) -> (i32)  : i32 {
        %mul3A_31 = arith.constant 640 : i32
        %mul3A_32 = arith.muli %arg1, %mul3A_31 : i32
        %mul3A_33 = arith.constant 128 : i32
        %mul3A_34 = arith.muli %scan3A_29, %mul3A_33 : i32
        %add3A = arith.addi %mul3A_32, %mul3A_34 : i32
        "tpu.region"() ({
          %run_scoped3A = tpu.sem_alloc : memref<!tpu.dma_semaphore, #tpu.memory_space<semaphore_mem>>
          %dma_start3A = arith.constant 0 : i32
          %dma_start3A_36 = tpu.memref_slice %arg10[%add3A, %dma_start3A] : memref<10240x128xf32, #tpu.memory_space<vmem_shared>> -> memref<128x128xf32, #tpu.memory_space<vmem_shared>>
          %dma_start3A_37 = arith.constant 0 : i32
          %dma_start3A_38 = tpu.memref_slice %arg10[%add3A, %dma_start3A_37] : memref<10240x128xf32, #tpu.memory_space<vmem_shared>> -> memref<128x128xf32, #tpu.memory_space<vmem_shared>>
          tpu.enqueue_dma source(%dma_start3A_38 : memref<128x128xf32, #tpu.memory_space<vmem_shared>>) target(%arg9 : memref<128x128xf32, #tpu.memory_space<vmem>>) target_semaphore(%run_scoped3A : memref<!tpu.dma_semaphore, #tpu.memory_space<semaphore_mem>>)
          %dma_wait3A = arith.constant 0 : i32
          %dma_wait3A_39 = tpu.memref_slice %arg10[%add3A, %dma_wait3A] : memref<10240x128xf32, #tpu.memory_space<vmem_shared>> -> memref<128x128xf32, #tpu.memory_space<vmem_shared>>
          %dma_wait3A_40 = arith.constant 0 : i32
          %dma_wait3A_41 = tpu.memref_slice %arg10[%add3A, %dma_wait3A_40] : memref<10240x128xf32, #tpu.memory_space<vmem_shared>> -> memref<128x128xf32, #tpu.memory_space<vmem_shared>>
          tpu.wait_dma2 semaphore(%run_scoped3A : memref<!tpu.dma_semaphore, #tpu.memory_space<semaphore_mem>>) src(%dma_wait3A_41 : memref<128x128xf32, #tpu.memory_space<vmem_shared>>) dst(%arg9 : memref<128x128xf32, #tpu.memory_space<vmem>>)
          tpu.yield
        }) : () -> ()
        "tpu.region"() ({
          %run_scoped3A = tpu.sem_alloc : memref<!tpu.dma_semaphore, #tpu.memory_space<semaphore_mem>>
          %dma_start3A = arith.constant 0 : i32
          %dma_start3A_36 = tpu.memref_slice %arg6[%add3A, %dma_start3A] : memref<10240x128xf32, #tpu.memory_space<hbm>> -> memref<128x128xf32, #tpu.memory_space<hbm>>
          %dma_start3A_37 = arith.constant 0 : i32
          %dma_start3A_38 = tpu.memref_slice %arg6[%add3A, %dma_start3A_37] : memref<10240x128xf32, #tpu.memory_space<hbm>> -> memref<128x128xf32, #tpu.memory_space<hbm>>
          tpu.enqueue_dma source(%arg9 : memref<128x128xf32, #tpu.memory_space<vmem>>) target(%dma_start3A_38 : memref<128x128xf32, #tpu.memory_space<hbm>>) target_semaphore(%run_scoped3A : memref<!tpu.dma_semaphore, #tpu.memory_space<semaphore_mem>>)
          %dma_wait3A = arith.constant 0 : i32
          %dma_wait3A_39 = tpu.memref_slice %arg6[%add3A, %dma_wait3A] : memref<10240x128xf32, #tpu.memory_space<hbm>> -> memref<128x128xf32, #tpu.memory_space<hbm>>
          %dma_wait3A_40 = arith.constant 0 : i32
          %dma_wait3A_41 = tpu.memref_slice %arg6[%add3A, %dma_wait3A_40] : memref<10240x128xf32, #tpu.memory_space<hbm>> -> memref<128x128xf32, #tpu.memory_space<hbm>>
          tpu.wait_dma2 semaphore(%run_scoped3A : memref<!tpu.dma_semaphore, #tpu.memory_space<semaphore_mem>>) src(%arg9 : memref<128x128xf32, #tpu.memory_space<vmem>>) dst(%dma_wait3A_41 : memref<128x128xf32, #tpu.memory_space<hbm>>)
          tpu.yield
        }) : () -> ()
        %scan3A_35 = arith.constant 0 : i32
        scf.yield %scan3A_35 : i32
      }
      %scan3A_28 = arith.constant 5 : i32
    } else {
    }
    return
  }
}

module attributes {stable_mosaic.version = 14 : i64} {
  func.func @_prep_body(%arg0: i32, %arg1: memref<1024x1xf32, #tpu.memory_space<vmem>>, %arg2: memref<1024x1xf32, #tpu.memory_space<vmem>>, %arg3: memref<1024x128xf32, #tpu.memory_space<vmem>>, %arg4: memref<1024x1xf32, #tpu.memory_space<vmem>>, %arg5: memref<1024x128xf32, #tpu.memory_space<vmem>>, %arg6: memref<1024x1xf32, #tpu.memory_space<vmem>>, %arg7: memref<1024x1xf32, #tpu.memory_space<vmem>>) attributes {dimension_semantics = [#tpu.dimension_semantics<arbitrary>], iteration_bounds = array<i64: 10>, scalar_prefetch = 0 : i64, scratch_operands = 0 : i64, tpu.core_type = #tpu.core_type<tc>, window_params = [{transform_indices = @transform_0, window_bounds = array<i64: 1024, 1>}, {transform_indices = @transform_1, window_bounds = array<i64: 1024, 1>}, {transform_indices = @transform_2, window_bounds = array<i64: 1024, 128>}, {transform_indices = @transform_3, window_bounds = array<i64: 1024, 1>}, {transform_indices = @transform_4, window_bounds = array<i64: 1024, 128>}, {transform_indices = @transform_5, window_bounds = array<i64: 1024, 1>}, {transform_indices = @transform_6, window_bounds = array<i64: 1024, 1>}]} {
    %get3A = arith.constant 0 : index
    %get3A_0 = arith.constant 0 : index
    %get3A_1 = vector.load %arg1[%get3A, %get3A_0] : memref<1024x1xf32, #tpu.memory_space<vmem>>, vector<1024x1xf32>
    %rsqrt3A = math.rsqrt %get3A_1 : vector<1024x1xf32>
    %get3A_2 = arith.constant 0 : index
    %get3A_3 = arith.constant 0 : index
    %get3A_4 = vector.load %arg2[%get3A_2, %get3A_3] : memref<1024x1xf32, #tpu.memory_space<vmem>>, vector<1024x1xf32>
    %rsqrt3A_5 = math.rsqrt %get3A_4 : vector<1024x1xf32>
    %get3A_6 = arith.constant 0 : index
    %get3A_7 = arith.constant 0 : index
    %get3A_8 = vector.load %arg3[%get3A_6, %get3A_7] : memref<1024x128xf32, #tpu.memory_space<vmem>>, vector<1024x128xf32>
    %get3A_9 = arith.constant 0 : index
    %get3A_10 = arith.constant 0 : index
    %get3A_11 = vector.load %arg4[%get3A_9, %get3A_10] : memref<1024x1xf32, #tpu.memory_space<vmem>>, vector<1024x1xf32>
    %gt3A = arith.constant 0.000000e+00 : f32
    %gt3A_12 = vector.broadcast %gt3A : f32 to vector<1024x1xf32>
    %gt3A_13 = arith.cmpf ogt, %get3A_11, %gt3A_12 : vector<1024x1xf32>
    %mul3A = arith.constant 2.1639533 : f32
    %mul3A_14 = vector.broadcast %mul3A : f32 to vector<1024x128xf32>
    %mul3A_15 = arith.mulf %mul3A_14, %get3A_8 : vector<1024x128xf32>
    %add3A = arith.constant -0.0819767042 : f32
    %add3A_16 = vector.broadcast %add3A : f32 to vector<1024x128xf32>
    %add3A_17 = arith.addf %mul3A_15, %add3A_16 : vector<1024x128xf32>
    %broadcast_in_dim3A = vector.shape_cast %gt3A_13 : vector<1024x1xi1> to vector<1024x1xi1>
    %broadcast_in_dim3A_18 = vector.broadcast %broadcast_in_dim3A : vector<1024x1xi1> to vector<1024x128xi1>
    %select_n3A = arith.select %broadcast_in_dim3A_18, %add3A_17, %get3A_8 : vector<1024x128xi1>, vector<1024x128xf32>
    %mul3A_19 = vector.broadcast %rsqrt3A : vector<1024x1xf32> to vector<1024x128xf32>
    %mul3A_20 = arith.mulf %mul3A_19, %select_n3A : vector<1024x128xf32>
    %swap3A = arith.constant 0 : index
    %swap3A_21 = arith.constant 0 : index
    %swap3A_22 = vector.load %arg5[%swap3A, %swap3A_21] : memref<1024x128xf32, #tpu.memory_space<vmem>>, vector<1024x128xf32>
    tpu.vector_store %arg5[%swap3A, %swap3A_21], %mul3A_20 {strides = array<i32>} : memref<1024x128xf32, #tpu.memory_space<vmem>>, vector<1024x128xf32>,
    %swap3A_23 = arith.constant 0 : index
    %swap3A_24 = arith.constant 0 : index
    %swap3A_25 = vector.load %arg6[%swap3A_23, %swap3A_24] : memref<1024x1xf32, #tpu.memory_space<vmem>>, vector<1024x1xf32>
    tpu.vector_store %arg6[%swap3A_23, %swap3A_24], %rsqrt3A {strides = array<i32>} : memref<1024x1xf32, #tpu.memory_space<vmem>>, vector<1024x1xf32>,
    %swap3A_26 = arith.constant 0 : index
    %swap3A_27 = arith.constant 0 : index
    %swap3A_28 = vector.load %arg7[%swap3A_26, %swap3A_27] : memref<1024x1xf32, #tpu.memory_space<vmem>>, vector<1024x1xf32>
    tpu.vector_store %arg7[%swap3A_26, %swap3A_27], %rsqrt3A_5 {strides = array<i32>} : memref<1024x1xf32, #tpu.memory_space<vmem>>, vector<1024x1xf32>,
    return
  }
  func.func @transform_0(%arg0: i32) -> (i32, i32) {
    %c0_i32 = arith.constant 0 : i32
    %c0_i32_0 = arith.constant 0 : i32
    return %arg0, %c0_i32 : i32, i32
  }
  func.func @transform_1(%arg0: i32) -> (i32, i32) {
    %c0_i32 = arith.constant 0 : i32
    %c0_i32_0 = arith.constant 0 : i32
    return %arg0, %c0_i32 : i32, i32
  }
  func.func @transform_2(%arg0: i32) -> (i32, i32) {
    %c0_i32 = arith.constant 0 : i32
    %c0_i32_0 = arith.constant 0 : i32
    return %arg0, %c0_i32 : i32, i32
  }
  func.func @transform_3(%arg0: i32) -> (i32, i32) {
    %c0_i32 = arith.constant 0 : i32
    %c0_i32_0 = arith.constant 0 : i32
    return %arg0, %c0_i32 : i32, i32
  }
  func.func @transform_4(%arg0: i32) -> (i32, i32) {
    %c0_i32 = arith.constant 0 : i32
    %c0_i32_0 = arith.constant 0 : i32
    return %arg0, %c0_i32 : i32, i32
  }
  func.func @transform_5(%arg0: i32) -> (i32, i32) {
    %c0_i32 = arith.constant 0 : i32
    %c0_i32_0 = arith.constant 0 : i32
    return %arg0, %c0_i32 : i32, i32
  }
  func.func @transform_6(%arg0: i32) -> (i32, i32) {
    %c0_i32 = arith.constant 0 : i32
    %c0_i32_0 = arith.constant 0 : i32
    return %arg0, %c0_i32 : i32, i32
  }
}

module attributes {stable_mosaic.version = 14 : i64} {
  func.func @_dense_body(%arg0: i32, %arg1: memref<1024x128xf32, #tpu.memory_space<vmem>>, %arg2: memref<1024x1xf32, #tpu.memory_space<vmem>>, %arg3: memref<1024x1xf32, #tpu.memory_space<vmem>>, %arg4: memref<128x256xf32, #tpu.memory_space<vmem>>, %arg5: memref<1x256xf32, #tpu.memory_space<vmem>>, %arg6: memref<256x128xf32, #tpu.memory_space<vmem>>, %arg7: memref<256x128xf32, #tpu.memory_space<vmem>>, %arg8: memref<1024x128xf32, #tpu.memory_space<vmem>>, %arg9: memref<1024x128xf32, #tpu.memory_space<vmem>>) attributes {dimension_semantics = [#tpu.dimension_semantics<arbitrary>], iteration_bounds = array<i64: 10>, scalar_prefetch = 0 : i64, scratch_operands = 0 : i64, tpu.core_type = #tpu.core_type<tc>, window_params = [{transform_indices = @transform_0, window_bounds = array<i64: 1024, 128>}, {transform_indices = @transform_1, window_bounds = array<i64: 1024, 1>}, {transform_indices = @transform_2, window_bounds = array<i64: 1024, 1>}, {pipeline_mode = #tpu.pipeline_mode<synchronous>, transform_indices = @transform_3, window_bounds = array<i64: 128, 256>}, {pipeline_mode = #tpu.pipeline_mode<synchronous>, transform_indices = @transform_4, window_bounds = array<i64: 1, 256>}, {pipeline_mode = #tpu.pipeline_mode<synchronous>, transform_indices = @transform_5, window_bounds = array<i64: 256, 128>}, {pipeline_mode = #tpu.pipeline_mode<synchronous>, transform_indices = @transform_6, window_bounds = array<i64: 256, 128>}, {transform_indices = @transform_7, window_bounds = array<i64: 1024, 128>}, {transform_indices = @transform_8, window_bounds = array<i64: 1024, 128>}]} {
    %get3A = arith.constant 0 : index
    %get3A_0 = arith.constant 0 : index
    %get3A_1 = vector.load %arg2[%get3A, %get3A_0] : memref<1024x1xf32, #tpu.memory_space<vmem>>, vector<1024x1xf32>
    %get3A_2 = arith.constant 0 : index
    %get3A_3 = arith.constant 0 : index
    %get3A_4 = vector.load %arg1[%get3A_2, %get3A_3] : memref<1024x128xf32, #tpu.memory_space<vmem>>, vector<1024x128xf32>
    %mul3A = vector.broadcast %get3A_1 : vector<1024x1xf32> to vector<1024x128xf32>
    %mul3A_5 = arith.mulf %mul3A, %get3A_4 : vector<1024x128xf32>
    %get3A_6 = arith.constant 0 : index
    %get3A_7 = arith.constant 0 : index
    %get3A_8 = vector.load %arg4[%get3A_6, %get3A_7] : memref<128x256xf32, #tpu.memory_space<vmem>>, vector<128x256xf32>
    %dot_general3A = arith.constant dense<0.000000e+00> : vector<1024x256xf32>
    %dot_general3A_9 = tpu.matmul %mul3A_5, %get3A_8, %dot_general3A {dimension_numbers = #tpu.dot_dimension_numbers<[1], [0], [0], [1], [0, 0, 1, 1], [], []>, transpose_lhs_hint = false} : vector<1024x128xf32>, vector<128x256xf32>, vector<1024x256xf32> -> vector<1024x256xf32>
    %get3A_10 = arith.constant 0 : index
    %get3A_11 = arith.constant 0 : index
    %get3A_12 = vector.load %arg5[%get3A_10, %get3A_11] : memref<1x256xf32, #tpu.memory_space<vmem>>, vector<1x256xf32>
    %add3A = vector.broadcast %get3A_12 : vector<1x256xf32> to vector<1024x256xf32>
    %add3A_13 = arith.addf %dot_general3A_9, %add3A : vector<1024x256xf32>
    %max3A = arith.constant 0.000000e+00 : f32
    %max3A_14 = vector.broadcast %max3A : f32 to vector<1024x256xf32>
    %max3A_15 = arith.maximumf %add3A_13, %max3A_14 : vector<1024x256xf32>
    %get3A_16 = arith.constant 0 : index
    %get3A_17 = arith.constant 0 : index
    %get3A_18 = vector.load %arg3[%get3A_16, %get3A_17] : memref<1024x1xf32, #tpu.memory_space<vmem>>, vector<1024x1xf32>
    %get3A_19 = arith.constant 0 : index
    %get3A_20 = arith.constant 0 : index
    %get3A_21 = vector.load %arg6[%get3A_19, %get3A_20] : memref<256x128xf32, #tpu.memory_space<vmem>>, vector<256x128xf32>
    %dot_general3A_22 = arith.constant dense<0.000000e+00> : vector<1024x128xf32>
    %dot_general3A_23 = tpu.matmul %max3A_15, %get3A_21, %dot_general3A_22 {dimension_numbers = #tpu.dot_dimension_numbers<[1], [0], [0], [1], [0, 0, 1, 1], [], []>, transpose_lhs_hint = false} : vector<1024x256xf32>, vector<256x128xf32>, vector<1024x128xf32> -> vector<1024x128xf32>
    %mul3A_24 = vector.broadcast %get3A_18 : vector<1024x1xf32> to vector<1024x128xf32>
    %mul3A_25 = arith.mulf %mul3A_24, %dot_general3A_23 : vector<1024x128xf32>
    %swap3A = arith.constant 0 : index
    %swap3A_26 = arith.constant 0 : index
    %swap3A_27 = vector.load %arg8[%swap3A, %swap3A_26] : memref<1024x128xf32, #tpu.memory_space<vmem>>, vector<1024x128xf32>
    tpu.vector_store %arg8[%swap3A, %swap3A_26], %mul3A_25 {strides = array<i32>} : memref<1024x128xf32, #tpu.memory_space<vmem>>, vector<1024x128xf32>,
    %get3A_28 = arith.constant 0 : index
    %get3A_29 = arith.constant 0 : index
    %get3A_30 = vector.load %arg7[%get3A_28, %get3A_29] : memref<256x128xf32, #tpu.memory_space<vmem>>, vector<256x128xf32>
    %dot_general3A_31 = arith.constant dense<0.000000e+00> : vector<1024x128xf32>
    %dot_general3A_32 = tpu.matmul %max3A_15, %get3A_30, %dot_general3A_31 {dimension_numbers = #tpu.dot_dimension_numbers<[1], [0], [0], [1], [0, 0, 1, 1], [], []>, transpose_lhs_hint = false} : vector<1024x256xf32>, vector<256x128xf32>, vector<1024x128xf32> -> vector<1024x128xf32>
    %mul3A_33 = vector.broadcast %get3A_18 : vector<1024x1xf32> to vector<1024x128xf32>
    %mul3A_34 = arith.mulf %mul3A_33, %dot_general3A_32 : vector<1024x128xf32>
    %swap3A_35 = arith.constant 0 : index
    %swap3A_36 = arith.constant 0 : index
    %swap3A_37 = vector.load %arg9[%swap3A_35, %swap3A_36] : memref<1024x128xf32, #tpu.memory_space<vmem>>, vector<1024x128xf32>
    tpu.vector_store %arg9[%swap3A_35, %swap3A_36], %mul3A_34 {strides = array<i32>} : memref<1024x128xf32, #tpu.memory_space<vmem>>, vector<1024x128xf32>,
    return
  }
  func.func @transform_0(%arg0: i32) -> (i32, i32) {
    %c0_i32 = arith.constant 0 : i32
    %c0_i32_0 = arith.constant 0 : i32
    return %arg0, %c0_i32 : i32, i32
  }
  func.func @transform_1(%arg0: i32) -> (i32, i32) {
    %c0_i32 = arith.constant 0 : i32
    %c0_i32_0 = arith.constant 0 : i32
    return %arg0, %c0_i32 : i32, i32
  }
  func.func @transform_2(%arg0: i32) -> (i32, i32) {
    %c0_i32 = arith.constant 0 : i32
    %c0_i32_0 = arith.constant 0 : i32
    return %arg0, %c0_i32 : i32, i32
  }
  func.func @transform_3(%arg0: i32) -> (i32, i32) {
    %c0_i32 = arith.constant 0 : i32
    %c0_i32_0 = arith.constant 0 : i32
    %c0_i32_1 = arith.constant 0 : i32
    return %c0_i32, %c0_i32_0 : i32, i32
  }
  func.func @transform_4(%arg0: i32) -> (i32, i32) {
    %c0_i32 = arith.constant 0 : i32
    %c0_i32_0 = arith.constant 0 : i32
    %c0_i32_1 = arith.constant 0 : i32
    return %c0_i32, %c0_i32_0 : i32, i32
  }
  func.func @transform_5(%arg0: i32) -> (i32, i32) {
    %c0_i32 = arith.constant 0 : i32
    %c0_i32_0 = arith.constant 0 : i32
    %c0_i32_1 = arith.constant 0 : i32
    return %c0_i32, %c0_i32_0 : i32, i32
  }
  func.func @transform_6(%arg0: i32) -> (i32, i32) {
    %c0_i32 = arith.constant 0 : i32
    %c0_i32_0 = arith.constant 0 : i32
    %c0_i32_1 = arith.constant 0 : i32
    return %c0_i32, %c0_i32_0 : i32, i32
  }
  func.func @transform_7(%arg0: i32) -> (i32, i32) {
    %c0_i32 = arith.constant 0 : i32
    %c0_i32_0 = arith.constant 0 : i32
    return %arg0, %c0_i32 : i32, i32
  }
  func.func @transform_8(%arg0: i32) -> (i32, i32) {
    %c0_i32 = arith.constant 0 : i32
    %c0_i32_0 = arith.constant 0 : i32
    return %arg0, %c0_i32 : i32, i32
  }
}

module attributes {stable_mosaic.version = 14 : i64} {
  func.func @_final_body(%arg0: i32, %arg1: memref<1024x128xf32, #tpu.memory_space<vmem>>, %arg2: memref<1024x128xf32, #tpu.memory_space<vmem>>, %arg3: memref<1024x1xf32, #tpu.memory_space<vmem>>, %arg4: memref<1x128xf32, #tpu.memory_space<vmem>>, %arg5: memref<1x128xf32, #tpu.memory_space<vmem>>, %arg6: memref<1024x128xf32, #tpu.memory_space<vmem>>, %arg7: memref<1024x128xf32, #tpu.memory_space<vmem>>) attributes {dimension_semantics = [#tpu.dimension_semantics<arbitrary>], iteration_bounds = array<i64: 10>, scalar_prefetch = 0 : i64, scratch_operands = 0 : i64, tpu.core_type = #tpu.core_type<tc>, window_params = [{transform_indices = @transform_0, window_bounds = array<i64: 1024, 128>}, {transform_indices = @transform_1, window_bounds = array<i64: 1024, 128>}, {transform_indices = @transform_2, window_bounds = array<i64: 1024, 1>}, {pipeline_mode = #tpu.pipeline_mode<synchronous>, transform_indices = @transform_3, window_bounds = array<i64: 1, 128>}, {pipeline_mode = #tpu.pipeline_mode<synchronous>, transform_indices = @transform_4, window_bounds = array<i64: 1, 128>}, {transform_indices = @transform_5, window_bounds = array<i64: 1024, 128>}, {transform_indices = @transform_6, window_bounds = array<i64: 1024, 128>}]} {
    %get3A = arith.constant 0 : index
    %get3A_0 = arith.constant 0 : index
    %get3A_1 = vector.load %arg3[%get3A, %get3A_0] : memref<1024x1xf32, #tpu.memory_space<vmem>>, vector<1024x1xf32>
    %get3A_2 = arith.constant 0 : index
    %get3A_3 = arith.constant 0 : index
    %get3A_4 = vector.load %arg1[%get3A_2, %get3A_3] : memref<1024x128xf32, #tpu.memory_space<vmem>>, vector<1024x128xf32>
    %mul3A = vector.broadcast %get3A_1 : vector<1024x1xf32> to vector<1024x128xf32>
    %mul3A_5 = arith.mulf %mul3A, %get3A_4 : vector<1024x128xf32>
    %get3A_6 = arith.constant 0 : index
    %get3A_7 = arith.constant 0 : index
    %get3A_8 = vector.load %arg4[%get3A_6, %get3A_7] : memref<1x128xf32, #tpu.memory_space<vmem>>, vector<1x128xf32>
    %add3A = vector.broadcast %get3A_8 : vector<1x128xf32> to vector<1024x128xf32>
    %add3A_9 = arith.addf %mul3A_5, %add3A : vector<1024x128xf32>
    %swap3A = arith.constant 0 : index
    %swap3A_10 = arith.constant 0 : index
    %swap3A_11 = vector.load %arg6[%swap3A, %swap3A_10] : memref<1024x128xf32, #tpu.memory_space<vmem>>, vector<1024x128xf32>
    tpu.vector_store %arg6[%swap3A, %swap3A_10], %add3A_9 {strides = array<i32>} : memref<1024x128xf32, #tpu.memory_space<vmem>>, vector<1024x128xf32>,
    %get3A_12 = arith.constant 0 : index
    %get3A_13 = arith.constant 0 : index
    %get3A_14 = vector.load %arg2[%get3A_12, %get3A_13] : memref<1024x128xf32, #tpu.memory_space<vmem>>, vector<1024x128xf32>
    %mul3A_15 = vector.broadcast %get3A_1 : vector<1024x1xf32> to vector<1024x128xf32>
    %mul3A_16 = arith.mulf %mul3A_15, %get3A_14 : vector<1024x128xf32>
    %get3A_17 = arith.constant 0 : index
    %get3A_18 = arith.constant 0 : index
    %get3A_19 = vector.load %arg5[%get3A_17, %get3A_18] : memref<1x128xf32, #tpu.memory_space<vmem>>, vector<1x128xf32>
    %add3A_20 = vector.broadcast %get3A_19 : vector<1x128xf32> to vector<1024x128xf32>
    %add3A_21 = arith.addf %mul3A_16, %add3A_20 : vector<1024x128xf32>
    %swap3A_22 = arith.constant 0 : index
    %swap3A_23 = arith.constant 0 : index
    %swap3A_24 = vector.load %arg7[%swap3A_22, %swap3A_23] : memref<1024x128xf32, #tpu.memory_space<vmem>>, vector<1024x128xf32>
    tpu.vector_store %arg7[%swap3A_22, %swap3A_23], %add3A_21 {strides = array<i32>} : memref<1024x128xf32, #tpu.memory_space<vmem>>, vector<1024x128xf32>,
    return
  }
  func.func @transform_0(%arg0: i32) -> (i32, i32) {
    %c0_i32 = arith.constant 0 : i32
    %c0_i32_0 = arith.constant 0 : i32
    return %arg0, %c0_i32 : i32, i32
  }
  func.func @transform_1(%arg0: i32) -> (i32, i32) {
    %c0_i32 = arith.constant 0 : i32
    %c0_i32_0 = arith.constant 0 : i32
    return %arg0, %c0_i32 : i32, i32
  }
  func.func @transform_2(%arg0: i32) -> (i32, i32) {
    %c0_i32 = arith.constant 0 : i32
    %c0_i32_0 = arith.constant 0 : i32
    return %arg0, %c0_i32 : i32, i32
  }
  func.func @transform_3(%arg0: i32) -> (i32, i32) {
    %c0_i32 = arith.constant 0 : i32
    %c0_i32_0 = arith.constant 0 : i32
    %c0_i32_1 = arith.constant 0 : i32
    return %c0_i32, %c0_i32_0 : i32, i32
  }
  func.func @transform_4(%arg0: i32) -> (i32, i32) {
    %c0_i32 = arith.constant 0 : i32
    %c0_i32_0 = arith.constant 0 : i32
    %c0_i32_1 = arith.constant 0 : i32
    return %c0_i32, %c0_i32_0 : i32, i32
  }
  func.func @transform_5(%arg0: i32) -> (i32, i32) {
    %c0_i32 = arith.constant 0 : i32
    %c0_i32_0 = arith.constant 0 : i32
    return %arg0, %c0_i32 : i32, i32
  }
  func.func @transform_6(%arg0: i32) -> (i32, i32) {
    %c0_i32 = arith.constant 0 : i32
    %c0_i32_0 = arith.constant 0 : i32
    return %arg0, %c0_i32 : i32, i32
  }
}

</mosaic_0001>

<sc_bundles>
// kernel: kernel.11.cloned.1.call-start
scs
__scs_entry_jumppad:
0x0: {  	(pc) =	sbr.rel $0x88, $3  }
0x1: {  	(tag) =	ssettag $0x0;
	lr =	simm.s32 $0x1  }
0x2: {  	[smem:$0x3F98] =	sst lr;
	_ =	strace $0xD0000000  }
0x3: {  	_ = 	snop  }
0x4: {  	_ = 	snop  }
0x5: {  	_ = 	snop  }
0x6: {  	_ = 	snop  }
0x7: {  	_ = 	snop  }
__scs_overlays_trampoline_lowered:
0x8: {  	[smem:$0x3FA7] =	sst s0  }
0x9: {  	[smem:$0x3FA8] =	sst s1  }
0xa: {  	[smem:$0x3FA9] =	sst s2  }
0xb: {  	[smem:$0x3FAA] =	sst s3  }
0xc: {  	[smem:$0x3FAB] =	sst s4  }
0xd: {  	[smem:$0x3FAC] =	sst s5  }
0xe: {  	[smem:$0x3FAD] =	sst s6  }
0xf: {  	[smem:$0x3FAE] =	sst s7  }
0x10: {  	[smem:$0x3FAF] =	sst s8  }
0x11: {  	[smem:$0x3FB0] =	sst s9;
	s0 =	simm.s32 @!p0 $0x0  }
0x12: {  	s1 =	sld [smem:$0x3F96];
	s0 =	simm.s32 @p0 $0x1  }
0x13: {  	[smem:$0x3FB1] =	sst s0;
	s0 =	simm.s32 @!p1 $0x0  }
0x14: {  	s2 =	sld [smem:$0x3F95];
	s0 =	simm.s32 @p1 $0x1  }
0x15: {  	[smem:$0x3FB2] =	sst s0;
	s0 =	simm.s32 @!p2 $0x0  }
0x16: {  	s3 =	sld [smem:$0x3FDB];
	s0 =	simm.s32 @p2 $0x1  }
0x17: {  	s4 =	simm.s32 $0x1BF5;
	[smem:$0x3FB4] =	sst s0  }
0x18: {  	s0 =	sld [smem:$0x3F97];
	_ =	swait.ge [sflag:s4], $0x0  }
0x19: {  	s7 =	sld [smem:$0x3F98]  }
0x1a: {  	s8 =	sadd.s32 $0xFFFFE003, lr  }
0x1b: {  	s9 =	sadd.s32 $0xFFFFFEF7, lr;
	s5 =	simm.s32 $0xFFFFFFFF;
	p2 =	slt.u32 s8, $0xFFFFF086  }
0x1c: {  	p1 =	slt.u32 s9, $0xF7A;
	s5 =	simm.s32 @!p2 $0x0  }
0x1d: {  	s5 =	simm.s32 @p1 $0x1;
	p0 =	seq.s32 s7, s2  }
0x1e: {  	s7 =	smul.u32 @!p0 $0xF7A, s2;
	p2 =	seq.s32 @!p0 s5, $0x0  }
0x1f: {  	s9 =	smul.u32 $0xF7A, s1;
	s8 =	simm.s32 @!p0 $0x1BF5;
	p2 =	por !p2, p0  }
0x20: {  	[sflag:s8] =	ssyncset.s32 @!p0 $0xFFFFF086;
	s6 =	sadd.s32 @!p0 s3, s7;
	s7 =	simm.s32 @!p0 $0x108  }
0x21: {  	s3 =	sadd.s32 s3, s9;
	s6 =	sadd.s32 @!p0 $0x88, s6;
	s7 =	simm.s32 @p2 $0x1082  }
0x22: {  	[simem:s7], [sflag:s8] =	dma.local @!p0 [hbm:s6], $0xF7A  }
0x23: {  	s9 =	sor.u32 $0xD0000000, s2;
	s6 =	simm.s32 $0x108;
	_ =	swait.ge @!p0 [sflag:s8], $0x0  }
0x24: {  	s3 =	sadd.s32 $0x88, s3;
	s6 =	simm.s32 @!p1 $0x1082;
	[sflag:s4] =	ssyncset.s32 $0xFFFFF086  }
0x25: {  	[simem:s6], [sflag:s4] =	dma.local [hbm:s3], $0xF7A  }
0x26: {  	[smem:$0x3F98] =	sst s1;
	(tag) =	ssettag s2;
	_ =	strace s9  }
0x27: {  	s1 =	sld [smem:$0x3FA8]  }
0x28: {  	s2 =	sld [smem:$0x3FA9]  }
0x29: {  	s4 =	sld [smem:$0x3FAB]  }
0x2a: {  	p0 =	seq.s32 s5, $0x0;
	s5 =	sld [smem:$0x3FAC]  }
0x2b: {  	s6 =	sld [smem:$0x3FAD]  }
0x2c: {  	s7 =	sld [smem:$0x3FAE]  }
0x2d: {  	s3 =	simm.s32 $0x108;
	s8 =	sld [smem:$0x3FAF]  }
0x2e: {  	s3 =	simm.s32 @!p0 $0x1082;
	s9 =	sld [smem:$0x3FB0]  }
0x2f: {  	lr =	sadd.s32 s0, s3;
	s0 =	sld [smem:$0x3FA7]  }
0x30: {  	s3 =	sld [smem:$0x3FAA]  }
0x31: {  	[smem:$0x3FB3] =	sst s10  }
0x32: {  	s10 =	sld [smem:$0x3FB1];
	_ =	sdelay $0x3  }
0x33: {  	p0 =	seq.s32 s10, $0x1;
	s10 =	sld [smem:$0x3FB3];
	_ =	sdelay $0x3  }
0x34: {  	[smem:$0x3FB3] =	sst s10  }
0x35: {  	s10 =	sld [smem:$0x3FB2];
	_ =	sdelay $0x3  }
0x36: {  	p1 =	seq.s32 s10, $0x1;
	s10 =	sld [smem:$0x3FB3];
	_ =	sdelay $0x3  }
0x37: {  	[smem:$0x3FB3] =	sst s10  }
0x38: {  	s10 =	sld [smem:$0x3FB4]  }
0x39: {  	_ = 	snop;
	(pc) =	sbr.ind lr, $3  }
0x3a: {  	_ = 	snop  }
0x3b: {  	_ = 	snop  }
0x3c: {  	p2 =	seq.s32 s10, $0x1;
	s10 =	sld [smem:$0x3FB3]  }
0x3d: {  	_ =	shalt  }
0x3e: {  	_ =	shalt  }
0x3f: {  	_ =	shalt  }
0x40: {  	_ =	shalt  }
0x41: {  	_ =	shalt  }
0x42: {  	_ =	shalt  }
0x43: {  	_ =	shalt  }
0x44: {  	_ =	shalt  }
0x45: {  	_ =	shalt  }
0x46: {  	_ =	shalt  }
0x47: {  	_ =	shalt  }
0x48: {  	_ =	shalt  }
0x49: {  	_ =	shalt  }
0x4a: {  	_ =	shalt  }
0x4b: {  	_ =	shalt  }
0x4c: {  	_ =	shalt  }
0x4d: {  	_ =	shalt  }
0x4e: {  	_ =	shalt  }
0x4f: {  	_ =	shalt  }
0x50: {  	_ =	shalt  }
0x51: {  	_ =	shalt  }
0x52: {  	_ =	shalt  }
0x53: {  	_ =	shalt  }
0x54: {  	_ =	shalt  }
0x55: {  	_ =	shalt  }
0x56: {  	_ =	shalt  }
0x57: {  	_ =	shalt  }
0x58: {  	_ =	shalt  }
0x59: {  	_ =	shalt  }
0x5a: {  	_ =	shalt  }
0x5b: {  	_ =	shalt  }
0x5c: {  	_ =	shalt  }
0x5d: {  	_ =	shalt  }
0x5e: {  	_ =	shalt  }
0x5f: {  	_ =	shalt  }
0x60: {  	_ =	shalt  }
0x61: {  	_ =	shalt  }
0x62: {  	_ =	shalt  }
0x63: {  	_ =	shalt  }
0x64: {  	_ =	shalt  }
0x65: {  	_ =	shalt  }
0x66: {  	_ =	shalt  }
0x67: {  	_ =	shalt  }
0x68: {  	_ =	shalt  }
0x69: {  	_ =	shalt  }
0x6a: {  	_ =	shalt  }
0x6b: {  	_ =	shalt  }
0x6c: {  	_ =	shalt  }
0x6d: {  	_ =	shalt  }
0x6e: {  	_ =	shalt  }
0x6f: {  	_ =	shalt  }
0x70: {  	_ =	shalt  }
0x71: {  	_ =	shalt  }
0x72: {  	_ =	shalt  }
0x73: {  	_ =	shalt  }
0x74: {  	_ =	shalt  }
0x75: {  	_ =	shalt  }
0x76: {  	_ =	shalt  }
0x77: {  	_ =	shalt  }
0x78: {  	_ =	shalt  }
0x79: {  	_ =	shalt  }
0x7a: {  	_ =	shalt  }
0x7b: {  	_ =	shalt  }
0x7c: {  	_ =	shalt  }
0x7d: {  	_ =	shalt  }
0x7e: {  	_ =	shalt  }
0x7f: {  	_ =	shalt  }
0x80: {  	_ =	shalt  }
0x81: {  	_ =	shalt  }
0x82: {  	_ =	shalt  }
0x83: {  	_ =	shalt  }
0x84: {  	_ =	shalt  }
0x85: {  	_ =	shalt  }
0x86: {  	_ =	shalt  }
0x87: {  	_ =	shalt  }
.Lfunc_end0:
.L_simem_size_0:
called_computation.1_lowered:
.L_overlay_start_0:
0x88: {  	s2 =	sld [smem:$0x3FD9]  }
0x89: {  	s3 =	sld [smem:$0x3FFE];
	_ =	sdelay $0x1  }
0x8a: {  	s1 =	srdreg.scid  }
0x8b: {  	s0 =	sand.u32 $0x1, s1  }
0x8c: {  	s14 =	sshll.u32 s0, $0xA;
	s2 =	sadd.s32 s3, s2  }
0x8d: {  	s2 =	sadd.s32 s2, s14  }
0x8e: {  	[smem:$0x3FBF] =	sst s2  }
0x8f: {  	_ = 	snop  }
0x90: {  	s2 =	sld [smem:$0x3FD0];
	_ =	sdelay $0x2  }
0x91: {  	s15 =	simm.s32 $0xA;
	s4 =	simm.s32 $0x10  }
0x92: {  	[smem:s4], [sflag:s15] =	dma.local [hbm:s2], $0x1  }
0x93: {  	_ =	swait.eq [sflag:s15], $0x1  }
0x94: {  	[sflag:s15] =	ssyncset.done $0x0  }
0x95: {  	[sflag:s15] =	ssyncadd.s32 $0xFFFFFFFF  }
0x96: {  	s16 =	sld [smem:$0x10];
	(tm) =	ssettm $0x1  }
0x97: {  	s17 =	sld [smem:$0x3FFB];
	_ =	sdelay $0x3  }
0x98: {  	_ =	strace s17  }
0x99: {  	s3 =	sld [smem:$0x3FFC];
	_ =	sdelay $0x3  }
0x9a: {  	_ =	strace s3  }
0x9b: {  	s3 =	sld [smem:$0x3FFD];
	_ =	sdelay $0x3  }
0x9c: {  	_ =	strace s3  }
0x9d: {  	_ =	strace $0x8FFFFFFF  }
0x9e: {  	s18 =	sld [smem:$0x3FDB];
	_ =	sdelay $0x1  }
0x9f: {  	s19 =	simm.s32 $_scs_section_size  }
0xa0: {  	s5 =	simm.s32 $_size__tile_overlayer_lowered;
	s6 =	simm.s32 $_tile_overlayer_lowered  }
0xa1: {  	s22 =	simm.s32 $0x1BFF;
	s21 =	sshll.u32 s6, $0x1;
	s3 =	sadd.s32 s19, s18  }
0xa2: {  	s7 =	simm.s32 $0x0;
	s20 =	sshll.u32 s5, $0x1;
	s5 =	sadd.s32 s21, s3  }
0xa3: {  	[timem:s7], [sflag:s22] =	dma.local [hbm:s5], s20  }
0xa4: {  	_ =	swait.ge [sflag:s22], s20  }
0xa5: {  	s4 =	ssub.s32 $0x0, s20;
	[sflag:s22] =	ssyncset.done $0x0  }
0xa6: {  	[sflag:s22] =	ssyncadd.s32 s4;
	_ =	sdelay $0x1  }
0xa7: {  	s23 =	simm.s32 $0x1B8B  }
0xa8: {  	_ =	swait.ge [sflag:s23], $0x1  }
0xa9: {  	[sflag:s23] =	ssyncset.done $0x0  }
0xaa: {  	s25 =	simm.s32 $0x1B8E;
	s24 =	sld [smem:$0x3FFE];
	[sflag:s23] =	ssyncadd.s32 $0xFFFFFFFF  }
0xab: {  	s26 =	simm.s32 $execute0_lowered;
	[smem:$0x3FD2] =	sst s25  }
0xac: {  	s5 =	sshll.u32 s26, $0x1;
	_ =	strace $0x80000049;
	[dreg:$0x1] =	wrdreg $0xFFFFFFFF  }
0xad: {  	s28 =	simm.s32 $_size_execute0_lowered;
	s3 =	sadd.s32 s3, s5;
	[dreg:$0x0] =	wrdreg $0x0  }
0xae: {  	s5 =	sshll.u32 s28, $0x1;
	[dreg:$0x2] =	wrdreg s3  }
0xaf: {  	[dreg:$0x3] =	wrdreg s5  }
0xb0: {  	[dreg:$0x4] =	wrdreg $0xC0  }
0xb1: {  	_ =	task [dreg:s7], $0x5FFFF  }
0xb2: {  	[dreg:$0x1] =	wrdreg $0xFFFFFFFF  }
0xb3: {  	[dreg:$0x0] =	wrdreg $0x60  }
0xb4: {  	[dreg:$0x2] =	wrdreg s24  }
0xb5: {  	[dreg:$0x3] =	wrdreg s16  }
0xb6: {  	[dreg:$0x4] =	wrdreg $0x41000  }
0xb7: {  	[dreg:$0x5] =	wrdreg $0x9  }
0xb8: {  	_ =	task.clear_ibuf [dreg:s7], $0x6FFFF;
	_ =	strace $0x90000049  }
0xb9: {  	s29 =	simm.s32 $0x9;
	_ =	strace $0x8000004B  }
0xba: {  	_ =	swait.ge [sflag:s29], $0x1  }
0xbb: {  	[sflag:s29] =	ssyncadd.s32 $0xFFFFFFFF  }
0xbc: {  	_ =	strace $0x9000004B  }
0xbd: {  	_ =	sfence  }
0xbe: {  	s30 =	sld [smem:$0x0];
	_ =	sdelay $0x2  }
0xbf: {  	s31 =	sshll.u32 s1, $0xD;
	s1 =	sshrl.u32 s1, $0x2  }
0xc0: {  	s3 =	sand.u32 $0x4000, s31;
	s1 =	sadd.s32 s1, s30  }
0xc1: {  	s0 =	sor.u32 s3, s0;
	s1 =	sshll.u32 s1, $0x11  }
0xc2: {  	s0 =	sor.u32 s1, s0  }
0xc3: {  	s0 =	sadd.s32 $0x8F2B, s0  }
0xc4: {  	[sflag:s0] =	ssyncadd.remote.s32 $0x1  }
0xc5: {  	_ =	sfence.sel $0xFFFF  }
0xc6: {  	[dreg:$0x0] =	wrdreg $0xFFFFFFFF;
	(pc) =	sbr.abs _section_cstart, $3  }
0xc7: {  	[dreg:$0x1] =	wrdreg $0xFFFFFFFF  }
0xc8: {  	_ =	task.clear_ibuf [dreg:s7], $0x2FFFF;
	_ =	strace $0x9FFFFFFF  }
0xc9: {  	(tm) =	ssettm $0x7FFFFFFF  }
tec
execute0_lowered:
.L_overlay_start_1:
0x0: {  	(tag) =	ssettag $0x1  }
0x1: {  	s7 =	rddreg [dreg:$0x0]  }
0x2: {  	s23 =	rddreg [dreg:$0x1]  }
0x3: {  	s1 =	rddreg [dreg:$0x2]  }
0x4: {  	s3 =	simm.s32 $0x0;
	s4 =	srdreg.scid;
	s0 =	stileid.u32  }
0x5: {  	s25 =	simm.s32 $0x2;
	s26 =	simm.s32 $0x80;
	s28 =	simm.s32 $0x1  }
0x6: {  	s29 =	simm.s32 $0x0;
	[smem:$0x7FF] =	sst s3;
	s19 =	smul.u32 $0x280, s0  }
0x7: {  	s8 =	sand.u32 $0x1, s4;
	s4 =	sadd.s32 $0x4600, s7;
	s5 =	smul.u32 $0x2800, s0  }
0x8: {  	s6 =	sadd.s32 $0x7C600, s7;
	s31 =	smul.u32 $0x50000, s0;
	s7 =	sadd.s32 $0x54600, s7  }
0x9: {  	s24 =	smul.u32 $0x9E0, s0;
	_ =	strace $0x8000004A;
	s9 =	ssub.s32 $0x2, s8  }
0xa: {  	p0 =	seq.s32 s8, $0x1;
	s10 =	sshrl.u32 s9, $0x1;
	s12 =	sadd.s32 $0x80, s19  }
0xb: {  	s15 =	sadd.s32 $0x100, s19;
	s20 =	sadd.s32 $0x180, s19;
	s21 =	sadd.s32 $0x200, s19  }
0xc: {  	s23 =	sadd.s32 s24, s23;
	s24 =	simm.s32 $0x100;
	s9 =	ssub.s32 s9, s10  }
0xd: {  	s10 =	sshrl.u32 s31, $0x2;
	s11 =	sshll.u32 s12, $0x4;
	s13 =	sshll.u32 s12, $0x7  }
0xe: {  	s14 =	sshll.u32 s15, $0x4;
	s16 =	sshll.u32 s15, $0x7;
	s17 =	sshll.u32 s20, $0x4  }
.Ltmp0:
0xf: {  	s20 =	sshll.u32 s20, $0x7;
	s19 =	sshll.u32 s21, $0x4;
	(pc) =	sbr.rel .LBB2_1-.Ltmp0, $4  }
0x10: {  	s22 =	sshll.u32 s21, $0x7;
	s8 =	smax.u32 s9, $0x1;
	s9 =	sadd.s32 s4, s5  }
0x11: {  	s10 =	sadd.s32 s10, s1;
	s12 =	sadd.s32 s4, s11;
	s13 =	sadd.s32 s13, s1  }
0x12: {  	s15 =	sadd.s32 s4, s14;
	s16 =	sadd.s32 s16, s1;
	s18 =	sadd.s32 s4, s17  }
0x13: {  	s20 =	sadd.s32 s20, s1;
	s21 =	sadd.s32 s4, s19;
	s22 =	sadd.s32 s22, s1  }
.LBB2_7:
0x14: {  	s0 =	sadd.s32 s30, s23;
	[sflag:s25] =	ssyncadd.s32 $0xFFFFC000  }
0x15: {  	[tilespmem:s3], [sflag:$0x2] =	stream.linear.gather [hbm4b:s0+s3], $0x80, $0x38;
	[tilespmem:$0x18100] =	vst v63  }
0x16: {  	_ =	swait.ge [sflag:s25], $0x80  }
0x17: {  	[sflag:s25] =	ssyncset.done $0x0  }
0x18: {  	s0 =	sadd.s32 $0x9E00, s0;
	[sflag:s25] =	ssyncadd.s32 $0xFFFFFF80  }
0x19: {  	[tilespmem:s26], [sflag:$0x2] =	stream.linear.gather [hbm4b:s0+s3], $0x80, $0x38;
	[tilespmem:$0x18100] =	vst v63  }
0x1a: {  	_ =	swait.ge [sflag:s25], $0x80  }
0x1b: {  	[sflag:s25] =	ssyncset.done $0x0  }
0x1c: {  	[sflag:s25] =	ssyncadd.s32 $0xFFFFFF80  }
0x1d: {  	[tilespmem:s24], [sflag:$0x1] =	stream.indirect.gather [hbm4b:s4+s26], $0x80, s3, s26, $0xb8;
	[tilespmem:$0x18100] =	vst v63  }
0x1e: {  	_ =	swait.ge [sflag:s28], $0x4000  }
0x1f: {  	[sflag:s28] =	ssyncset.done $0x0  }
0x20: {  	[sflag:s28] =	ssyncadd.s32 $0xFFFFC000  }
0x21: {  	[spmem:s1] =	stream.indirect.scatter.add.f32 [tilespmem:s24], [sflag:$0x2], $0x80, s26, s26, $0xb8;
	[tilespmem:$0x18100] =	vst v63  }
0x22: {  	_ =	swait.ge [sflag:s25], $0x4000  }
0x23: {  	[sflag:s25] =	ssyncset.done $0x0  }
0x24: {  	s30 =	smov.u32 s7;
	[sflag:s25] =	ssyncadd.s32 $0xFFFFC000  }
.LBB2_8:
0x25: {  	[bflag:$0x0] =	sbarrier.arrive $0xFFFF  }
0x26: {  	[tilespmem:s24], [sflag:$0x2] =	stream.linear.gather [spmem:s10], $0x4000, $0x38;
	[tilespmem:$0x18100] =	vst v63  }
0x27: {  	_ =	swait.ge [sflag:s25], $0x4000  }
0x28: {  	[sflag:s25] =	ssyncset.done $0x0  }
0x29: {  	s0 =	sadd.s32 s30, s5;
	[sflag:s25] =	ssyncadd.s32 $0xFFFFC000  }
0x2a: {  	[hbm4b:s0+s3] =	stream.linear.scatter [tilespmem:s24], [sflag:$0x2], $0x4000, $0x38;
	[tilespmem:$0x18100] =	vst v63  }
0x2b: {  	_ =	swait.ge [sflag:s25], $0x4000  }
0x2c: {  	[sflag:s25] =	ssyncset.done $0x0  }
0x2d: {  	[sflag:s25] =	ssyncadd.s32 $0xFFFFC000  }
0x2e: {  	[tilespmem:s24], [sflag:$0x2] =	stream.linear.gather [spmem:s13], $0x4000, $0x38;
	[tilespmem:$0x18100] =	vst v63  }
0x2f: {  	_ =	swait.ge [sflag:s25], $0x4000  }
0x30: {  	[sflag:s25] =	ssyncset.done $0x0  }
0x31: {  	s2 =	sadd.s32 s30, s11;
	[sflag:s25] =	ssyncadd.s32 $0xFFFFC000  }
0x32: {  	[hbm4b:s2+s3] =	stream.linear.scatter [tilespmem:s24], [sflag:$0x2], $0x4000, $0x38;
	[tilespmem:$0x18100] =	vst v63  }
0x33: {  	_ =	swait.ge [sflag:s25], $0x4000  }
0x34: {  	[sflag:s25] =	ssyncset.done $0x0  }
0x35: {  	[sflag:s25] =	ssyncadd.s32 $0xFFFFC000  }
0x36: {  	[tilespmem:s24], [sflag:$0x2] =	stream.linear.gather [spmem:s16], $0x4000, $0x38;
	[tilespmem:$0x18100] =	vst v63  }
0x37: {  	_ =	swait.ge [sflag:s25], $0x4000  }
0x38: {  	[sflag:s25] =	ssyncset.done $0x0  }
0x39: {  	s31 =	sadd.s32 s30, s14;
	[sflag:s25] =	ssyncadd.s32 $0xFFFFC000  }
0x3a: {  	[hbm4b:s31+s3] =	stream.linear.scatter [tilespmem:s24], [sflag:$0x2], $0x4000, $0x38;
	[tilespmem:$0x18100] =	vst v63  }
0x3b: {  	_ =	swait.ge [sflag:s25], $0x4000  }
0x3c: {  	[sflag:s25] =	ssyncset.done $0x0  }
0x3d: {  	[sflag:s25] =	ssyncadd.s32 $0xFFFFC000  }
0x3e: {  	[tilespmem:s24], [sflag:$0x2] =	stream.linear.gather [spmem:s20], $0x4000, $0x38;
	[tilespmem:$0x18100] =	vst v63  }
0x3f: {  	_ =	swait.ge [sflag:s25], $0x4000  }
0x40: {  	[sflag:s25] =	ssyncset.done $0x0  }
0x41: {  	s2 =	sadd.s32 s30, s17;
	[sflag:s25] =	ssyncadd.s32 $0xFFFFC000  }
0x42: {  	[hbm4b:s2+s3] =	stream.linear.scatter [tilespmem:s24], [sflag:$0x2], $0x4000, $0x38;
	[tilespmem:$0x18100] =	vst v63  }
0x43: {  	_ =	swait.ge [sflag:s25], $0x4000  }
0x44: {  	[sflag:s25] =	ssyncset.done $0x0  }
0x45: {  	[sflag:s25] =	ssyncadd.s32 $0xFFFFC000  }
0x46: {  	[tilespmem:s24], [sflag:$0x2] =	stream.linear.gather [spmem:s22], $0x4000, $0x38;
	[tilespmem:$0x18100] =	vst v63  }
0x47: {  	s29 =	sadd.s32 $0x1, s29;
	_ =	swait.ge [sflag:s25], $0x4000  }
0x48: {  	p1 =	sne.s32 s29, s8;
	[sflag:s25] =	ssyncset.done $0x0  }
.Ltmp1:
0x49: {  	s31 =	sadd.s32 s30, s19;
	[sflag:s25] =	ssyncadd.s32 $0xFFFFC000;
	(pc) =	sbr.rel @!p1 .LBB2_9-.Ltmp1, $4  }
0x4a: {  	[hbm4b:s31+s3] =	stream.linear.scatter [tilespmem:s24], [sflag:$0x2], $0x4000, $0x38;
	[tilespmem:$0x18100] =	vst v63  }
0x4b: {  	_ =	swait.ge [sflag:s25], $0x4000  }
0x4c: {  	[sflag:s25] =	ssyncset.done $0x0  }
0x4d: {  	[sflag:s25] =	ssyncadd.s32 $0xFFFFC000  }
.LBB2_1:
.Ltmp2:
0x4e: {  	(pc) =	sbr.rel @!p0 .LBB2_2-.Ltmp2, $2  }
0x4f: {  	_ =	sdelay $0x2  }
0x50: {  	s30 =	simm.s32 $0x0  }
0x51: {  	[tilespmem:s24], [sflag:$0x2] =	stream.linear.gather [hbm4b:s9+s30], $0x4000, $0x38;
	[tilespmem:$0x18100] =	vst v63  }
0x52: {  	_ =	swait.ge [sflag:s25], $0x4000  }
0x53: {  	[sflag:s25] =	ssyncset.done $0x0  }
0x54: {  	[sflag:s25] =	ssyncadd.s32 $0xFFFFC000  }
0x55: {  	[spmem:s10] =	stream.linear.scatter [tilespmem:s24], [sflag:$0x2], $0x4000, $0x38;
	[tilespmem:$0x18100] =	vst v63  }
0x56: {  	_ =	swait.ge [sflag:s25], $0x4000  }
0x57: {  	[sflag:s25] =	ssyncset.done $0x0  }
0x58: {  	[sflag:s25] =	ssyncadd.s32 $0xFFFFC000  }
0x59: {  	[tilespmem:s24], [sflag:$0x2] =	stream.linear.gather [hbm4b:s12+s30], $0x4000, $0x38;
	[tilespmem:$0x18100] =	vst v63  }
0x5a: {  	_ =	swait.ge [sflag:s25], $0x4000  }
0x5b: {  	[sflag:s25] =	ssyncset.done $0x0  }
0x5c: {  	[sflag:s25] =	ssyncadd.s32 $0xFFFFC000  }
0x5d: {  	[spmem:s13] =	stream.linear.scatter [tilespmem:s24], [sflag:$0x2], $0x4000, $0x38;
	[tilespmem:$0x18100] =	vst v63  }
0x5e: {  	_ =	swait.ge [sflag:s25], $0x4000  }
0x5f: {  	[sflag:s25] =	ssyncset.done $0x0  }
0x60: {  	[sflag:s25] =	ssyncadd.s32 $0xFFFFC000  }
0x61: {  	[tilespmem:s24], [sflag:$0x2] =	stream.linear.gather [hbm4b:s15+s30], $0x4000, $0x38;
	[tilespmem:$0x18100] =	vst v63  }
0x62: {  	_ =	swait.ge [sflag:s25], $0x4000  }
0x63: {  	[sflag:s25] =	ssyncset.done $0x0  }
0x64: {  	[sflag:s25] =	ssyncadd.s32 $0xFFFFC000  }
0x65: {  	[spmem:s16] =	stream.linear.scatter [tilespmem:s24], [sflag:$0x2], $0x4000, $0x38;
	[tilespmem:$0x18100] =	vst v63  }
0x66: {  	_ =	swait.ge [sflag:s25], $0x4000  }
0x67: {  	[sflag:s25] =	ssyncset.done $0x0  }
0x68: {  	[sflag:s25] =	ssyncadd.s32 $0xFFFFC000  }
0x69: {  	[tilespmem:s24], [sflag:$0x2] =	stream.linear.gather [hbm4b:s18+s30], $0x4000, $0x38;
	[tilespmem:$0x18100] =	vst v63  }
0x6a: {  	_ =	swait.ge [sflag:s25], $0x4000  }
0x6b: {  	[sflag:s25] =	ssyncset.done $0x0  }
0x6c: {  	[sflag:s25] =	ssyncadd.s32 $0xFFFFC000  }
0x6d: {  	[spmem:s20] =	stream.linear.scatter [tilespmem:s24], [sflag:$0x2], $0x4000, $0x38;
	[tilespmem:$0x18100] =	vst v63  }
0x6e: {  	_ =	swait.ge [sflag:s25], $0x4000  }
0x6f: {  	[sflag:s25] =	ssyncset.done $0x0  }
0x70: {  	[sflag:s25] =	ssyncadd.s32 $0xFFFFC000  }
0x71: {  	[tilespmem:s24], [sflag:$0x2] =	stream.linear.gather [hbm4b:s21+s30], $0x4000, $0x38;
	[tilespmem:$0x18100] =	vst v63  }
0x72: {  	_ =	swait.ge [sflag:s25], $0x4000  }
0x73: {  	[sflag:s25] =	ssyncset.done $0x0  }
0x74: {  	[sflag:s25] =	ssyncadd.s32 $0xFFFFC000  }
0x75: {  	[spmem:s22] =	stream.linear.scatter [tilespmem:s24], [sflag:$0x2], $0x4000, $0x38;
	[tilespmem:$0x18100] =	vst v63  }
0x76: {  	_ =	swait.ge [sflag:s25], $0x4000  }
0x77: {  	[sflag:s25] =	ssyncset.done $0x0  }
0x78: {  	[sflag:s25] =	ssyncadd.s32 $0xFFFFC000  }
0x79: {  	s0 =	sadd.s32 $0x0, s23;
	[bflag:$0x0] =	sbarrier.arrive $0xFFFF  }
0x7a: {  	[tilespmem:s3], [sflag:$0x2] =	stream.linear.gather [hbm4b:s0+s3], $0x80, $0x38;
	[tilespmem:$0x18100] =	vst v63  }
0x7b: {  	_ =	swait.ge [sflag:s25], $0x80  }
0x7c: {  	[sflag:s25] =	ssyncset.done $0x0  }
0x7d: {  	s0 =	sadd.s32 $0x9E00, s0;
	[sflag:s25] =	ssyncadd.s32 $0xFFFFFF80  }
0x7e: {  	[tilespmem:s26], [sflag:$0x2] =	stream.linear.gather [hbm4b:s0+s3], $0x80, $0x38;
	[tilespmem:$0x18100] =	vst v63  }
0x7f: {  	_ =	swait.ge [sflag:s25], $0x80  }
0x80: {  	[sflag:s25] =	ssyncset.done $0x0  }
0x81: {  	[sflag:s25] =	ssyncadd.s32 $0xFFFFFF80  }
0x82: {  	[tilespmem:s24], [sflag:$0x1] =	stream.indirect.gather [hbm4b:s4+s26], $0x80, s3, s26, $0xb8;
	[tilespmem:$0x18100] =	vst v63  }
0x83: {  	_ =	swait.ge [sflag:s28], $0x4000  }
0x84: {  	[sflag:s28] =	ssyncset.done $0x0  }
0x85: {  	[sflag:s28] =	ssyncadd.s32 $0xFFFFC000  }
0x86: {  	[spmem:s1] =	stream.indirect.scatter.add.f32 [tilespmem:s24], [sflag:$0x2], $0x80, s26, s26, $0xb8;
	[tilespmem:$0x18100] =	vst v63  }
0x87: {  	_ =	swait.ge [sflag:s25], $0x4000  }
0x88: {  	s31 =	simm.s32 $0x20;
	s30 =	simm.s32 $0x10;
	[sflag:s25] =	ssyncset.done $0x0  }
.LBB2_6:
0x89: {  	s0 =	sadd.s32 s30, s23  }
0x8a: {  	[sflag:s25] =	ssyncadd.s32 $0xFFFFC000;
	s30 =	smov.u32 s31;
	s2 =	sadd.s32 $0x10, s31  }
0x8b: {  	[tilespmem:s3], [sflag:$0x2] =	stream.linear.gather [hbm4b:s0+s3], $0x80, $0x38;
	[tilespmem:$0x18100] =	vst v63  }
0x8c: {  	p1 =	sne.s32 s31, $0x9D0;
	_ =	swait.ge [sflag:s25], $0x80  }
0x8d: {  	[sflag:s25] =	ssyncset.done $0x0  }
0x8e: {  	s0 =	sadd.s32 $0x9E00, s0;
	[sflag:s25] =	ssyncadd.s32 $0xFFFFFF80  }
0x8f: {  	[tilespmem:s26], [sflag:$0x2] =	stream.linear.gather [hbm4b:s0+s3], $0x80, $0x38;
	[tilespmem:$0x18100] =	vst v63  }
0x90: {  	_ =	swait.ge [sflag:s25], $0x80  }
0x91: {  	[sflag:s25] =	ssyncset.done $0x0  }
0x92: {  	[sflag:s25] =	ssyncadd.s32 $0xFFFFFF80  }
0x93: {  	[tilespmem:s24], [sflag:$0x1] =	stream.indirect.gather [hbm4b:s4+s26], $0x80, s3, s26, $0xb8;
	[tilespmem:$0x18100] =	vst v63  }
0x94: {  	_ =	swait.ge [sflag:s28], $0x4000  }
.Ltmp3:
0x95: {  	[sflag:s28] =	ssyncset.done $0x0;
	(pc) =	sbr.rel @p1 .LBB2_6-.Ltmp3, $4  }
0x96: {  	[sflag:s28] =	ssyncadd.s32 $0xFFFFC000  }
0x97: {  	[spmem:s1] =	stream.indirect.scatter.add.f32 [tilespmem:s24], [sflag:$0x2], $0x80, s26, s26, $0xb8;
	[tilespmem:$0x18100] =	vst v63  }
0x98: {  	_ =	swait.ge [sflag:s25], $0x4000  }
0x99: {  	s31 =	smov.u32 s2;
	[sflag:s25] =	ssyncset.done $0x0  }
.Ltmp4:
0x9a: {  	_ = 	snop;
	(pc) =	sbr.rel .LBB2_7-.Ltmp4, $1  }
0x9b: {  	_ =	sdelay $0x3  }
.LBB2_2:
0x9c: {  	[tilespmem:s24], [sflag:$0x2] =	stream.linear.gather [hbm4b:s9+s30], $0x4000, $0x38;
	[tilespmem:$0x18100] =	vst v63  }
0x9d: {  	_ =	swait.ge [sflag:s25], $0x4000  }
0x9e: {  	[sflag:s25] =	ssyncset.done $0x0  }
0x9f: {  	[sflag:s25] =	ssyncadd.s32 $0xFFFFC000  }
0xa0: {  	[spmem:s10] =	stream.linear.scatter [tilespmem:s24], [sflag:$0x2], $0x4000, $0x38;
	[tilespmem:$0x18100] =	vst v63  }
0xa1: {  	_ =	swait.ge [sflag:s25], $0x4000  }
0xa2: {  	[sflag:s25] =	ssyncset.done $0x0  }
0xa3: {  	[sflag:s25] =	ssyncadd.s32 $0xFFFFC000  }
0xa4: {  	[tilespmem:s24], [sflag:$0x2] =	stream.linear.gather [hbm4b:s12+s30], $0x4000, $0x38;
	[tilespmem:$0x18100] =	vst v63  }
0xa5: {  	_ =	swait.ge [sflag:s25], $0x4000  }
0xa6: {  	[sflag:s25] =	ssyncset.done $0x0  }
0xa7: {  	[sflag:s25] =	ssyncadd.s32 $0xFFFFC000  }
0xa8: {  	[spmem:s13] =	stream.linear.scatter [tilespmem:s24], [sflag:$0x2], $0x4000, $0x38;
	[tilespmem:$0x18100] =	vst v63  }
0xa9: {  	_ =	swait.ge [sflag:s25], $0x4000  }
0xaa: {  	[sflag:s25] =	ssyncset.done $0x0  }
0xab: {  	[sflag:s25] =	ssyncadd.s32 $0xFFFFC000  }
0xac: {  	[tilespmem:s24], [sflag:$0x2] =	stream.linear.gather [hbm4b:s15+s30], $0x4000, $0x38;
	[tilespmem:$0x18100] =	vst v63  }
0xad: {  	_ =	swait.ge [sflag:s25], $0x4000  }
0xae: {  	[sflag:s25] =	ssyncset.done $0x0  }
0xaf: {  	[sflag:s25] =	ssyncadd.s32 $0xFFFFC000  }
0xb0: {  	[spmem:s16] =	stream.linear.scatter [tilespmem:s24], [sflag:$0x2], $0x4000, $0x38;
	[tilespmem:$0x18100] =	vst v63  }
0xb1: {  	_ =	swait.ge [sflag:s25], $0x4000  }
0xb2: {  	[sflag:s25] =	ssyncset.done $0x0  }
0xb3: {  	[sflag:s25] =	ssyncadd.s32 $0xFFFFC000  }
0xb4: {  	[tilespmem:s24], [sflag:$0x2] =	stream.linear.gather [hbm4b:s18+s30], $0x4000, $0x38;
	[tilespmem:$0x18100] =	vst v63  }
0xb5: {  	_ =	swait.ge [sflag:s25], $0x4000  }
0xb6: {  	[sflag:s25] =	ssyncset.done $0x0  }
0xb7: {  	[sflag:s25] =	ssyncadd.s32 $0xFFFFC000  }
0xb8: {  	[spmem:s20] =	stream.linear.scatter [tilespmem:s24], [sflag:$0x2], $0x4000, $0x38;
	[tilespmem:$0x18100] =	vst v63  }
0xb9: {  	_ =	swait.ge [sflag:s25], $0x4000  }
0xba: {  	[sflag:s25] =	ssyncset.done $0x0  }
0xbb: {  	[sflag:s25] =	ssyncadd.s32 $0xFFFFC000  }
0xbc: {  	[tilespmem:s24], [sflag:$0x2] =	stream.linear.gather [hbm4b:s21+s30], $0x4000, $0x38;
	[tilespmem:$0x18100] =	vst v63  }
0xbd: {  	_ =	swait.ge [sflag:s25], $0x4000  }
0xbe: {  	[sflag:s25] =	ssyncset.done $0x0  }
0xbf: {  	[sflag:s25] =	ssyncadd.s32 $0xFFFFC000  }
0xc0: {  	[spmem:s22] =	stream.linear.scatter [tilespmem:s24], [sflag:$0x2], $0x4000, $0x38;
	[tilespmem:$0x18100] =	vst v63  }
0xc1: {  	_ =	swait.ge [sflag:s25], $0x4000  }
0xc2: {  	[sflag:s25] =	ssyncset.done $0x0  }
0xc3: {  	[sflag:s25] =	ssyncadd.s32 $0xFFFFC000  }
0xc4: {  	s30 =	sadd.s32 $0x0, s23;
	[bflag:$0x0] =	sbarrier.arrive $0xFFFF  }
0xc5: {  	[tilespmem:s3], [sflag:$0x2] =	stream.linear.gather [hbm4b:s30+s3], $0x80, $0x38;
	[tilespmem:$0x18100] =	vst v63  }
0xc6: {  	_ =	swait.ge [sflag:s25], $0x80  }
0xc7: {  	[sflag:s25] =	ssyncset.done $0x0  }
0xc8: {  	s30 =	sadd.s32 $0x9E00, s30;
	[sflag:s25] =	ssyncadd.s32 $0xFFFFFF80  }
0xc9: {  	[tilespmem:s26], [sflag:$0x2] =	stream.linear.gather [hbm4b:s30+s3], $0x80, $0x38;
	[tilespmem:$0x18100] =	vst v63  }
0xca: {  	_ =	swait.ge [sflag:s25], $0x80  }
0xcb: {  	[sflag:s25] =	ssyncset.done $0x0  }
0xcc: {  	[sflag:s25] =	ssyncadd.s32 $0xFFFFFF80  }
0xcd: {  	[tilespmem:s24], [sflag:$0x1] =	stream.indirect.gather [hbm4b:s4+s26], $0x80, s3, s26, $0xb8;
	[tilespmem:$0x18100] =	vst v63  }
0xce: {  	_ =	swait.ge [sflag:s28], $0x4000  }
0xcf: {  	[sflag:s28] =	ssyncset.done $0x0  }
0xd0: {  	[sflag:s28] =	ssyncadd.s32 $0xFFFFC000  }
0xd1: {  	[spmem:s1] =	stream.indirect.scatter.add.f32 [tilespmem:s24], [sflag:$0x2], $0x80, s26, s26, $0xb8;
	[tilespmem:$0x18100] =	vst v63  }
0xd2: {  	_ =	swait.ge [sflag:s25], $0x4000  }
0xd3: {  	s31 =	simm.s32 $0x20;
	s30 =	simm.s32 $0x10;
	[sflag:s25] =	ssyncset.done $0x0  }
.LBB2_3:
0xd4: {  	s0 =	sadd.s32 s30, s23  }
0xd5: {  	[sflag:s25] =	ssyncadd.s32 $0xFFFFC000;
	s30 =	smov.u32 s31;
	s2 =	sadd.s32 $0x10, s31  }
0xd6: {  	[tilespmem:s3], [sflag:$0x2] =	stream.linear.gather [hbm4b:s0+s3], $0x80, $0x38;
	[tilespmem:$0x18100] =	vst v63  }
0xd7: {  	p1 =	seq.s32 s31, $0x9D0;
	_ =	swait.ge [sflag:s25], $0x80  }
0xd8: {  	[sflag:s25] =	ssyncset.done $0x0  }
0xd9: {  	s0 =	sadd.s32 $0x9E00, s0;
	[sflag:s25] =	ssyncadd.s32 $0xFFFFFF80  }
0xda: {  	[tilespmem:s26], [sflag:$0x2] =	stream.linear.gather [hbm4b:s0+s3], $0x80, $0x38;
	[tilespmem:$0x18100] =	vst v63  }
0xdb: {  	_ =	swait.ge [sflag:s25], $0x80  }
0xdc: {  	[sflag:s25] =	ssyncset.done $0x0  }
0xdd: {  	[sflag:s25] =	ssyncadd.s32 $0xFFFFFF80  }
0xde: {  	[tilespmem:s24], [sflag:$0x1] =	stream.indirect.gather [hbm4b:s4+s26], $0x80, s3, s26, $0xb8;
	[tilespmem:$0x18100] =	vst v63  }
0xdf: {  	_ =	swait.ge [sflag:s28], $0x4000  }
.Ltmp5:
0xe0: {  	[sflag:s28] =	ssyncset.done $0x0;
	(pc) =	sbr.rel @!p1 .LBB2_3-.Ltmp5, $4  }
0xe1: {  	[sflag:s28] =	ssyncadd.s32 $0xFFFFC000  }
0xe2: {  	[spmem:s1] =	stream.indirect.scatter.add.f32 [tilespmem:s24], [sflag:$0x2], $0x80, s26, s26, $0xb8;
	[tilespmem:$0x18100] =	vst v63  }
0xe3: {  	_ =	swait.ge [sflag:s25], $0x4000  }
0xe4: {  	s31 =	smov.u32 s2;
	[sflag:s25] =	ssyncset.done $0x0  }
0xe5: {  	s0 =	sadd.s32 s30, s23;
	[sflag:s25] =	ssyncadd.s32 $0xFFFFC000  }
0xe6: {  	[tilespmem:s3], [sflag:$0x2] =	stream.linear.gather [hbm4b:s0+s3], $0x80, $0x38;
	[tilespmem:$0x18100] =	vst v63  }
0xe7: {  	_ =	swait.ge [sflag:s25], $0x80  }
0xe8: {  	[sflag:s25] =	ssyncset.done $0x0  }
0xe9: {  	s0 =	sadd.s32 $0x9E00, s0;
	[sflag:s25] =	ssyncadd.s32 $0xFFFFFF80  }
0xea: {  	[tilespmem:s26], [sflag:$0x2] =	stream.linear.gather [hbm4b:s0+s3], $0x80, $0x38;
	[tilespmem:$0x18100] =	vst v63  }
0xeb: {  	_ =	swait.ge [sflag:s25], $0x80  }
0xec: {  	[sflag:s25] =	ssyncset.done $0x0  }
0xed: {  	[sflag:s25] =	ssyncadd.s32 $0xFFFFFF80  }
0xee: {  	[tilespmem:s24], [sflag:$0x1] =	stream.indirect.gather [hbm4b:s4+s26], $0x80, s3, s26, $0xb8;
	[tilespmem:$0x18100] =	vst v63  }
0xef: {  	_ =	swait.ge [sflag:s28], $0x4000  }
0xf0: {  	[sflag:s28] =	ssyncset.done $0x0  }
.Ltmp6:
0xf1: {  	[sflag:s28] =	ssyncadd.s32 $0xFFFFC000;
	(pc) =	sbr.rel .LBB2_8-.Ltmp6, $4  }
0xf2: {  	[spmem:s1] =	stream.indirect.scatter.add.f32 [tilespmem:s24], [sflag:$0x2], $0x80, s26, s26, $0xb8;
	[tilespmem:$0x18100] =	vst v63  }
0xf3: {  	_ =	swait.ge [sflag:s25], $0x4000  }
0xf4: {  	[sflag:s25] =	ssyncset.done $0x0  }
0xf5: {  	s30 =	smov.u32 s6;
	[sflag:s25] =	ssyncadd.s32 $0xFFFFC000  }
.LBB2_9:
0xf6: {  	_ =	sfence.sel $0x180000  }
0xf7: {  	[bflag:$0x0] =	sbarrier.arrive $0xFFFF  }
0xf8: {  	_ =	strace $0x9000004A  }
0xf9: {  	s0 =	stileid.u32;
	[bflag:$0x2] =	sbarrier.arrive $0xFFFF  }
0xfa: {  	p0 =	sne.s32 s0, $0x0;
	s0 =	rddreg [dreg:$0x3]  }
0xfb: {  	s0 =	sadd.s32 @!p0 $0x100000, s0  }
0xfc: {  	[sflag:s0] =	ssyncadd.tile.s32 @!p0 $0x1;
	_ =	shalt  }
.Lfunc_end2:
_tile_overlayer_lowered:
.L_overlay_start_2:
0xfd: {  	(tag) =	ssettag $0x2  }
0xfe: {  	s0 =	rddreg [dreg:$0x0];
	s2 =	stileid.u32  }
0xff: {  	s1 =	rddreg [dreg:$0x1];
	p0 =	sne.s32 s2, $0x0  }
0x100: {  	s3 =	rddreg [dreg:$0x2];
	[bflag:$0x3] =	sbarrier.arrive $0xFFFF;
	s2 =	simm.s32 @!p0 $0x1C02  }
0x101: {  	[timem:s3], [sflag:s2] =	dma.local @!p0 [hbm:s0], s1  }
0x102: {  	s0 =	simm.s32 @!p0 $0x2  }
0x103: {  	_ =	swait.ge @!p0 [sflag:s0], s1  }
0x104: {  	s1 =	ssub.s32 @!p0 $0x0, s1;
	[sflag:s0] =	ssyncset.done @!p0 $0x0  }
0x105: {  	[sflag:s0] =	ssyncadd.s32 @!p0 s1  }
0x106: {  	[bflag:$0x3] =	sbarrier.arrive $0xFFFF  }
0x107: {  	_ =	shalt  }

// kernel: kernel.14.cloned.1.call-start
scs
__scs_entry_jumppad:
0x0: {  	(pc) =	sbr.rel $0x88, $3  }
0x1: {  	(tag) =	ssettag $0x0;
	lr =	simm.s32 $0x1  }
0x2: {  	[smem:$0x3F98] =	sst lr;
	_ =	strace $0xD0000000  }
0x3: {  	_ = 	snop  }
0x4: {  	_ = 	snop  }
0x5: {  	_ = 	snop  }
0x6: {  	_ = 	snop  }
0x7: {  	_ = 	snop  }
__scs_overlays_trampoline_lowered:
0x8: {  	[smem:$0x3FA7] =	sst s0  }
0x9: {  	[smem:$0x3FA8] =	sst s1  }
0xa: {  	[smem:$0x3FA9] =	sst s2  }
0xb: {  	[smem:$0x3FAA] =	sst s3  }
0xc: {  	[smem:$0x3FAB] =	sst s4  }
0xd: {  	[smem:$0x3FAC] =	sst s5  }
0xe: {  	[smem:$0x3FAD] =	sst s6  }
0xf: {  	[smem:$0x3FAE] =	sst s7  }
0x10: {  	[smem:$0x3FAF] =	sst s8  }
0x11: {  	[smem:$0x3FB0] =	sst s9;
	s0 =	simm.s32 @!p0 $0x0  }
0x12: {  	s1 =	sld [smem:$0x3F96];
	s0 =	simm.s32 @p0 $0x1  }
0x13: {  	[smem:$0x3FB1] =	sst s0;
	s0 =	simm.s32 @!p1 $0x0  }
0x14: {  	s2 =	sld [smem:$0x3F95];
	s0 =	simm.s32 @p1 $0x1  }
0x15: {  	[smem:$0x3FB2] =	sst s0;
	s0 =	simm.s32 @!p2 $0x0  }
0x16: {  	s3 =	sld [smem:$0x3FDB];
	s0 =	simm.s32 @p2 $0x1  }
0x17: {  	s4 =	simm.s32 $0x1BF5;
	[smem:$0x3FB4] =	sst s0  }
0x18: {  	s0 =	sld [smem:$0x3F97];
	_ =	swait.ge [sflag:s4], $0x0  }
0x19: {  	s7 =	sld [smem:$0x3F98]  }
0x1a: {  	s8 =	sadd.s32 $0xFFFFE003, lr  }
0x1b: {  	s9 =	sadd.s32 $0xFFFFFEF7, lr;
	s5 =	simm.s32 $0xFFFFFFFF;
	p2 =	slt.u32 s8, $0xFFFFF086  }
0x1c: {  	p1 =	slt.u32 s9, $0xF7A;
	s5 =	simm.s32 @!p2 $0x0  }
0x1d: {  	s5 =	simm.s32 @p1 $0x1;
	p0 =	seq.s32 s7, s2  }
0x1e: {  	s7 =	smul.u32 @!p0 $0xF7A, s2;
	p2 =	seq.s32 @!p0 s5, $0x0  }
0x1f: {  	s9 =	smul.u32 $0xF7A, s1;
	s8 =	simm.s32 @!p0 $0x1BF5;
	p2 =	por !p2, p0  }
0x20: {  	[sflag:s8] =	ssyncset.s32 @!p0 $0xFFFFF086;
	s6 =	sadd.s32 @!p0 s3, s7;
	s7 =	simm.s32 @!p0 $0x108  }
0x21: {  	s3 =	sadd.s32 s3, s9;
	s6 =	sadd.s32 @!p0 $0x88, s6;
	s7 =	simm.s32 @p2 $0x1082  }
0x22: {  	[simem:s7], [sflag:s8] =	dma.local @!p0 [hbm:s6], $0xF7A  }
0x23: {  	s9 =	sor.u32 $0xD0000000, s2;
	s6 =	simm.s32 $0x108;
	_ =	swait.ge @!p0 [sflag:s8], $0x0  }
0x24: {  	s3 =	sadd.s32 $0x88, s3;
	s6 =	simm.s32 @!p1 $0x1082;
	[sflag:s4] =	ssyncset.s32 $0xFFFFF086  }
0x25: {  	[simem:s6], [sflag:s4] =	dma.local [hbm:s3], $0xF7A  }
0x26: {  	[smem:$0x3F98] =	sst s1;
	(tag) =	ssettag s2;
	_ =	strace s9  }
0x27: {  	s1 =	sld [smem:$0x3FA8]  }
0x28: {  	s2 =	sld [smem:$0x3FA9]  }
0x29: {  	s4 =	sld [smem:$0x3FAB]  }
0x2a: {  	p0 =	seq.s32 s5, $0x0;
	s5 =	sld [smem:$0x3FAC]  }
0x2b: {  	s6 =	sld [smem:$0x3FAD]  }
0x2c: {  	s7 =	sld [smem:$0x3FAE]  }
0x2d: {  	s3 =	simm.s32 $0x108;
	s8 =	sld [smem:$0x3FAF]  }
0x2e: {  	s3 =	simm.s32 @!p0 $0x1082;
	s9 =	sld [smem:$0x3FB0]  }
0x2f: {  	lr =	sadd.s32 s0, s3;
	s0 =	sld [smem:$0x3FA7]  }
0x30: {  	s3 =	sld [smem:$0x3FAA]  }
0x31: {  	[smem:$0x3FB3] =	sst s10  }
0x32: {  	s10 =	sld [smem:$0x3FB1];
	_ =	sdelay $0x3  }
0x33: {  	p0 =	seq.s32 s10, $0x1;
	s10 =	sld [smem:$0x3FB3];
	_ =	sdelay $0x3  }
0x34: {  	[smem:$0x3FB3] =	sst s10  }
0x35: {  	s10 =	sld [smem:$0x3FB2];
	_ =	sdelay $0x3  }
0x36: {  	p1 =	seq.s32 s10, $0x1;
	s10 =	sld [smem:$0x3FB3];
	_ =	sdelay $0x3  }
0x37: {  	[smem:$0x3FB3] =	sst s10  }
0x38: {  	s10 =	sld [smem:$0x3FB4]  }
0x39: {  	_ = 	snop;
	(pc) =	sbr.ind lr, $3  }
0x3a: {  	_ = 	snop  }
0x3b: {  	_ = 	snop  }
0x3c: {  	p2 =	seq.s32 s10, $0x1;
	s10 =	sld [smem:$0x3FB3]  }
0x3d: {  	_ =	shalt  }
0x3e: {  	_ =	shalt  }
0x3f: {  	_ =	shalt  }
0x40: {  	_ =	shalt  }
0x41: {  	_ =	shalt  }
0x42: {  	_ =	shalt  }
0x43: {  	_ =	shalt  }
0x44: {  	_ =	shalt  }
0x45: {  	_ =	shalt  }
0x46: {  	_ =	shalt  }
0x47: {  	_ =	shalt  }
0x48: {  	_ =	shalt  }
0x49: {  	_ =	shalt  }
0x4a: {  	_ =	shalt  }
0x4b: {  	_ =	shalt  }
0x4c: {  	_ =	shalt  }
0x4d: {  	_ =	shalt  }
0x4e: {  	_ =	shalt  }
0x4f: {  	_ =	shalt  }
0x50: {  	_ =	shalt  }
0x51: {  	_ =	shalt  }
0x52: {  	_ =	shalt  }
0x53: {  	_ =	shalt  }
0x54: {  	_ =	shalt  }
0x55: {  	_ =	shalt  }
0x56: {  	_ =	shalt  }
0x57: {  	_ =	shalt  }
0x58: {  	_ =	shalt  }
0x59: {  	_ =	shalt  }
0x5a: {  	_ =	shalt  }
0x5b: {  	_ =	shalt  }
0x5c: {  	_ =	shalt  }
0x5d: {  	_ =	shalt  }
0x5e: {  	_ =	shalt  }
0x5f: {  	_ =	shalt  }
0x60: {  	_ =	shalt  }
0x61: {  	_ =	shalt  }
0x62: {  	_ =	shalt  }
0x63: {  	_ =	shalt  }
0x64: {  	_ =	shalt  }
0x65: {  	_ =	shalt  }
0x66: {  	_ =	shalt  }
0x67: {  	_ =	shalt  }
0x68: {  	_ =	shalt  }
0x69: {  	_ =	shalt  }
0x6a: {  	_ =	shalt  }
0x6b: {  	_ =	shalt  }
0x6c: {  	_ =	shalt  }
0x6d: {  	_ =	shalt  }
0x6e: {  	_ =	shalt  }
0x6f: {  	_ =	shalt  }
0x70: {  	_ =	shalt  }
0x71: {  	_ =	shalt  }
0x72: {  	_ =	shalt  }
0x73: {  	_ =	shalt  }
0x74: {  	_ =	shalt  }
0x75: {  	_ =	shalt  }
0x76: {  	_ =	shalt  }
0x77: {  	_ =	shalt  }
0x78: {  	_ =	shalt  }
0x79: {  	_ =	shalt  }
0x7a: {  	_ =	shalt  }
0x7b: {  	_ =	shalt  }
0x7c: {  	_ =	shalt  }
0x7d: {  	_ =	shalt  }
0x7e: {  	_ =	shalt  }
0x7f: {  	_ =	shalt  }
0x80: {  	_ =	shalt  }
0x81: {  	_ =	shalt  }
0x82: {  	_ =	shalt  }
0x83: {  	_ =	shalt  }
0x84: {  	_ =	shalt  }
0x85: {  	_ =	shalt  }
0x86: {  	_ =	shalt  }
0x87: {  	_ =	shalt  }
.Lfunc_end0:
.L_simem_size_0:
called_computation.2_lowered:
.L_overlay_start_0:
0x88: {  	s2 =	sld [smem:$0x3FD9]  }
0x89: {  	s3 =	sld [smem:$0x3FFE];
	_ =	sdelay $0x1  }
0x8a: {  	s1 =	srdreg.scid  }
0x8b: {  	s0 =	sand.u32 $0x1, s1  }
0x8c: {  	s14 =	sshll.u32 s0, $0xA;
	s2 =	sadd.s32 s3, s2  }
0x8d: {  	s2 =	sadd.s32 s2, s14  }
0x8e: {  	[smem:$0x3FBF] =	sst s2  }
0x8f: {  	_ = 	snop  }
0x90: {  	s2 =	sld [smem:$0x3FD0];
	_ =	sdelay $0x2  }
0x91: {  	s15 =	simm.s32 $0xA;
	s4 =	simm.s32 $0x10  }
0x92: {  	[smem:s4], [sflag:s15] =	dma.local [hbm:s2], $0x1  }
0x93: {  	_ =	swait.eq [sflag:s15], $0x1  }
0x94: {  	[sflag:s15] =	ssyncset.done $0x0  }
0x95: {  	[sflag:s15] =	ssyncadd.s32 $0xFFFFFFFF  }
0x96: {  	s16 =	sld [smem:$0x10];
	(tm) =	ssettm $0x1  }
0x97: {  	s17 =	sld [smem:$0x3FFB];
	_ =	sdelay $0x3  }
0x98: {  	_ =	strace s17  }
0x99: {  	s3 =	sld [smem:$0x3FFC];
	_ =	sdelay $0x3  }
0x9a: {  	_ =	strace s3  }
0x9b: {  	s3 =	sld [smem:$0x3FFD];
	_ =	sdelay $0x3  }
0x9c: {  	_ =	strace s3  }
0x9d: {  	_ =	strace $0x8FFFFFFF  }
0x9e: {  	s18 =	sld [smem:$0x3FDB];
	_ =	sdelay $0x1  }
0x9f: {  	s19 =	simm.s32 $_scs_section_size  }
0xa0: {  	s5 =	simm.s32 $_size__tile_overlayer_lowered;
	s6 =	simm.s32 $_tile_overlayer_lowered  }
0xa1: {  	s22 =	simm.s32 $0x1BFF;
	s21 =	sshll.u32 s6, $0x1;
	s3 =	sadd.s32 s19, s18  }
0xa2: {  	s7 =	simm.s32 $0x0;
	s20 =	sshll.u32 s5, $0x1;
	s5 =	sadd.s32 s21, s3  }
0xa3: {  	[timem:s7], [sflag:s22] =	dma.local [hbm:s5], s20  }
0xa4: {  	_ =	swait.ge [sflag:s22], s20  }
0xa5: {  	s4 =	ssub.s32 $0x0, s20;
	[sflag:s22] =	ssyncset.done $0x0  }
0xa6: {  	[sflag:s22] =	ssyncadd.s32 s4;
	_ =	sdelay $0x1  }
0xa7: {  	s23 =	simm.s32 $0x1B8B  }
0xa8: {  	_ =	swait.ge [sflag:s23], $0x1  }
0xa9: {  	[sflag:s23] =	ssyncset.done $0x0  }
0xaa: {  	s25 =	simm.s32 $0x1B8E;
	s24 =	sld [smem:$0x3FFE];
	[sflag:s23] =	ssyncadd.s32 $0xFFFFFFFF  }
0xab: {  	s26 =	simm.s32 $execute0_lowered;
	[smem:$0x3FD2] =	sst s25  }
0xac: {  	s5 =	sshll.u32 s26, $0x1;
	_ =	strace $0x8000004C;
	[dreg:$0x1] =	wrdreg $0xFFFFFFFF  }
0xad: {  	s28 =	simm.s32 $_size_execute0_lowered;
	s3 =	sadd.s32 s3, s5;
	[dreg:$0x0] =	wrdreg $0x0  }
0xae: {  	s5 =	sshll.u32 s28, $0x1;
	[dreg:$0x2] =	wrdreg s3  }
0xaf: {  	[dreg:$0x3] =	wrdreg s5  }
0xb0: {  	[dreg:$0x4] =	wrdreg $0xC0  }
0xb1: {  	_ =	task [dreg:s7], $0x5FFFF  }
0xb2: {  	[dreg:$0x1] =	wrdreg $0xFFFFFFFF  }
0xb3: {  	[dreg:$0x0] =	wrdreg $0x60  }
0xb4: {  	[dreg:$0x2] =	wrdreg s24  }
0xb5: {  	[dreg:$0x3] =	wrdreg s16  }
0xb6: {  	[dreg:$0x4] =	wrdreg $0x41000  }
0xb7: {  	[dreg:$0x5] =	wrdreg $0x9  }
0xb8: {  	_ =	task.clear_ibuf [dreg:s7], $0x6FFFF;
	_ =	strace $0x9000004C  }
0xb9: {  	s29 =	simm.s32 $0x9;
	_ =	strace $0x8000004E  }
0xba: {  	_ =	swait.ge [sflag:s29], $0x1  }
0xbb: {  	[sflag:s29] =	ssyncadd.s32 $0xFFFFFFFF  }
0xbc: {  	_ =	strace $0x9000004E  }
0xbd: {  	_ =	sfence  }
0xbe: {  	s30 =	sld [smem:$0x0];
	_ =	sdelay $0x2  }
0xbf: {  	s31 =	sshll.u32 s1, $0xD;
	s1 =	sshrl.u32 s1, $0x2  }
0xc0: {  	s3 =	sand.u32 $0x4000, s31;
	s1 =	sadd.s32 s1, s30  }
0xc1: {  	s0 =	sor.u32 s3, s0;
	s1 =	sshll.u32 s1, $0x11  }
0xc2: {  	s0 =	sor.u32 s1, s0  }
0xc3: {  	s0 =	sadd.s32 $0x8F2B, s0  }
0xc4: {  	[sflag:s0] =	ssyncadd.remote.s32 $0x1  }
0xc5: {  	_ =	sfence.sel $0xFFFF  }
0xc6: {  	[dreg:$0x0] =	wrdreg $0xFFFFFFFF;
	(pc) =	sbr.abs _section_cstart, $3  }
0xc7: {  	[dreg:$0x1] =	wrdreg $0xFFFFFFFF  }
0xc8: {  	_ =	task.clear_ibuf [dreg:s7], $0x2FFFF;
	_ =	strace $0x9FFFFFFF  }
0xc9: {  	(tm) =	ssettm $0x7FFFFFFF  }
tec
execute0_lowered:
.L_overlay_start_1:
0x0: {  	(tag) =	ssettag $0x1  }
0x1: {  	s0 =	rddreg [dreg:$0x0]  }
0x2: {  	s3 =	rddreg [dreg:$0x1]  }
0x3: {  	s1 =	rddreg [dreg:$0x2]  }
0x4: {  	s2 =	simm.s32 $0x0;
	s6 =	srdreg.scid;
	s13 =	stileid.u32  }
0x5: {  	s31 =	simm.s32 $0x100;
	[smem:$0x7FF] =	sst s2;
	s4 =	sadd.s32 $0x4600, s0  }
0x6: {  	s5 =	sadd.s32 $0x54600, s0;
	s6 =	sand.u32 $0x1, s6;
	s10 =	smul.u32 $0x280, s13  }
0x7: {  	s7 =	sadd.s32 $0x7C600, s0;
	s0 =	sadd.s32 $0xA4600, s0;
	s11 =	smul.u32 $0x50000, s13  }
0x8: {  	s8 =	smul.u32 $0x2800, s13;
	_ =	strace $0x8000004D;
	[dreg:$0x4] =	wrdreg s7  }
0x9: {  	s25 =	smul.u32 $0x9E0, s13;
	s12 =	ssub.s32 $0x2, s6;
	[dreg:$0x5] =	wrdreg s0  }
0xa: {  	p0 =	seq.s32 s6, $0x1;
	s7 =	simm.s32 $0x0;
	s14 =	sshrl.u32 s12, $0x1  }
0xb: {  	s15 =	sshrl.u32 s11, $0x2;
	s16 =	sadd.s32 $0x80, s10;
	s17 =	sadd.s32 s4, s8  }
0xc: {  	s20 =	sadd.s32 $0x100, s10;
	s21 =	sadd.s32 $0x180, s10;
	s24 =	sadd.s32 $0x200, s10  }
0xd: {  	s0 =	ssub.s32 s12, s14;
	[dreg:$0x6] =	wrdreg s17;
	s11 =	sadd.s32 s15, s1  }
0xe: {  	s12 =	sshll.u32 s16, $0x4;
	s19 =	sshll.u32 s16, $0x7;
	s15 =	sshll.u32 s20, $0x4  }
0xf: {  	s6 =	sshll.u32 s20, $0x7;
	s17 =	sshll.u32 s21, $0x4;
	s20 =	sshll.u32 s24, $0x4  }
0x10: {  	s26 =	sshll.u32 s24, $0x7;
	s24 =	sadd.s32 s25, s3;
	s25 =	sadd.s32 s5, s8  }
0x11: {  	s3 =	simm.s32 $0x80;
	s9 =	smax.u32 s0, $0x1;
	s18 =	sadd.s32 s4, s12  }
0x12: {  	s14 =	sadd.s32 s19, s1;
	s22 =	sadd.s32 s4, s15;
	s23 =	sadd.s32 s4, s17  }
.Ltmp0:
0x13: {  	s0 =	sshll.u32 s21, $0x7;
	[dreg:$0x7] =	wrdreg s18;
	(pc) =	sbr.rel .LBB2_1-.Ltmp0, $4  }
0x14: {  	s28 =	sadd.s32 s5, s15;
	s29 =	sadd.s32 s5, s17;
	[dreg:$0x8] =	wrdreg s22  }
0x15: {  	s30 =	sadd.s32 s5, s20;
	s18 =	sadd.s32 s6, s1;
	[dreg:$0x9] =	wrdreg s23  }
0x16: {  	s21 =	sadd.s32 s0, s1;
	s22 =	sadd.s32 s4, s20;
	s23 =	sadd.s32 s26, s1  }
0x17: {  	s26 =	sadd.s32 s5, s12;
	s0 =	simm.s32 $0x2;
	s6 =	simm.s32 $0x1  }
.LBB2_7:
0x18: {  	s10 =	sadd.s32 s10, s24;
	[sflag:s0] =	ssyncadd.s32 $0xFFFFC000  }
0x19: {  	[tilespmem:s2], [sflag:$0x2] =	stream.linear.gather [hbm4b:s10+s2], $0x80, $0x38;
	[tilespmem:$0x18100] =	vst v63  }
0x1a: {  	_ =	swait.ge [sflag:s0], $0x80  }
0x1b: {  	[sflag:s0] =	ssyncset.done $0x0  }
0x1c: {  	s10 =	sadd.s32 $0x9E00, s10;
	[sflag:s0] =	ssyncadd.s32 $0xFFFFFF80  }
0x1d: {  	[tilespmem:s3], [sflag:$0x2] =	stream.linear.gather [hbm4b:s10+s2], $0x80, $0x38;
	[tilespmem:$0x18100] =	vst v63  }
0x1e: {  	_ =	swait.ge [sflag:s0], $0x80  }
0x1f: {  	[sflag:s0] =	ssyncset.done $0x0  }
0x20: {  	[sflag:s0] =	ssyncadd.s32 $0xFFFFFF80  }
0x21: {  	[tilespmem:s31], [sflag:$0x1] =	stream.indirect.gather [hbm4b:s5+s3], $0x80, s2, s3, $0xb8;
	[tilespmem:$0x18100] =	vst v63  }
0x22: {  	_ =	swait.ge [sflag:s6], $0x4000  }
0x23: {  	[sflag:s6] =	ssyncset.done $0x0  }
0x24: {  	[sflag:s6] =	ssyncadd.s32 $0xFFFFC000  }
0x25: {  	[spmem:s1] =	stream.indirect.scatter.add.f32 [tilespmem:s31], [sflag:$0x2], $0x80, s3, s3, $0xb8;
	[tilespmem:$0x18100] =	vst v63  }
0x26: {  	_ =	swait.ge [sflag:s0], $0x4000  }
0x27: {  	[sflag:s0] =	ssyncset.done $0x0  }
0x28: {  	s10 =	rddreg [dreg:$0x5];
	[sflag:s0] =	ssyncadd.s32 $0xFFFFC000  }
.LBB2_8:
0x29: {  	[bflag:$0x0] =	sbarrier.arrive $0xFFFF  }
0x2a: {  	[tilespmem:s31], [sflag:$0x2] =	stream.linear.gather [spmem:s11], $0x4000, $0x38;
	[tilespmem:$0x18100] =	vst v63  }
0x2b: {  	_ =	swait.ge [sflag:s0], $0x4000  }
0x2c: {  	[sflag:s0] =	ssyncset.done $0x0  }
0x2d: {  	s13 =	sadd.s32 s10, s8;
	[sflag:s0] =	ssyncadd.s32 $0xFFFFC000  }
0x2e: {  	[hbm4b:s13+s2] =	stream.linear.scatter [tilespmem:s31], [sflag:$0x2], $0x4000, $0x38;
	[tilespmem:$0x18100] =	vst v63  }
0x2f: {  	_ =	swait.ge [sflag:s0], $0x4000  }
0x30: {  	[sflag:s0] =	ssyncset.done $0x0  }
0x31: {  	[sflag:s0] =	ssyncadd.s32 $0xFFFFC000  }
0x32: {  	[tilespmem:s31], [sflag:$0x2] =	stream.linear.gather [spmem:s14], $0x4000, $0x38;
	[tilespmem:$0x18100] =	vst v63  }
0x33: {  	_ =	swait.ge [sflag:s0], $0x4000  }
0x34: {  	[sflag:s0] =	ssyncset.done $0x0  }
0x35: {  	s16 =	sadd.s32 s10, s12;
	[sflag:s0] =	ssyncadd.s32 $0xFFFFC000  }
0x36: {  	[hbm4b:s16+s2] =	stream.linear.scatter [tilespmem:s31], [sflag:$0x2], $0x4000, $0x38;
	[tilespmem:$0x18100] =	vst v63  }
0x37: {  	_ =	swait.ge [sflag:s0], $0x4000  }
0x38: {  	[sflag:s0] =	ssyncset.done $0x0  }
0x39: {  	[sflag:s0] =	ssyncadd.s32 $0xFFFFC000  }
0x3a: {  	[tilespmem:s31], [sflag:$0x2] =	stream.linear.gather [spmem:s18], $0x4000, $0x38;
	[tilespmem:$0x18100] =	vst v63  }
0x3b: {  	_ =	swait.ge [sflag:s0], $0x4000  }
0x3c: {  	[sflag:s0] =	ssyncset.done $0x0  }
0x3d: {  	s19 =	sadd.s32 s10, s15;
	[sflag:s0] =	ssyncadd.s32 $0xFFFFC000  }
0x3e: {  	[hbm4b:s19+s2] =	stream.linear.scatter [tilespmem:s31], [sflag:$0x2], $0x4000, $0x38;
	[tilespmem:$0x18100] =	vst v63  }
0x3f: {  	_ =	swait.ge [sflag:s0], $0x4000  }
0x40: {  	[sflag:s0] =	ssyncset.done $0x0  }
0x41: {  	[sflag:s0] =	ssyncadd.s32 $0xFFFFC000  }
0x42: {  	[tilespmem:s31], [sflag:$0x2] =	stream.linear.gather [spmem:s21], $0x4000, $0x38;
	[tilespmem:$0x18100] =	vst v63  }
0x43: {  	_ =	swait.ge [sflag:s0], $0x4000  }
0x44: {  	[sflag:s0] =	ssyncset.done $0x0  }
0x45: {  	s16 =	sadd.s32 s10, s17;
	[sflag:s0] =	ssyncadd.s32 $0xFFFFC000  }
0x46: {  	[hbm4b:s16+s2] =	stream.linear.scatter [tilespmem:s31], [sflag:$0x2], $0x4000, $0x38;
	[tilespmem:$0x18100] =	vst v63  }
0x47: {  	_ =	swait.ge [sflag:s0], $0x4000  }
0x48: {  	[sflag:s0] =	ssyncset.done $0x0  }
0x49: {  	[sflag:s0] =	ssyncadd.s32 $0xFFFFC000  }
0x4a: {  	[tilespmem:s31], [sflag:$0x2] =	stream.linear.gather [spmem:s23], $0x4000, $0x38;
	[tilespmem:$0x18100] =	vst v63  }
0x4b: {  	s7 =	sadd.s32 $0x1, s7;
	_ =	swait.ge [sflag:s0], $0x4000  }
0x4c: {  	p1 =	sne.s32 s7, s9;
	[sflag:s0] =	ssyncset.done $0x0  }
.Ltmp1:
0x4d: {  	s19 =	sadd.s32 s10, s20;
	[sflag:s0] =	ssyncadd.s32 $0xFFFFC000;
	(pc) =	sbr.rel @!p1 .LBB2_9-.Ltmp1, $4  }
0x4e: {  	[hbm4b:s19+s2] =	stream.linear.scatter [tilespmem:s31], [sflag:$0x2], $0x4000, $0x38;
	[tilespmem:$0x18100] =	vst v63  }
0x4f: {  	_ =	swait.ge [sflag:s0], $0x4000  }
0x50: {  	[sflag:s0] =	ssyncset.done $0x0  }
0x51: {  	[sflag:s0] =	ssyncadd.s32 $0xFFFFC000  }
.LBB2_1:
.Ltmp2:
0x52: {  	(pc) =	sbr.rel @!p0 .LBB2_2-.Ltmp2, $2  }
0x53: {  	_ =	sdelay $0x2  }
0x54: {  	s10 =	simm.s32 $0x0  }
0x55: {  	[tilespmem:s31], [sflag:$0x2] =	stream.linear.gather [hbm4b:s25+s10], $0x4000, $0x38;
	[tilespmem:$0x18100] =	vst v63  }
0x56: {  	_ =	swait.ge [sflag:s0], $0x4000  }
0x57: {  	[sflag:s0] =	ssyncset.done $0x0  }
0x58: {  	[sflag:s0] =	ssyncadd.s32 $0xFFFFC000  }
0x59: {  	[spmem:s11] =	stream.linear.scatter [tilespmem:s31], [sflag:$0x2], $0x4000, $0x38;
	[tilespmem:$0x18100] =	vst v63  }
0x5a: {  	_ =	swait.ge [sflag:s0], $0x4000  }
0x5b: {  	[sflag:s0] =	ssyncset.done $0x0  }
0x5c: {  	[sflag:s0] =	ssyncadd.s32 $0xFFFFC000  }
0x5d: {  	[tilespmem:s31], [sflag:$0x2] =	stream.linear.gather [hbm4b:s26+s10], $0x4000, $0x38;
	[tilespmem:$0x18100] =	vst v63  }
0x5e: {  	_ =	swait.ge [sflag:s0], $0x4000  }
0x5f: {  	[sflag:s0] =	ssyncset.done $0x0  }
0x60: {  	[sflag:s0] =	ssyncadd.s32 $0xFFFFC000  }
0x61: {  	[spmem:s14] =	stream.linear.scatter [tilespmem:s31], [sflag:$0x2], $0x4000, $0x38;
	[tilespmem:$0x18100] =	vst v63  }
0x62: {  	_ =	swait.ge [sflag:s0], $0x4000  }
0x63: {  	[sflag:s0] =	ssyncset.done $0x0  }
0x64: {  	[sflag:s0] =	ssyncadd.s32 $0xFFFFC000  }
0x65: {  	[tilespmem:s31], [sflag:$0x2] =	stream.linear.gather [hbm4b:s28+s10], $0x4000, $0x38;
	[tilespmem:$0x18100] =	vst v63  }
0x66: {  	_ =	swait.ge [sflag:s0], $0x4000  }
0x67: {  	[sflag:s0] =	ssyncset.done $0x0  }
0x68: {  	[sflag:s0] =	ssyncadd.s32 $0xFFFFC000  }
0x69: {  	[spmem:s18] =	stream.linear.scatter [tilespmem:s31], [sflag:$0x2], $0x4000, $0x38;
	[tilespmem:$0x18100] =	vst v63  }
0x6a: {  	_ =	swait.ge [sflag:s0], $0x4000  }
0x6b: {  	[sflag:s0] =	ssyncset.done $0x0  }
0x6c: {  	[sflag:s0] =	ssyncadd.s32 $0xFFFFC000  }
0x6d: {  	[tilespmem:s31], [sflag:$0x2] =	stream.linear.gather [hbm4b:s29+s10], $0x4000, $0x38;
	[tilespmem:$0x18100] =	vst v63  }
0x6e: {  	_ =	swait.ge [sflag:s0], $0x4000  }
0x6f: {  	[sflag:s0] =	ssyncset.done $0x0  }
0x70: {  	[sflag:s0] =	ssyncadd.s32 $0xFFFFC000  }
0x71: {  	[spmem:s21] =	stream.linear.scatter [tilespmem:s31], [sflag:$0x2], $0x4000, $0x38;
	[tilespmem:$0x18100] =	vst v63  }
0x72: {  	_ =	swait.ge [sflag:s0], $0x4000  }
0x73: {  	[sflag:s0] =	ssyncset.done $0x0  }
0x74: {  	[sflag:s0] =	ssyncadd.s32 $0xFFFFC000  }
0x75: {  	[tilespmem:s31], [sflag:$0x2] =	stream.linear.gather [hbm4b:s30+s10], $0x4000, $0x38;
	[tilespmem:$0x18100] =	vst v63  }
0x76: {  	_ =	swait.ge [sflag:s0], $0x4000  }
0x77: {  	[sflag:s0] =	ssyncset.done $0x0  }
0x78: {  	[sflag:s0] =	ssyncadd.s32 $0xFFFFC000  }
0x79: {  	[spmem:s23] =	stream.linear.scatter [tilespmem:s31], [sflag:$0x2], $0x4000, $0x38;
	[tilespmem:$0x18100] =	vst v63  }
0x7a: {  	_ =	swait.ge [sflag:s0], $0x4000  }
0x7b: {  	[sflag:s0] =	ssyncset.done $0x0  }
0x7c: {  	[sflag:s0] =	ssyncadd.s32 $0xFFFFC000  }
0x7d: {  	s19 =	sadd.s32 $0x0, s24;
	[bflag:$0x0] =	sbarrier.arrive $0xFFFF  }
0x7e: {  	[tilespmem:s2], [sflag:$0x2] =	stream.linear.gather [hbm4b:s19+s2], $0x80, $0x38;
	[tilespmem:$0x18100] =	vst v63  }
0x7f: {  	_ =	swait.ge [sflag:s0], $0x80  }
0x80: {  	[sflag:s0] =	ssyncset.done $0x0  }
0x81: {  	s10 =	sadd.s32 $0x9E00, s19;
	[sflag:s0] =	ssyncadd.s32 $0xFFFFFF80  }
0x82: {  	[tilespmem:s3], [sflag:$0x2] =	stream.linear.gather [hbm4b:s10+s2], $0x80, $0x38;
	[tilespmem:$0x18100] =	vst v63  }
0x83: {  	_ =	swait.ge [sflag:s0], $0x80  }
0x84: {  	[sflag:s0] =	ssyncset.done $0x0  }
0x85: {  	[sflag:s0] =	ssyncadd.s32 $0xFFFFFF80  }
0x86: {  	[tilespmem:s31], [sflag:$0x1] =	stream.indirect.gather [hbm4b:s5+s3], $0x80, s2, s3, $0xb8;
	[tilespmem:$0x18100] =	vst v63  }
0x87: {  	_ =	swait.ge [sflag:s6], $0x4000  }
0x88: {  	[sflag:s6] =	ssyncset.done $0x0  }
0x89: {  	[sflag:s6] =	ssyncadd.s32 $0xFFFFC000  }
0x8a: {  	[spmem:s1] =	stream.indirect.scatter.add.f32 [tilespmem:s31], [sflag:$0x2], $0x80, s3, s3, $0xb8;
	[tilespmem:$0x18100] =	vst v63  }
0x8b: {  	_ =	swait.ge [sflag:s0], $0x4000  }
0x8c: {  	s13 =	simm.s32 $0x20;
	s10 =	simm.s32 $0x10;
	[sflag:s0] =	ssyncset.done $0x0  }
.LBB2_6:
0x8d: {  	s16 =	sadd.s32 s10, s24  }
0x8e: {  	[sflag:s0] =	ssyncadd.s32 $0xFFFFC000;
	s10 =	smov.u32 s13;
	s19 =	sadd.s32 $0x10, s13  }
0x8f: {  	[tilespmem:s2], [sflag:$0x2] =	stream.linear.gather [hbm4b:s16+s2], $0x80, $0x38;
	[tilespmem:$0x18100] =	vst v63  }
0x90: {  	p1 =	sne.s32 s13, $0x9D0;
	_ =	swait.ge [sflag:s0], $0x80  }
0x91: {  	[sflag:s0] =	ssyncset.done $0x0  }
0x92: {  	s13 =	sadd.s32 $0x9E00, s16;
	[sflag:s0] =	ssyncadd.s32 $0xFFFFFF80  }
0x93: {  	[tilespmem:s3], [sflag:$0x2] =	stream.linear.gather [hbm4b:s13+s2], $0x80, $0x38;
	[tilespmem:$0x18100] =	vst v63  }
0x94: {  	_ =	swait.ge [sflag:s0], $0x80  }
0x95: {  	[sflag:s0] =	ssyncset.done $0x0  }
0x96: {  	[sflag:s0] =	ssyncadd.s32 $0xFFFFFF80  }
0x97: {  	[tilespmem:s31], [sflag:$0x1] =	stream.indirect.gather [hbm4b:s5+s3], $0x80, s2, s3, $0xb8;
	[tilespmem:$0x18100] =	vst v63  }
0x98: {  	_ =	swait.ge [sflag:s6], $0x4000  }
.Ltmp3:
0x99: {  	[sflag:s6] =	ssyncset.done $0x0;
	(pc) =	sbr.rel @p1 .LBB2_6-.Ltmp3, $4  }
0x9a: {  	[sflag:s6] =	ssyncadd.s32 $0xFFFFC000  }
0x9b: {  	[spmem:s1] =	stream.indirect.scatter.add.f32 [tilespmem:s31], [sflag:$0x2], $0x80, s3, s3, $0xb8;
	[tilespmem:$0x18100] =	vst v63  }
0x9c: {  	_ =	swait.ge [sflag:s0], $0x4000  }
0x9d: {  	s13 =	smov.u32 s19;
	[sflag:s0] =	ssyncset.done $0x0  }
.Ltmp4:
0x9e: {  	_ = 	snop;
	(pc) =	sbr.rel .LBB2_7-.Ltmp4, $1  }
0x9f: {  	_ =	sdelay $0x3  }
.LBB2_2:
0xa0: {  	s13 =	rddreg [dreg:$0x6]  }
0xa1: {  	[tilespmem:s31], [sflag:$0x2] =	stream.linear.gather [hbm4b:s13+s10], $0x4000, $0x38;
	[tilespmem:$0x18100] =	vst v63  }
0xa2: {  	_ =	swait.ge [sflag:s0], $0x4000  }
0xa3: {  	[sflag:s0] =	ssyncset.done $0x0  }
0xa4: {  	[sflag:s0] =	ssyncadd.s32 $0xFFFFC000  }
0xa5: {  	[spmem:s11] =	stream.linear.scatter [tilespmem:s31], [sflag:$0x2], $0x4000, $0x38;
	[tilespmem:$0x18100] =	vst v63  }
0xa6: {  	_ =	swait.ge [sflag:s0], $0x4000  }
0xa7: {  	[sflag:s0] =	ssyncset.done $0x0  }
0xa8: {  	s16 =	rddreg [dreg:$0x7];
	[sflag:s0] =	ssyncadd.s32 $0xFFFFC000  }
0xa9: {  	[tilespmem:s31], [sflag:$0x2] =	stream.linear.gather [hbm4b:s16+s10], $0x4000, $0x38;
	[tilespmem:$0x18100] =	vst v63  }
0xaa: {  	_ =	swait.ge [sflag:s0], $0x4000  }
0xab: {  	[sflag:s0] =	ssyncset.done $0x0  }
0xac: {  	[sflag:s0] =	ssyncadd.s32 $0xFFFFC000  }
0xad: {  	[spmem:s14] =	stream.linear.scatter [tilespmem:s31], [sflag:$0x2], $0x4000, $0x38;
	[tilespmem:$0x18100] =	vst v63  }
0xae: {  	_ =	swait.ge [sflag:s0], $0x4000  }
0xaf: {  	[sflag:s0] =	ssyncset.done $0x0  }
0xb0: {  	s19 =	rddreg [dreg:$0x8];
	[sflag:s0] =	ssyncadd.s32 $0xFFFFC000  }
0xb1: {  	[tilespmem:s31], [sflag:$0x2] =	stream.linear.gather [hbm4b:s19+s10], $0x4000, $0x38;
	[tilespmem:$0x18100] =	vst v63  }
0xb2: {  	_ =	swait.ge [sflag:s0], $0x4000  }
0xb3: {  	[sflag:s0] =	ssyncset.done $0x0  }
0xb4: {  	[sflag:s0] =	ssyncadd.s32 $0xFFFFC000  }
0xb5: {  	[spmem:s18] =	stream.linear.scatter [tilespmem:s31], [sflag:$0x2], $0x4000, $0x38;
	[tilespmem:$0x18100] =	vst v63  }
0xb6: {  	_ =	swait.ge [sflag:s0], $0x4000  }
0xb7: {  	[sflag:s0] =	ssyncset.done $0x0  }
0xb8: {  	s16 =	rddreg [dreg:$0x9];
	[sflag:s0] =	ssyncadd.s32 $0xFFFFC000  }
0xb9: {  	[tilespmem:s31], [sflag:$0x2] =	stream.linear.gather [hbm4b:s16+s10], $0x4000, $0x38;
	[tilespmem:$0x18100] =	vst v63  }
0xba: {  	_ =	swait.ge [sflag:s0], $0x4000  }
0xbb: {  	[sflag:s0] =	ssyncset.done $0x0  }
0xbc: {  	[sflag:s0] =	ssyncadd.s32 $0xFFFFC000  }
0xbd: {  	[spmem:s21] =	stream.linear.scatter [tilespmem:s31], [sflag:$0x2], $0x4000, $0x38;
	[tilespmem:$0x18100] =	vst v63  }
0xbe: {  	_ =	swait.ge [sflag:s0], $0x4000  }
0xbf: {  	[sflag:s0] =	ssyncset.done $0x0  }
0xc0: {  	[sflag:s0] =	ssyncadd.s32 $0xFFFFC000  }
0xc1: {  	[tilespmem:s31], [sflag:$0x2] =	stream.linear.gather [hbm4b:s22+s10], $0x4000, $0x38;
	[tilespmem:$0x18100] =	vst v63  }
0xc2: {  	_ =	swait.ge [sflag:s0], $0x4000  }
0xc3: {  	[sflag:s0] =	ssyncset.done $0x0  }
0xc4: {  	[sflag:s0] =	ssyncadd.s32 $0xFFFFC000  }
0xc5: {  	[spmem:s23] =	stream.linear.scatter [tilespmem:s31], [sflag:$0x2], $0x4000, $0x38;
	[tilespmem:$0x18100] =	vst v63  }
0xc6: {  	_ =	swait.ge [sflag:s0], $0x4000  }
0xc7: {  	[sflag:s0] =	ssyncset.done $0x0  }
0xc8: {  	[sflag:s0] =	ssyncadd.s32 $0xFFFFC000  }
0xc9: {  	s19 =	sadd.s32 $0x0, s24;
	[bflag:$0x0] =	sbarrier.arrive $0xFFFF  }
0xca: {  	[tilespmem:s2], [sflag:$0x2] =	stream.linear.gather [hbm4b:s19+s2], $0x80, $0x38;
	[tilespmem:$0x18100] =	vst v63  }
0xcb: {  	_ =	swait.ge [sflag:s0], $0x80  }
0xcc: {  	[sflag:s0] =	ssyncset.done $0x0  }
0xcd: {  	s10 =	sadd.s32 $0x9E00, s19;
	[sflag:s0] =	ssyncadd.s32 $0xFFFFFF80  }
0xce: {  	[tilespmem:s3], [sflag:$0x2] =	stream.linear.gather [hbm4b:s10+s2], $0x80, $0x38;
	[tilespmem:$0x18100] =	vst v63  }
0xcf: {  	_ =	swait.ge [sflag:s0], $0x80  }
0xd0: {  	[sflag:s0] =	ssyncset.done $0x0  }
0xd1: {  	[sflag:s0] =	ssyncadd.s32 $0xFFFFFF80  }
0xd2: {  	[tilespmem:s31], [sflag:$0x1] =	stream.indirect.gather [hbm4b:s4+s3], $0x80, s2, s3, $0xb8;
	[tilespmem:$0x18100] =	vst v63  }
0xd3: {  	_ =	swait.ge [sflag:s6], $0x4000  }
0xd4: {  	[sflag:s6] =	ssyncset.done $0x0  }
0xd5: {  	[sflag:s6] =	ssyncadd.s32 $0xFFFFC000  }
0xd6: {  	[spmem:s1] =	stream.indirect.scatter.add.f32 [tilespmem:s31], [sflag:$0x2], $0x80, s3, s3, $0xb8;
	[tilespmem:$0x18100] =	vst v63  }
0xd7: {  	_ =	swait.ge [sflag:s0], $0x4000  }
0xd8: {  	s13 =	simm.s32 $0x20;
	s10 =	simm.s32 $0x10;
	[sflag:s0] =	ssyncset.done $0x0  }
.LBB2_3:
0xd9: {  	s16 =	sadd.s32 s10, s24  }
0xda: {  	[sflag:s0] =	ssyncadd.s32 $0xFFFFC000;
	s10 =	smov.u32 s13;
	s19 =	sadd.s32 $0x10, s13  }
0xdb: {  	[tilespmem:s2], [sflag:$0x2] =	stream.linear.gather [hbm4b:s16+s2], $0x80, $0x38;
	[tilespmem:$0x18100] =	vst v63  }
0xdc: {  	p1 =	seq.s32 s13, $0x9D0;
	_ =	swait.ge [sflag:s0], $0x80  }
0xdd: {  	[sflag:s0] =	ssyncset.done $0x0  }
0xde: {  	s13 =	sadd.s32 $0x9E00, s16;
	[sflag:s0] =	ssyncadd.s32 $0xFFFFFF80  }
0xdf: {  	[tilespmem:s3], [sflag:$0x2] =	stream.linear.gather [hbm4b:s13+s2], $0x80, $0x38;
	[tilespmem:$0x18100] =	vst v63  }
0xe0: {  	_ =	swait.ge [sflag:s0], $0x80  }
0xe1: {  	[sflag:s0] =	ssyncset.done $0x0  }
0xe2: {  	[sflag:s0] =	ssyncadd.s32 $0xFFFFFF80  }
0xe3: {  	[tilespmem:s31], [sflag:$0x1] =	stream.indirect.gather [hbm4b:s4+s3], $0x80, s2, s3, $0xb8;
	[tilespmem:$0x18100] =	vst v63  }
0xe4: {  	_ =	swait.ge [sflag:s6], $0x4000  }
.Ltmp5:
0xe5: {  	[sflag:s6] =	ssyncset.done $0x0;
	(pc) =	sbr.rel @!p1 .LBB2_3-.Ltmp5, $4  }
0xe6: {  	[sflag:s6] =	ssyncadd.s32 $0xFFFFC000  }
0xe7: {  	[spmem:s1] =	stream.indirect.scatter.add.f32 [tilespmem:s31], [sflag:$0x2], $0x80, s3, s3, $0xb8;
	[tilespmem:$0x18100] =	vst v63  }
0xe8: {  	_ =	swait.ge [sflag:s0], $0x4000  }
0xe9: {  	s13 =	smov.u32 s19;
	[sflag:s0] =	ssyncset.done $0x0  }
0xea: {  	s10 =	sadd.s32 s10, s24;
	[sflag:s0] =	ssyncadd.s32 $0xFFFFC000  }
0xeb: {  	[tilespmem:s2], [sflag:$0x2] =	stream.linear.gather [hbm4b:s10+s2], $0x80, $0x38;
	[tilespmem:$0x18100] =	vst v63  }
0xec: {  	_ =	swait.ge [sflag:s0], $0x80  }
0xed: {  	[sflag:s0] =	ssyncset.done $0x0  }
0xee: {  	s10 =	sadd.s32 $0x9E00, s10;
	[sflag:s0] =	ssyncadd.s32 $0xFFFFFF80  }
0xef: {  	[tilespmem:s3], [sflag:$0x2] =	stream.linear.gather [hbm4b:s10+s2], $0x80, $0x38;
	[tilespmem:$0x18100] =	vst v63  }
0xf0: {  	_ =	swait.ge [sflag:s0], $0x80  }
0xf1: {  	[sflag:s0] =	ssyncset.done $0x0  }
0xf2: {  	[sflag:s0] =	ssyncadd.s32 $0xFFFFFF80  }
0xf3: {  	[tilespmem:s31], [sflag:$0x1] =	stream.indirect.gather [hbm4b:s4+s3], $0x80, s2, s3, $0xb8;
	[tilespmem:$0x18100] =	vst v63  }
0xf4: {  	_ =	swait.ge [sflag:s6], $0x4000  }
0xf5: {  	[sflag:s6] =	ssyncset.done $0x0  }
.Ltmp6:
0xf6: {  	[sflag:s6] =	ssyncadd.s32 $0xFFFFC000;
	(pc) =	sbr.rel .LBB2_8-.Ltmp6, $4  }
0xf7: {  	[spmem:s1] =	stream.indirect.scatter.add.f32 [tilespmem:s31], [sflag:$0x2], $0x80, s3, s3, $0xb8;
	[tilespmem:$0x18100] =	vst v63  }
0xf8: {  	_ =	swait.ge [sflag:s0], $0x4000  }
0xf9: {  	[sflag:s0] =	ssyncset.done $0x0  }
0xfa: {  	s10 =	rddreg [dreg:$0x4];
	[sflag:s0] =	ssyncadd.s32 $0xFFFFC000  }
.LBB2_9:
0xfb: {  	_ =	sfence.sel $0x180000  }
0xfc: {  	[bflag:$0x0] =	sbarrier.arrive $0xFFFF  }
0xfd: {  	_ =	strace $0x9000004D  }
0xfe: {  	s0 =	stileid.u32;
	[bflag:$0x2] =	sbarrier.arrive $0xFFFF  }
0xff: {  	p0 =	sne.s32 s0, $0x0;
	s0 =	rddreg [dreg:$0x3]  }
0x100: {  	s0 =	sadd.s32 @!p0 $0x100000, s0  }
0x101: {  	[sflag:s0] =	ssyncadd.tile.s32 @!p0 $0x1;
	_ =	shalt  }
.Lfunc_end2:
_tile_overlayer_lowered:
.L_overlay_start_2:
0x102: {  	(tag) =	ssettag $0x2  }
0x103: {  	s0 =	rddreg [dreg:$0x0];
	s2 =	stileid.u32  }
0x104: {  	s1 =	rddreg [dreg:$0x1];
	p0 =	sne.s32 s2, $0x0  }
0x105: {  	s3 =	rddreg [dreg:$0x2];
	[bflag:$0x3] =	sbarrier.arrive $0xFFFF;
	s2 =	simm.s32 @!p0 $0x1C02  }
0x106: {  	[timem:s3], [sflag:s2] =	dma.local @!p0 [hbm:s0], s1  }
0x107: {  	s0 =	simm.s32 @!p0 $0x2  }
0x108: {  	_ =	swait.ge @!p0 [sflag:s0], s1  }
0x109: {  	s1 =	ssub.s32 @!p0 $0x0, s1;
	[sflag:s0] =	ssyncset.done @!p0 $0x0  }
0x10a: {  	[sflag:s0] =	ssyncadd.s32 @!p0 s1  }
0x10b: {  	[bflag:$0x3] =	sbarrier.arrive $0xFFFF  }
0x10c: {  	_ =	shalt  }

// kernel: kernel.8.cloned.1.call-start
scs
__scs_entry_jumppad:
0x0: {  	(pc) =	sbr.rel $0x88, $3  }
0x1: {  	(tag) =	ssettag $0x0;
	lr =	simm.s32 $0x1  }
0x2: {  	[smem:$0x3F98] =	sst lr;
	_ =	strace $0xD0000000  }
0x3: {  	_ = 	snop  }
0x4: {  	_ = 	snop  }
0x5: {  	_ = 	snop  }
0x6: {  	_ = 	snop  }
0x7: {  	_ = 	snop  }
__scs_overlays_trampoline_lowered:
0x8: {  	[smem:$0x3FA7] =	sst s0  }
0x9: {  	[smem:$0x3FA8] =	sst s1  }
0xa: {  	[smem:$0x3FA9] =	sst s2  }
0xb: {  	[smem:$0x3FAA] =	sst s3  }
0xc: {  	[smem:$0x3FAB] =	sst s4  }
0xd: {  	[smem:$0x3FAC] =	sst s5  }
0xe: {  	[smem:$0x3FAD] =	sst s6  }
0xf: {  	[smem:$0x3FAE] =	sst s7  }
0x10: {  	[smem:$0x3FAF] =	sst s8  }
0x11: {  	[smem:$0x3FB0] =	sst s9;
	s0 =	simm.s32 @!p0 $0x0  }
0x12: {  	s1 =	sld [smem:$0x3F96];
	s0 =	simm.s32 @p0 $0x1  }
0x13: {  	[smem:$0x3FB1] =	sst s0;
	s0 =	simm.s32 @!p1 $0x0  }
0x14: {  	s2 =	sld [smem:$0x3F95];
	s0 =	simm.s32 @p1 $0x1  }
0x15: {  	[smem:$0x3FB2] =	sst s0;
	s0 =	simm.s32 @!p2 $0x0  }
0x16: {  	s3 =	sld [smem:$0x3FDB];
	s0 =	simm.s32 @p2 $0x1  }
0x17: {  	s4 =	simm.s32 $0x1BF5;
	[smem:$0x3FB4] =	sst s0  }
0x18: {  	s0 =	sld [smem:$0x3F97];
	_ =	swait.ge [sflag:s4], $0x0  }
0x19: {  	s7 =	sld [smem:$0x3F98]  }
0x1a: {  	s8 =	sadd.s32 $0xFFFFE003, lr  }
0x1b: {  	s9 =	sadd.s32 $0xFFFFFEF7, lr;
	s5 =	simm.s32 $0xFFFFFFFF;
	p2 =	slt.u32 s8, $0xFFFFF086  }
0x1c: {  	p1 =	slt.u32 s9, $0xF7A;
	s5 =	simm.s32 @!p2 $0x0  }
0x1d: {  	s5 =	simm.s32 @p1 $0x1;
	p0 =	seq.s32 s7, s2  }
0x1e: {  	s7 =	smul.u32 @!p0 $0xF7A, s2;
	p2 =	seq.s32 @!p0 s5, $0x0  }
0x1f: {  	s9 =	smul.u32 $0xF7A, s1;
	s8 =	simm.s32 @!p0 $0x1BF5;
	p2 =	por !p2, p0  }
0x20: {  	[sflag:s8] =	ssyncset.s32 @!p0 $0xFFFFF086;
	s6 =	sadd.s32 @!p0 s3, s7;
	s7 =	simm.s32 @!p0 $0x108  }
0x21: {  	s3 =	sadd.s32 s3, s9;
	s6 =	sadd.s32 @!p0 $0x88, s6;
	s7 =	simm.s32 @p2 $0x1082  }
0x22: {  	[simem:s7], [sflag:s8] =	dma.local @!p0 [hbm:s6], $0xF7A  }
0x23: {  	s9 =	sor.u32 $0xD0000000, s2;
	s6 =	simm.s32 $0x108;
	_ =	swait.ge @!p0 [sflag:s8], $0x0  }
0x24: {  	s3 =	sadd.s32 $0x88, s3;
	s6 =	simm.s32 @!p1 $0x1082;
	[sflag:s4] =	ssyncset.s32 $0xFFFFF086  }
0x25: {  	[simem:s6], [sflag:s4] =	dma.local [hbm:s3], $0xF7A  }
0x26: {  	[smem:$0x3F98] =	sst s1;
	(tag) =	ssettag s2;
	_ =	strace s9  }
0x27: {  	s1 =	sld [smem:$0x3FA8]  }
0x28: {  	s2 =	sld [smem:$0x3FA9]  }
0x29: {  	s4 =	sld [smem:$0x3FAB]  }
0x2a: {  	p0 =	seq.s32 s5, $0x0;
	s5 =	sld [smem:$0x3FAC]  }
0x2b: {  	s6 =	sld [smem:$0x3FAD]  }
0x2c: {  	s7 =	sld [smem:$0x3FAE]  }
0x2d: {  	s3 =	simm.s32 $0x108;
	s8 =	sld [smem:$0x3FAF]  }
0x2e: {  	s3 =	simm.s32 @!p0 $0x1082;
	s9 =	sld [smem:$0x3FB0]  }
0x2f: {  	lr =	sadd.s32 s0, s3;
	s0 =	sld [smem:$0x3FA7]  }
0x30: {  	s3 =	sld [smem:$0x3FAA]  }
0x31: {  	[smem:$0x3FB3] =	sst s10  }
0x32: {  	s10 =	sld [smem:$0x3FB1];
	_ =	sdelay $0x3  }
0x33: {  	p0 =	seq.s32 s10, $0x1;
	s10 =	sld [smem:$0x3FB3];
	_ =	sdelay $0x3  }
0x34: {  	[smem:$0x3FB3] =	sst s10  }
0x35: {  	s10 =	sld [smem:$0x3FB2];
	_ =	sdelay $0x3  }
0x36: {  	p1 =	seq.s32 s10, $0x1;
	s10 =	sld [smem:$0x3FB3];
	_ =	sdelay $0x3  }
0x37: {  	[smem:$0x3FB3] =	sst s10  }
0x38: {  	s10 =	sld [smem:$0x3FB4]  }
0x39: {  	_ = 	snop;
	(pc) =	sbr.ind lr, $3  }
0x3a: {  	_ = 	snop  }
0x3b: {  	_ = 	snop  }
0x3c: {  	p2 =	seq.s32 s10, $0x1;
	s10 =	sld [smem:$0x3FB3]  }
0x3d: {  	_ =	shalt  }
0x3e: {  	_ =	shalt  }
0x3f: {  	_ =	shalt  }
0x40: {  	_ =	shalt  }
0x41: {  	_ =	shalt  }
0x42: {  	_ =	shalt  }
0x43: {  	_ =	shalt  }
0x44: {  	_ =	shalt  }
0x45: {  	_ =	shalt  }
0x46: {  	_ =	shalt  }
0x47: {  	_ =	shalt  }
0x48: {  	_ =	shalt  }
0x49: {  	_ =	shalt  }
0x4a: {  	_ =	shalt  }
0x4b: {  	_ =	shalt  }
0x4c: {  	_ =	shalt  }
0x4d: {  	_ =	shalt  }
0x4e: {  	_ =	shalt  }
0x4f: {  	_ =	shalt  }
0x50: {  	_ =	shalt  }
0x51: {  	_ =	shalt  }
0x52: {  	_ =	shalt  }
0x53: {  	_ =	shalt  }
0x54: {  	_ =	shalt  }
0x55: {  	_ =	shalt  }
0x56: {  	_ =	shalt  }
0x57: {  	_ =	shalt  }
0x58: {  	_ =	shalt  }
0x59: {  	_ =	shalt  }
0x5a: {  	_ =	shalt  }
0x5b: {  	_ =	shalt  }
0x5c: {  	_ =	shalt  }
0x5d: {  	_ =	shalt  }
0x5e: {  	_ =	shalt  }
0x5f: {  	_ =	shalt  }
0x60: {  	_ =	shalt  }
0x61: {  	_ =	shalt  }
0x62: {  	_ =	shalt  }
0x63: {  	_ =	shalt  }
0x64: {  	_ =	shalt  }
0x65: {  	_ =	shalt  }
0x66: {  	_ =	shalt  }
0x67: {  	_ =	shalt  }
0x68: {  	_ =	shalt  }
0x69: {  	_ =	shalt  }
0x6a: {  	_ =	shalt  }
0x6b: {  	_ =	shalt  }
0x6c: {  	_ =	shalt  }
0x6d: {  	_ =	shalt  }
0x6e: {  	_ =	shalt  }
0x6f: {  	_ =	shalt  }
0x70: {  	_ =	shalt  }
0x71: {  	_ =	shalt  }
0x72: {  	_ =	shalt  }
0x73: {  	_ =	shalt  }
0x74: {  	_ =	shalt  }
0x75: {  	_ =	shalt  }
0x76: {  	_ =	shalt  }
0x77: {  	_ =	shalt  }
0x78: {  	_ =	shalt  }
0x79: {  	_ =	shalt  }
0x7a: {  	_ =	shalt  }
0x7b: {  	_ =	shalt  }
0x7c: {  	_ =	shalt  }
0x7d: {  	_ =	shalt  }
0x7e: {  	_ =	shalt  }
0x7f: {  	_ =	shalt  }
0x80: {  	_ =	shalt  }
0x81: {  	_ =	shalt  }
0x82: {  	_ =	shalt  }
0x83: {  	_ =	shalt  }
0x84: {  	_ =	shalt  }
0x85: {  	_ =	shalt  }
0x86: {  	_ =	shalt  }
0x87: {  	_ =	shalt  }
.Lfunc_end0:
.L_simem_size_0:
called_computation_lowered:
.L_overlay_start_0:
0x88: {  	s2 =	sld [smem:$0x3FD9]  }
0x89: {  	s3 =	sld [smem:$0x3FFE];
	_ =	sdelay $0x1  }
0x8a: {  	s1 =	srdreg.scid  }
0x8b: {  	s0 =	sand.u32 $0x1, s1  }
0x8c: {  	s14 =	sshll.u32 s0, $0xA;
	s2 =	sadd.s32 s3, s2  }
0x8d: {  	s2 =	sadd.s32 s2, s14  }
0x8e: {  	[smem:$0x3FBF] =	sst s2  }
0x8f: {  	_ = 	snop  }
0x90: {  	s2 =	sld [smem:$0x3FD0];
	_ =	sdelay $0x2  }
0x91: {  	s15 =	simm.s32 $0xA;
	s4 =	simm.s32 $0x10  }
0x92: {  	[smem:s4], [sflag:s15] =	dma.local [hbm:s2], $0x1  }
0x93: {  	_ =	swait.eq [sflag:s15], $0x1  }
0x94: {  	[sflag:s15] =	ssyncset.done $0x0  }
0x95: {  	s16 =	sld [smem:$0x10];
	[sflag:s15] =	ssyncadd.s32 $0xFFFFFFFF  }
0x96: {  	s17 =	sld [smem:$0x11];
	(tm) =	ssettm $0x1  }
0x97: {  	s18 =	sld [smem:$0x3FFB];
	_ =	sdelay $0x3  }
0x98: {  	_ =	strace s18  }
0x99: {  	s4 =	sld [smem:$0x3FFC];
	_ =	sdelay $0x3  }
0x9a: {  	_ =	strace s4  }
0x9b: {  	s4 =	sld [smem:$0x3FFD];
	_ =	sdelay $0x3  }
0x9c: {  	_ =	strace s4  }
0x9d: {  	_ =	strace $0x8FFFFFFF  }
0x9e: {  	s19 =	sld [smem:$0x3FDB];
	_ =	sdelay $0x1  }
0x9f: {  	s5 =	simm.s32 $_scs_section_size  }
0xa0: {  	s6 =	simm.s32 $_size__tile_overlayer_lowered;
	s7 =	simm.s32 $_tile_overlayer_lowered  }
0xa1: {  	s22 =	simm.s32 $0x1BFF;
	s21 =	sshll.u32 s7, $0x1;
	s4 =	sadd.s32 s5, s19  }
0xa2: {  	s8 =	simm.s32 $0x0;
	s20 =	sshll.u32 s6, $0x1;
	s6 =	sadd.s32 s21, s4  }
0xa3: {  	[timem:s8], [sflag:s22] =	dma.local [hbm:s6], s20  }
0xa4: {  	_ =	swait.ge [sflag:s22], s20  }
0xa5: {  	s5 =	ssub.s32 $0x0, s20;
	[sflag:s22] =	ssyncset.done $0x0  }
0xa6: {  	[sflag:s22] =	ssyncadd.s32 s5;
	_ =	sdelay $0x1  }
0xa7: {  	s23 =	simm.s32 $0x1B8B  }
0xa8: {  	_ =	swait.ge [sflag:s23], $0x1  }
0xa9: {  	[sflag:s23] =	ssyncset.done $0x0  }
0xaa: {  	s25 =	simm.s32 $0x1B8E;
	s24 =	sld [smem:$0x3FFE];
	[sflag:s23] =	ssyncadd.s32 $0xFFFFFFFF  }
0xab: {  	s26 =	simm.s32 $execute0_lowered;
	[smem:$0x3FD2] =	sst s25  }
0xac: {  	s6 =	sshll.u32 s26, $0x1;
	_ =	strace $0x80000046;
	[dreg:$0x1] =	wrdreg $0xFFFFFFFF  }
0xad: {  	s28 =	simm.s32 $_size_execute0_lowered;
	s4 =	sadd.s32 s4, s6;
	[dreg:$0x0] =	wrdreg $0x0  }
0xae: {  	s6 =	sshll.u32 s28, $0x1;
	[dreg:$0x2] =	wrdreg s4  }
0xaf: {  	[dreg:$0x3] =	wrdreg s6  }
0xb0: {  	[dreg:$0x4] =	wrdreg $0xC0  }
0xb1: {  	_ =	task [dreg:s8], $0x5FFFF  }
0xb2: {  	[dreg:$0x1] =	wrdreg $0xFFFFFFFF  }
0xb3: {  	[dreg:$0x0] =	wrdreg $0x60  }
0xb4: {  	[dreg:$0x2] =	wrdreg s24  }
0xb5: {  	[dreg:$0x3] =	wrdreg s17  }
0xb6: {  	[dreg:$0x4] =	wrdreg s16  }
0xb7: {  	[dreg:$0x5] =	wrdreg $0x41000  }
0xb8: {  	[dreg:$0x6] =	wrdreg $0x9  }
0xb9: {  	_ =	task.clear_ibuf [dreg:s8], $0x7FFFF;
	_ =	strace $0x90000046  }
0xba: {  	s29 =	simm.s32 $0x9;
	_ =	strace $0x80000048  }
0xbb: {  	_ =	swait.ge [sflag:s29], $0x1  }
0xbc: {  	[sflag:s29] =	ssyncadd.s32 $0xFFFFFFFF  }
0xbd: {  	_ =	strace $0x90000048  }
0xbe: {  	_ =	sfence  }
0xbf: {  	s30 =	sld [smem:$0x0];
	_ =	sdelay $0x2  }
0xc0: {  	s31 =	sshll.u32 s1, $0xD;
	s1 =	sshrl.u32 s1, $0x2  }
0xc1: {  	s3 =	sand.u32 $0x4000, s31;
	s1 =	sadd.s32 s1, s30  }
0xc2: {  	s0 =	sor.u32 s3, s0;
	s1 =	sshll.u32 s1, $0x11  }
0xc3: {  	s0 =	sor.u32 s1, s0  }
0xc4: {  	s0 =	sadd.s32 $0x8F2B, s0  }
0xc5: {  	[sflag:s0] =	ssyncadd.remote.s32 $0x1  }
0xc6: {  	_ =	sfence.sel $0xFFFF  }
0xc7: {  	[dreg:$0x0] =	wrdreg $0xFFFFFFFF;
	(pc) =	sbr.abs _section_cstart, $3  }
0xc8: {  	[dreg:$0x1] =	wrdreg $0xFFFFFFFF  }
0xc9: {  	_ =	task.clear_ibuf [dreg:s8], $0x2FFFF;
	_ =	strace $0x9FFFFFFF  }
0xca: {  	(tm) =	ssettm $0x7FFFFFFF  }
0xcb: {  	_ =	shalt  }
tec
execute0_lowered:
.L_overlay_start_1:
0x0: {  	(tag) =	ssettag $0x1  }
0x1: {  	s0 =	rddreg [dreg:$0x0]  }
0x2: {  	s23 =	rddreg [dreg:$0x1]  }
0x3: {  	s24 =	rddreg [dreg:$0x2]  }
0x4: {  	s1 =	rddreg [dreg:$0x3];
	s3 =	simm.s32 $0x0;
	s4 =	srdreg.scid  }
0x5: {  	s2 =	stileid.u32;
	s28 =	simm.s32 $0x80;
	s29 =	simm.s32 $0x1  }
0x6: {  	s30 =	simm.s32 $0x0;
	[smem:$0x7FF] =	sst s3;
	s19 =	smul.u32 $0x280, s2  }
0x7: {  	s8 =	sand.u32 $0x1, s4;
	s4 =	sadd.s32 $0x4600, s0;
	s6 =	smul.u32 $0x2800, s2  }
0x8: {  	s5 =	sadd.s32 $0x2C600, s0;
	s7 =	sadd.s32 $0x54600, s0;
	s21 =	smul.u32 $0x50000, s2  }
0x9: {  	_ =	strace $0x80000047;
	s9 =	ssub.s32 $0x2, s8;
	[dreg:$0x5] =	wrdreg s5  }
0xa: {  	p0 =	seq.s32 s8, $0x1;
	s10 =	sshrl.u32 s9, $0x1;
	s22 =	sadd.s32 $0x80, s19  }
0xb: {  	s11 =	sshrl.u32 s21, $0x2;
	s25 =	sadd.s32 $0x100, s19;
	s21 =	sadd.s32 $0x200, s19  }
0xc: {  	s20 =	ssub.s32 s9, s10;
	s9 =	sadd.s32 s4, s6;
	s10 =	sshll.u32 s22, $0x4  }
0xd: {  	s11 =	sadd.s32 s11, s1;
	s0 =	sshll.u32 s22, $0x7;
	s14 =	sshll.u32 s25, $0x4  }
0xe: {  	s31 =	sshll.u32 s21, $0x7;
	s8 =	smax.u32 s20, $0x1;
	s12 =	sadd.s32 s4, s10  }
0xf: {  	s13 =	sadd.s32 s0, s1;
	s0 =	sshll.u32 s25, $0x7;
	s25 =	smul.u32 $0x9E0, s2  }
.Ltmp0:
0x10: {  	s20 =	sadd.s32 $0x180, s19;
	s16 =	sadd.s32 s4, s14;
	(pc) =	sbr.rel .LBB2_1-.Ltmp0, $4  }
0x11: {  	s22 =	sadd.s32 s31, s1;
	s15 =	sshll.u32 s20, $0x4;
	s17 =	sadd.s32 s0, s1  }
0x12: {  	s26 =	sshll.u32 s20, $0x7;
	s20 =	sshll.u32 s21, $0x4;
	s18 =	sadd.s32 s4, s15  }
0x13: {  	s19 =	sadd.s32 s26, s1;
	s21 =	sadd.s32 s4, s20;
	s23 =	sadd.s32 s25, s23  }
0x14: {  	s24 =	sadd.s32 s25, s24;
	s25 =	simm.s32 $0x100;
	s26 =	simm.s32 $0x2  }
.LBB2_7:
0x15: {  	s0 =	sadd.s32 s31, s24;
	[sflag:s26] =	ssyncadd.s32 $0xFFFFC000  }
0x16: {  	[tilespmem:s3], [sflag:$0x2] =	stream.linear.gather [hbm4b:s0+s3], $0x80, $0x38;
	[tilespmem:$0x18100] =	vst v63  }
0x17: {  	_ =	swait.ge [sflag:s26], $0x80  }
0x18: {  	[sflag:s26] =	ssyncset.done $0x0  }
0x19: {  	s0 =	sadd.s32 $0x9E00, s0;
	[sflag:s26] =	ssyncadd.s32 $0xFFFFFF80  }
0x1a: {  	[tilespmem:s28], [sflag:$0x2] =	stream.linear.gather [hbm4b:s0+s3], $0x80, $0x38;
	[tilespmem:$0x18100] =	vst v63  }
0x1b: {  	_ =	swait.ge [sflag:s26], $0x80  }
0x1c: {  	[sflag:s26] =	ssyncset.done $0x0  }
0x1d: {  	[sflag:s26] =	ssyncadd.s32 $0xFFFFFF80  }
0x1e: {  	[tilespmem:s25], [sflag:$0x1] =	stream.indirect.gather [hbm4b:s4+s28], $0x80, s3, s28, $0xb8;
	[tilespmem:$0x18100] =	vst v63  }
0x1f: {  	_ =	swait.ge [sflag:s29], $0x4000  }
0x20: {  	[sflag:s29] =	ssyncset.done $0x0  }
0x21: {  	[sflag:s29] =	ssyncadd.s32 $0xFFFFC000  }
0x22: {  	[spmem:s1] =	stream.indirect.scatter.add.f32 [tilespmem:s25], [sflag:$0x2], $0x80, s28, s28, $0xb8;
	[tilespmem:$0x18100] =	vst v63  }
0x23: {  	_ =	swait.ge [sflag:s26], $0x4000  }
0x24: {  	[sflag:s26] =	ssyncset.done $0x0  }
0x25: {  	s31 =	smov.u32 s7;
	[sflag:s26] =	ssyncadd.s32 $0xFFFFC000  }
.LBB2_8:
0x26: {  	[bflag:$0x0] =	sbarrier.arrive $0xFFFF  }
0x27: {  	[tilespmem:s25], [sflag:$0x2] =	stream.linear.gather [spmem:s11], $0x4000, $0x38;
	[tilespmem:$0x18100] =	vst v63  }
0x28: {  	_ =	swait.ge [sflag:s26], $0x4000  }
0x29: {  	[sflag:s26] =	ssyncset.done $0x0  }
0x2a: {  	s0 =	sadd.s32 s31, s6;
	[sflag:s26] =	ssyncadd.s32 $0xFFFFC000  }
0x2b: {  	[hbm4b:s0+s3] =	stream.linear.scatter [tilespmem:s25], [sflag:$0x2], $0x4000, $0x38;
	[tilespmem:$0x18100] =	vst v63  }
0x2c: {  	_ =	swait.ge [sflag:s26], $0x4000  }
0x2d: {  	[sflag:s26] =	ssyncset.done $0x0  }
0x2e: {  	[sflag:s26] =	ssyncadd.s32 $0xFFFFC000  }
0x2f: {  	[tilespmem:s25], [sflag:$0x2] =	stream.linear.gather [spmem:s13], $0x4000, $0x38;
	[tilespmem:$0x18100] =	vst v63  }
0x30: {  	_ =	swait.ge [sflag:s26], $0x4000  }
0x31: {  	[sflag:s26] =	ssyncset.done $0x0  }
0x32: {  	s5 =	sadd.s32 s31, s10;
	[sflag:s26] =	ssyncadd.s32 $0xFFFFC000  }
0x33: {  	[hbm4b:s5+s3] =	stream.linear.scatter [tilespmem:s25], [sflag:$0x2], $0x4000, $0x38;
	[tilespmem:$0x18100] =	vst v63  }
0x34: {  	_ =	swait.ge [sflag:s26], $0x4000  }
0x35: {  	[sflag:s26] =	ssyncset.done $0x0  }
0x36: {  	[sflag:s26] =	ssyncadd.s32 $0xFFFFC000  }
0x37: {  	[tilespmem:s25], [sflag:$0x2] =	stream.linear.gather [spmem:s17], $0x4000, $0x38;
	[tilespmem:$0x18100] =	vst v63  }
0x38: {  	_ =	swait.ge [sflag:s26], $0x4000  }
0x39: {  	[sflag:s26] =	ssyncset.done $0x0  }
0x3a: {  	s2 =	sadd.s32 s31, s14;
	[sflag:s26] =	ssyncadd.s32 $0xFFFFC000  }
0x3b: {  	[hbm4b:s2+s3] =	stream.linear.scatter [tilespmem:s25], [sflag:$0x2], $0x4000, $0x38;
	[tilespmem:$0x18100] =	vst v63  }
0x3c: {  	_ =	swait.ge [sflag:s26], $0x4000  }
0x3d: {  	[sflag:s26] =	ssyncset.done $0x0  }
0x3e: {  	[sflag:s26] =	ssyncadd.s32 $0xFFFFC000  }
0x3f: {  	[tilespmem:s25], [sflag:$0x2] =	stream.linear.gather [spmem:s19], $0x4000, $0x38;
	[tilespmem:$0x18100] =	vst v63  }
0x40: {  	_ =	swait.ge [sflag:s26], $0x4000  }
0x41: {  	[sflag:s26] =	ssyncset.done $0x0  }
0x42: {  	s5 =	sadd.s32 s31, s15;
	[sflag:s26] =	ssyncadd.s32 $0xFFFFC000  }
0x43: {  	[hbm4b:s5+s3] =	stream.linear.scatter [tilespmem:s25], [sflag:$0x2], $0x4000, $0x38;
	[tilespmem:$0x18100] =	vst v63  }
0x44: {  	_ =	swait.ge [sflag:s26], $0x4000  }
0x45: {  	[sflag:s26] =	ssyncset.done $0x0  }
0x46: {  	[sflag:s26] =	ssyncadd.s32 $0xFFFFC000  }
0x47: {  	[tilespmem:s25], [sflag:$0x2] =	stream.linear.gather [spmem:s22], $0x4000, $0x38;
	[tilespmem:$0x18100] =	vst v63  }
0x48: {  	s30 =	sadd.s32 $0x1, s30;
	_ =	swait.ge [sflag:s26], $0x4000  }
0x49: {  	p1 =	sne.s32 s30, s8;
	[sflag:s26] =	ssyncset.done $0x0  }
.Ltmp1:
0x4a: {  	s31 =	sadd.s32 s31, s20;
	[sflag:s26] =	ssyncadd.s32 $0xFFFFC000;
	(pc) =	sbr.rel @!p1 .LBB2_9-.Ltmp1, $4  }
0x4b: {  	[hbm4b:s31+s3] =	stream.linear.scatter [tilespmem:s25], [sflag:$0x2], $0x4000, $0x38;
	[tilespmem:$0x18100] =	vst v63  }
0x4c: {  	_ =	swait.ge [sflag:s26], $0x4000  }
0x4d: {  	[sflag:s26] =	ssyncset.done $0x0  }
0x4e: {  	[sflag:s26] =	ssyncadd.s32 $0xFFFFC000  }
.LBB2_1:
.Ltmp2:
0x4f: {  	(pc) =	sbr.rel @!p0 .LBB2_2-.Ltmp2, $2  }
0x50: {  	_ =	sdelay $0x2  }
0x51: {  	s0 =	simm.s32 $0x0  }
0x52: {  	[tilespmem:s25], [sflag:$0x2] =	stream.linear.gather [hbm4b:s9+s0], $0x4000, $0x38;
	[tilespmem:$0x18100] =	vst v63  }
0x53: {  	_ =	swait.ge [sflag:s26], $0x4000  }
0x54: {  	[sflag:s26] =	ssyncset.done $0x0  }
0x55: {  	[sflag:s26] =	ssyncadd.s32 $0xFFFFC000  }
0x56: {  	[spmem:s11] =	stream.linear.scatter [tilespmem:s25], [sflag:$0x2], $0x4000, $0x38;
	[tilespmem:$0x18100] =	vst v63  }
0x57: {  	_ =	swait.ge [sflag:s26], $0x4000  }
0x58: {  	[sflag:s26] =	ssyncset.done $0x0  }
0x59: {  	[sflag:s26] =	ssyncadd.s32 $0xFFFFC000  }
0x5a: {  	[tilespmem:s25], [sflag:$0x2] =	stream.linear.gather [hbm4b:s12+s0], $0x4000, $0x38;
	[tilespmem:$0x18100] =	vst v63  }
0x5b: {  	_ =	swait.ge [sflag:s26], $0x4000  }
0x5c: {  	[sflag:s26] =	ssyncset.done $0x0  }
0x5d: {  	[sflag:s26] =	ssyncadd.s32 $0xFFFFC000  }
0x5e: {  	[spmem:s13] =	stream.linear.scatter [tilespmem:s25], [sflag:$0x2], $0x4000, $0x38;
	[tilespmem:$0x18100] =	vst v63  }
0x5f: {  	_ =	swait.ge [sflag:s26], $0x4000  }
0x60: {  	[sflag:s26] =	ssyncset.done $0x0  }
0x61: {  	[sflag:s26] =	ssyncadd.s32 $0xFFFFC000  }
0x62: {  	[tilespmem:s25], [sflag:$0x2] =	stream.linear.gather [hbm4b:s16+s0], $0x4000, $0x38;
	[tilespmem:$0x18100] =	vst v63  }
0x63: {  	_ =	swait.ge [sflag:s26], $0x4000  }
0x64: {  	[sflag:s26] =	ssyncset.done $0x0  }
0x65: {  	[sflag:s26] =	ssyncadd.s32 $0xFFFFC000  }
0x66: {  	[spmem:s17] =	stream.linear.scatter [tilespmem:s25], [sflag:$0x2], $0x4000, $0x38;
	[tilespmem:$0x18100] =	vst v63  }
0x67: {  	_ =	swait.ge [sflag:s26], $0x4000  }
0x68: {  	[sflag:s26] =	ssyncset.done $0x0  }
0x69: {  	[sflag:s26] =	ssyncadd.s32 $0xFFFFC000  }
0x6a: {  	[tilespmem:s25], [sflag:$0x2] =	stream.linear.gather [hbm4b:s18+s0], $0x4000, $0x38;
	[tilespmem:$0x18100] =	vst v63  }
0x6b: {  	_ =	swait.ge [sflag:s26], $0x4000  }
0x6c: {  	[sflag:s26] =	ssyncset.done $0x0  }
0x6d: {  	[sflag:s26] =	ssyncadd.s32 $0xFFFFC000  }
0x6e: {  	[spmem:s19] =	stream.linear.scatter [tilespmem:s25], [sflag:$0x2], $0x4000, $0x38;
	[tilespmem:$0x18100] =	vst v63  }
0x6f: {  	_ =	swait.ge [sflag:s26], $0x4000  }
0x70: {  	[sflag:s26] =	ssyncset.done $0x0  }
0x71: {  	[sflag:s26] =	ssyncadd.s32 $0xFFFFC000  }
0x72: {  	[tilespmem:s25], [sflag:$0x2] =	stream.linear.gather [hbm4b:s21+s0], $0x4000, $0x38;
	[tilespmem:$0x18100] =	vst v63  }
0x73: {  	_ =	swait.ge [sflag:s26], $0x4000  }
0x74: {  	[sflag:s26] =	ssyncset.done $0x0  }
0x75: {  	[sflag:s26] =	ssyncadd.s32 $0xFFFFC000  }
0x76: {  	[spmem:s22] =	stream.linear.scatter [tilespmem:s25], [sflag:$0x2], $0x4000, $0x38;
	[tilespmem:$0x18100] =	vst v63  }
0x77: {  	_ =	swait.ge [sflag:s26], $0x4000  }
0x78: {  	[sflag:s26] =	ssyncset.done $0x0  }
0x79: {  	[sflag:s26] =	ssyncadd.s32 $0xFFFFC000  }
0x7a: {  	s5 =	sadd.s32 $0x0, s24;
	[bflag:$0x0] =	sbarrier.arrive $0xFFFF  }
0x7b: {  	[tilespmem:s3], [sflag:$0x2] =	stream.linear.gather [hbm4b:s5+s3], $0x80, $0x38;
	[tilespmem:$0x18100] =	vst v63  }
0x7c: {  	_ =	swait.ge [sflag:s26], $0x80  }
0x7d: {  	[sflag:s26] =	ssyncset.done $0x0  }
0x7e: {  	s0 =	sadd.s32 $0x9E00, s5;
	[sflag:s26] =	ssyncadd.s32 $0xFFFFFF80  }
0x7f: {  	[tilespmem:s28], [sflag:$0x2] =	stream.linear.gather [hbm4b:s0+s3], $0x80, $0x38;
	[tilespmem:$0x18100] =	vst v63  }
0x80: {  	_ =	swait.ge [sflag:s26], $0x80  }
0x81: {  	[sflag:s26] =	ssyncset.done $0x0  }
0x82: {  	[sflag:s26] =	ssyncadd.s32 $0xFFFFFF80  }
0x83: {  	[tilespmem:s25], [sflag:$0x1] =	stream.indirect.gather [hbm4b:s4+s28], $0x80, s3, s28, $0xb8;
	[tilespmem:$0x18100] =	vst v63  }
0x84: {  	_ =	swait.ge [sflag:s29], $0x4000  }
0x85: {  	[sflag:s29] =	ssyncset.done $0x0  }
0x86: {  	[sflag:s29] =	ssyncadd.s32 $0xFFFFC000  }
0x87: {  	[spmem:s1] =	stream.indirect.scatter.add.f32 [tilespmem:s25], [sflag:$0x2], $0x80, s28, s28, $0xb8;
	[tilespmem:$0x18100] =	vst v63  }
0x88: {  	_ =	swait.ge [sflag:s26], $0x4000  }
0x89: {  	s31 =	simm.s32 $0x10;
	s0 =	simm.s32 $0x20;
	[sflag:s26] =	ssyncset.done $0x0  }
.LBB2_6:
0x8a: {  	s2 =	sadd.s32 s31, s24  }
0x8b: {  	[sflag:s26] =	ssyncadd.s32 $0xFFFFC000;
	s31 =	smov.u32 s0;
	s5 =	sadd.s32 $0x10, s0  }
0x8c: {  	[tilespmem:s3], [sflag:$0x2] =	stream.linear.gather [hbm4b:s2+s3], $0x80, $0x38;
	[tilespmem:$0x18100] =	vst v63  }
0x8d: {  	p1 =	sne.s32 s0, $0x9D0;
	_ =	swait.ge [sflag:s26], $0x80  }
0x8e: {  	[sflag:s26] =	ssyncset.done $0x0  }
0x8f: {  	s0 =	sadd.s32 $0x9E00, s2;
	[sflag:s26] =	ssyncadd.s32 $0xFFFFFF80  }
0x90: {  	[tilespmem:s28], [sflag:$0x2] =	stream.linear.gather [hbm4b:s0+s3], $0x80, $0x38;
	[tilespmem:$0x18100] =	vst v63  }
0x91: {  	_ =	swait.ge [sflag:s26], $0x80  }
0x92: {  	[sflag:s26] =	ssyncset.done $0x0  }
0x93: {  	[sflag:s26] =	ssyncadd.s32 $0xFFFFFF80  }
0x94: {  	[tilespmem:s25], [sflag:$0x1] =	stream.indirect.gather [hbm4b:s4+s28], $0x80, s3, s28, $0xb8;
	[tilespmem:$0x18100] =	vst v63  }
0x95: {  	_ =	swait.ge [sflag:s29], $0x4000  }
.Ltmp3:
0x96: {  	[sflag:s29] =	ssyncset.done $0x0;
	(pc) =	sbr.rel @p1 .LBB2_6-.Ltmp3, $4  }
0x97: {  	[sflag:s29] =	ssyncadd.s32 $0xFFFFC000  }
0x98: {  	[spmem:s1] =	stream.indirect.scatter.add.f32 [tilespmem:s25], [sflag:$0x2], $0x80, s28, s28, $0xb8;
	[tilespmem:$0x18100] =	vst v63  }
0x99: {  	_ =	swait.ge [sflag:s26], $0x4000  }
0x9a: {  	s0 =	smov.u32 s5;
	[sflag:s26] =	ssyncset.done $0x0  }
.Ltmp4:
0x9b: {  	_ = 	snop;
	(pc) =	sbr.rel .LBB2_7-.Ltmp4, $1  }
0x9c: {  	_ =	sdelay $0x3  }
.LBB2_2:
0x9d: {  	[tilespmem:s25], [sflag:$0x2] =	stream.linear.gather [hbm4b:s9+s0], $0x4000, $0x38;
	[tilespmem:$0x18100] =	vst v63  }
0x9e: {  	_ =	swait.ge [sflag:s26], $0x4000  }
0x9f: {  	[sflag:s26] =	ssyncset.done $0x0  }
0xa0: {  	[sflag:s26] =	ssyncadd.s32 $0xFFFFC000  }
0xa1: {  	[spmem:s11] =	stream.linear.scatter [tilespmem:s25], [sflag:$0x2], $0x4000, $0x38;
	[tilespmem:$0x18100] =	vst v63  }
0xa2: {  	_ =	swait.ge [sflag:s26], $0x4000  }
0xa3: {  	[sflag:s26] =	ssyncset.done $0x0  }
0xa4: {  	[sflag:s26] =	ssyncadd.s32 $0xFFFFC000  }
0xa5: {  	[tilespmem:s25], [sflag:$0x2] =	stream.linear.gather [hbm4b:s12+s0], $0x4000, $0x38;
	[tilespmem:$0x18100] =	vst v63  }
0xa6: {  	_ =	swait.ge [sflag:s26], $0x4000  }
0xa7: {  	[sflag:s26] =	ssyncset.done $0x0  }
0xa8: {  	[sflag:s26] =	ssyncadd.s32 $0xFFFFC000  }
0xa9: {  	[spmem:s13] =	stream.linear.scatter [tilespmem:s25], [sflag:$0x2], $0x4000, $0x38;
	[tilespmem:$0x18100] =	vst v63  }
0xaa: {  	_ =	swait.ge [sflag:s26], $0x4000  }
0xab: {  	[sflag:s26] =	ssyncset.done $0x0  }
0xac: {  	[sflag:s26] =	ssyncadd.s32 $0xFFFFC000  }
0xad: {  	[tilespmem:s25], [sflag:$0x2] =	stream.linear.gather [hbm4b:s16+s0], $0x4000, $0x38;
	[tilespmem:$0x18100] =	vst v63  }
0xae: {  	_ =	swait.ge [sflag:s26], $0x4000  }
0xaf: {  	[sflag:s26] =	ssyncset.done $0x0  }
0xb0: {  	[sflag:s26] =	ssyncadd.s32 $0xFFFFC000  }
0xb1: {  	[spmem:s17] =	stream.linear.scatter [tilespmem:s25], [sflag:$0x2], $0x4000, $0x38;
	[tilespmem:$0x18100] =	vst v63  }
0xb2: {  	_ =	swait.ge [sflag:s26], $0x4000  }
0xb3: {  	[sflag:s26] =	ssyncset.done $0x0  }
0xb4: {  	[sflag:s26] =	ssyncadd.s32 $0xFFFFC000  }
0xb5: {  	[tilespmem:s25], [sflag:$0x2] =	stream.linear.gather [hbm4b:s18+s0], $0x4000, $0x38;
	[tilespmem:$0x18100] =	vst v63  }
0xb6: {  	_ =	swait.ge [sflag:s26], $0x4000  }
0xb7: {  	[sflag:s26] =	ssyncset.done $0x0  }
0xb8: {  	[sflag:s26] =	ssyncadd.s32 $0xFFFFC000  }
0xb9: {  	[spmem:s19] =	stream.linear.scatter [tilespmem:s25], [sflag:$0x2], $0x4000, $0x38;
	[tilespmem:$0x18100] =	vst v63  }
0xba: {  	_ =	swait.ge [sflag:s26], $0x4000  }
0xbb: {  	[sflag:s26] =	ssyncset.done $0x0  }
0xbc: {  	[sflag:s26] =	ssyncadd.s32 $0xFFFFC000  }
0xbd: {  	[tilespmem:s25], [sflag:$0x2] =	stream.linear.gather [hbm4b:s21+s0], $0x4000, $0x38;
	[tilespmem:$0x18100] =	vst v63  }
0xbe: {  	_ =	swait.ge [sflag:s26], $0x4000  }
0xbf: {  	[sflag:s26] =	ssyncset.done $0x0  }
0xc0: {  	[sflag:s26] =	ssyncadd.s32 $0xFFFFC000  }
0xc1: {  	[spmem:s22] =	stream.linear.scatter [tilespmem:s25], [sflag:$0x2], $0x4000, $0x38;
	[tilespmem:$0x18100] =	vst v63  }
0xc2: {  	_ =	swait.ge [sflag:s26], $0x4000  }
0xc3: {  	[sflag:s26] =	ssyncset.done $0x0  }
0xc4: {  	[sflag:s26] =	ssyncadd.s32 $0xFFFFC000  }
0xc5: {  	s5 =	sadd.s32 $0x0, s23;
	[bflag:$0x0] =	sbarrier.arrive $0xFFFF  }
0xc6: {  	[tilespmem:s3], [sflag:$0x2] =	stream.linear.gather [hbm4b:s5+s3], $0x80, $0x38;
	[tilespmem:$0x18100] =	vst v63  }
0xc7: {  	_ =	swait.ge [sflag:s26], $0x80  }
0xc8: {  	[sflag:s26] =	ssyncset.done $0x0  }
0xc9: {  	s0 =	sadd.s32 $0x9E00, s5;
	[sflag:s26] =	ssyncadd.s32 $0xFFFFFF80  }
0xca: {  	[tilespmem:s28], [sflag:$0x2] =	stream.linear.gather [hbm4b:s0+s3], $0x80, $0x38;
	[tilespmem:$0x18100] =	vst v63  }
0xcb: {  	_ =	swait.ge [sflag:s26], $0x80  }
0xcc: {  	[sflag:s26] =	ssyncset.done $0x0  }
0xcd: {  	[sflag:s26] =	ssyncadd.s32 $0xFFFFFF80  }
0xce: {  	[tilespmem:s25], [sflag:$0x1] =	stream.indirect.gather [hbm4b:s4+s28], $0x80, s3, s28, $0xb8;
	[tilespmem:$0x18100] =	vst v63  }
0xcf: {  	_ =	swait.ge [sflag:s29], $0x4000  }
0xd0: {  	[sflag:s29] =	ssyncset.done $0x0  }
0xd1: {  	[sflag:s29] =	ssyncadd.s32 $0xFFFFC000  }
0xd2: {  	[spmem:s1] =	stream.indirect.scatter.add.f32 [tilespmem:s25], [sflag:$0x2], $0x80, s28, s28, $0xb8;
	[tilespmem:$0x18100] =	vst v63  }
0xd3: {  	_ =	swait.ge [sflag:s26], $0x4000  }
0xd4: {  	s31 =	simm.s32 $0x10;
	s0 =	simm.s32 $0x20;
	[sflag:s26] =	ssyncset.done $0x0  }
.LBB2_3:
0xd5: {  	s2 =	sadd.s32 s31, s23  }
0xd6: {  	[sflag:s26] =	ssyncadd.s32 $0xFFFFC000;
	s31 =	smov.u32 s0;
	s5 =	sadd.s32 $0x10, s0  }
0xd7: {  	[tilespmem:s3], [sflag:$0x2] =	stream.linear.gather [hbm4b:s2+s3], $0x80, $0x38;
	[tilespmem:$0x18100] =	vst v63  }
0xd8: {  	p1 =	seq.s32 s0, $0x9D0;
	_ =	swait.ge [sflag:s26], $0x80  }
0xd9: {  	[sflag:s26] =	ssyncset.done $0x0  }
0xda: {  	s0 =	sadd.s32 $0x9E00, s2;
	[sflag:s26] =	ssyncadd.s32 $0xFFFFFF80  }
0xdb: {  	[tilespmem:s28], [sflag:$0x2] =	stream.linear.gather [hbm4b:s0+s3], $0x80, $0x38;
	[tilespmem:$0x18100] =	vst v63  }
0xdc: {  	_ =	swait.ge [sflag:s26], $0x80  }
0xdd: {  	[sflag:s26] =	ssyncset.done $0x0  }
0xde: {  	[sflag:s26] =	ssyncadd.s32 $0xFFFFFF80  }
0xdf: {  	[tilespmem:s25], [sflag:$0x1] =	stream.indirect.gather [hbm4b:s4+s28], $0x80, s3, s28, $0xb8;
	[tilespmem:$0x18100] =	vst v63  }
0xe0: {  	_ =	swait.ge [sflag:s29], $0x4000  }
.Ltmp5:
0xe1: {  	[sflag:s29] =	ssyncset.done $0x0;
	(pc) =	sbr.rel @!p1 .LBB2_3-.Ltmp5, $4  }
0xe2: {  	[sflag:s29] =	ssyncadd.s32 $0xFFFFC000  }
0xe3: {  	[spmem:s1] =	stream.indirect.scatter.add.f32 [tilespmem:s25], [sflag:$0x2], $0x80, s28, s28, $0xb8;
	[tilespmem:$0x18100] =	vst v63  }
0xe4: {  	_ =	swait.ge [sflag:s26], $0x4000  }
0xe5: {  	s0 =	smov.u32 s5;
	[sflag:s26] =	ssyncset.done $0x0  }
0xe6: {  	s0 =	sadd.s32 s31, s23;
	[sflag:s26] =	ssyncadd.s32 $0xFFFFC000  }
0xe7: {  	[tilespmem:s3], [sflag:$0x2] =	stream.linear.gather [hbm4b:s0+s3], $0x80, $0x38;
	[tilespmem:$0x18100] =	vst v63  }
0xe8: {  	_ =	swait.ge [sflag:s26], $0x80  }
0xe9: {  	[sflag:s26] =	ssyncset.done $0x0  }
0xea: {  	s0 =	sadd.s32 $0x9E00, s0;
	[sflag:s26] =	ssyncadd.s32 $0xFFFFFF80  }
0xeb: {  	[tilespmem:s28], [sflag:$0x2] =	stream.linear.gather [hbm4b:s0+s3], $0x80, $0x38;
	[tilespmem:$0x18100] =	vst v63  }
0xec: {  	_ =	swait.ge [sflag:s26], $0x80  }
0xed: {  	[sflag:s26] =	ssyncset.done $0x0  }
0xee: {  	[sflag:s26] =	ssyncadd.s32 $0xFFFFFF80  }
0xef: {  	[tilespmem:s25], [sflag:$0x1] =	stream.indirect.gather [hbm4b:s4+s28], $0x80, s3, s28, $0xb8;
	[tilespmem:$0x18100] =	vst v63  }
0xf0: {  	_ =	swait.ge [sflag:s29], $0x4000  }
0xf1: {  	[sflag:s29] =	ssyncset.done $0x0  }
.Ltmp6:
0xf2: {  	[sflag:s29] =	ssyncadd.s32 $0xFFFFC000;
	(pc) =	sbr.rel .LBB2_8-.Ltmp6, $4  }
0xf3: {  	[spmem:s1] =	stream.indirect.scatter.add.f32 [tilespmem:s25], [sflag:$0x2], $0x80, s28, s28, $0xb8;
	[tilespmem:$0x18100] =	vst v63  }
0xf4: {  	_ =	swait.ge [sflag:s26], $0x4000  }
0xf5: {  	[sflag:s26] =	ssyncset.done $0x0  }
0xf6: {  	s31 =	rddreg [dreg:$0x5];
	[sflag:s26] =	ssyncadd.s32 $0xFFFFC000  }
.LBB2_9:
0xf7: {  	_ =	sfence.sel $0x180000  }
0xf8: {  	[bflag:$0x0] =	sbarrier.arrive $0xFFFF  }
0xf9: {  	_ =	strace $0x90000047  }
0xfa: {  	s0 =	stileid.u32;
	[bflag:$0x2] =	sbarrier.arrive $0xFFFF  }
0xfb: {  	p0 =	sne.s32 s0, $0x0;
	s0 =	rddreg [dreg:$0x4]  }
0xfc: {  	s0 =	sadd.s32 @!p0 $0x100000, s0  }
0xfd: {  	[sflag:s0] =	ssyncadd.tile.s32 @!p0 $0x1;
	_ =	shalt  }
.Lfunc_end2:
_tile_overlayer_lowered:
.L_overlay_start_2:
0xfe: {  	(tag) =	ssettag $0x2  }
0xff: {  	s0 =	rddreg [dreg:$0x0];
	s2 =	stileid.u32  }
0x100: {  	s1 =	rddreg [dreg:$0x1];
	p0 =	sne.s32 s2, $0x0  }
0x101: {  	s3 =	rddreg [dreg:$0x2];
	[bflag:$0x3] =	sbarrier.arrive $0xFFFF;
	s2 =	simm.s32 @!p0 $0x1C02  }
0x102: {  	[timem:s3], [sflag:s2] =	dma.local @!p0 [hbm:s0], s1  }
0x103: {  	s0 =	simm.s32 @!p0 $0x2  }
0x104: {  	_ =	swait.ge @!p0 [sflag:s0], s1  }
0x105: {  	s1 =	ssub.s32 @!p0 $0x0, s1;
	[sflag:s0] =	ssyncset.done @!p0 $0x0  }
0x106: {  	[sflag:s0] =	ssyncadd.s32 @!p0 s1  }
0x107: {  	[bflag:$0x3] =	sbarrier.arrive $0xFFFF  }
0x108: {  	_ =	shalt  }

</sc_bundles>
